<compile_context>
chip_gen: v7x
topology: tpu7x:2x2x1
jax: 0.10.2.dev20260603
libtpu: 0.0.44.dev20260713+nightly
codegen_flags: <defaults>
</compile_context>

<pallas_src>
import functools
import math

import jax
import jax.numpy as jnp
from jax import lax
from jax.experimental import pallas as pl
from jax.experimental.pallas import tpu as pltpu
from jax.experimental.pallas import tpu_sc as plsc

H = 32
KVH = 8
D = 128
HID = 4096
PAGE = 16
TOPK = 64
THETA = 10000.0
G = H // KVH
HALF = D // 2
SCALE = 1.0 / math.sqrt(D)

HIGHEST = jax.lax.Precision.HIGHEST

RPB = 256
NQB = HID // RPB
NKB = KVH * D // RPB


def _proj_kernel(wq_ref, wk_ref, wv_ref, x_ref, cos_ref, sin_ref,
                 q_ref, k_ref, v_ref):
    i = pl.program_id(0)
    x = x_ref[...]
    cos = cos_ref[...]
    sin = sin_ref[...]

    def mv(w_ref):
        return jax.lax.dot_general(w_ref[...], x, (((1,), (0,)), ((), ())))

    def rope(v):
        segs = []
        for s in range(v.shape[0] // D):
            seg = v[s * D:(s + 1) * D, :]
            x1 = seg[:HALF, :]
            x2 = seg[HALF:, :]
            segs.append(jnp.concatenate(
                [x1 * cos - x2 * sin, x2 * cos + x1 * sin], axis=0))
        return jnp.concatenate(segs, axis=0)

    @pl.when(i < NQB)
    def _():
        q_ref[...] = rope(mv(wq_ref))

    @pl.when(jnp.logical_and(i >= NQB, i < NQB + NKB))
    def _():
        k_ref[...] = rope(mv(wk_ref))

    @pl.when(i >= NQB + NKB)
    def _():
        v_ref[...] = mv(wv_ref)


def _proj(Wq, Wk, Wv, x2d, cos, sin):
    return pl.pallas_call(
        _proj_kernel,
        grid=(NQB + 2 * NKB,),
        in_specs=[
            pl.BlockSpec((RPB, HID), lambda i: (jnp.minimum(i, NQB - 1), 0)),
            pl.BlockSpec((RPB, HID),
                         lambda i: (jnp.clip(i - NQB, 0, NKB - 1), 0)),
            pl.BlockSpec((RPB, HID),
                         lambda i: (jnp.clip(i - NQB - NKB, 0, NKB - 1), 0)),
            pl.BlockSpec((HID, 1), lambda i: (0, 0)),
            pl.BlockSpec((HALF, 1), lambda i: (0, 0)),
            pl.BlockSpec((HALF, 1), lambda i: (0, 0)),
        ],
        out_specs=[
            pl.BlockSpec((RPB, 1), lambda i: (jnp.minimum(i, NQB - 1), 0)),
            pl.BlockSpec((RPB, 1),
                         lambda i: (jnp.clip(i - NQB, 0, NKB - 1), 0)),
            pl.BlockSpec((RPB, 1),
                         lambda i: (jnp.clip(i - NQB - NKB, 0, NKB - 1), 0)),
        ],
        out_shape=[
            jax.ShapeDtypeStruct((HID, 1), jnp.float32),
            jax.ShapeDtypeStruct((KVH * D, 1), jnp.float32),
            jax.ShapeDtypeStruct((KVH * D, 1), jnp.float32),
        ],
    )(Wq, Wk, Wv, x2d, cos, sin)


def _select_kernel(k_ref, lastk_ref, q_ref, idx_ref, rows_ref, pmn_s, pmx_s,
                   *, pages_per_block, num_blocks, num_pages, table_rows):
    i = pl.program_id(0)
    kb = k_ref[...].reshape(pages_per_block, PAGE, KVH, D)
    pmn = kb
    pmx = kb
    for w in (8, 4, 2, 1):
        pmn = jnp.minimum(pmn[:, :w, :, :], pmn[:, w:2 * w, :, :])
        pmx = jnp.maximum(pmx[:, :w, :, :], pmx[:, w:2 * w, :, :])
    pmn_s[pl.ds(i * pages_per_block, pages_per_block)] = pmn[:, 0, :, :]
    pmx_s[pl.ds(i * pages_per_block, pages_per_block)] = pmx[:, 0, :, :]

    @pl.when(i == num_blocks - 1)
    def _():
        pmn_s[pl.ds(num_pages - 1, 1)] = lastk_ref[...].min(axis=0,
                                                            keepdims=True)
        pmx_s[pl.ds(num_pages - 1, 1)] = lastk_ref[...].max(axis=0,
                                                            keepdims=True)
        q = q_ref[...]
        qpos = jnp.maximum(q, 0.0)
        qneg = jnp.minimum(q, 0.0)
        ests = []
        for kvh in range(KVH):
            pmnk = pmn_s[:, kvh, :]
            pmxk = pmx_s[:, kvh, :]
            qp = qpos[kvh * G:(kvh + 1) * G, :]
            qn = qneg[kvh * G:(kvh + 1) * G, :]
            e = (jax.lax.dot_general(qp, pmxk, (((1,), (1,)), ((), ())),
                                     precision=HIGHEST)
                 + jax.lax.dot_general(qn, pmnk, (((1,), (1,)), ((), ())),
                                       precision=HIGHEST))
            ests.append(e)
        sc = jnp.concatenate(ests, axis=0)
        col = jax.lax.broadcasted_iota(jnp.int32, (H, num_pages), 1)
        cols = []
        for _ in range(TOPK):
            m = jnp.max(sc, axis=1, keepdims=True)
            idx = jnp.min(jnp.where(sc == m, col, num_pages), axis=1,
                          keepdims=True)
            cols.append(idx)
            sc = jnp.where(col == idx, -jnp.inf, sc)
        idx_ref[...] = jnp.concatenate(cols, axis=1).astype(jnp.int32)
        kvh_col = (jax.lax.broadcasted_iota(jnp.int32, (H, 1), 0) // G)
        rshift = jax.lax.broadcasted_iota(jnp.int32, (1, PAGE), 1) * KVH
        for j in range(TOPK // 8):
            parts = [cols[8 * j + u] * (PAGE * KVH) + kvh_col + rshift
                     for u in range(8)]
            rows_ref[:, j, :] = jnp.minimum(
                jnp.concatenate(parts, axis=1), table_rows - 1)


ROWS_PER_HEAD = TOPK * PAGE
HALF_PAGES = TOPK // 2


GCHUNK = 2 * TOPK
NCHUNK = ROWS_PER_HEAD // GCHUNK


def _sc_gather_kernel(k_hbm, v_hbm, rows_hbm, kg_hbm, vg_hbm,
                      rows_v, kbuf, vbuf, sem, wsem, *, table_rows):
    h = lax.axis_index("s") * 2 + lax.axis_index("c")
    k_hbm = k_hbm.reshape(table_rows, D)
    v_hbm = v_hbm.reshape(table_rows, D)
    pltpu.sync_copy(rows_hbm.at[h], rows_v)
    wwaits = []
    for bi in range(4):
        if bi > 0:
            for w in wwaits:
                w.wait()
            wwaits = []
        gwaits = []
        for c in range(2):
            j = bi * 2 + c
            gwaits.append(pltpu.async_copy(
                k_hbm.at[rows_v.at[j]], kbuf.at[pl.ds(c * GCHUNK, GCHUNK)],
                sem))
            gwaits.append(pltpu.async_copy(
                v_hbm.at[rows_v.at[j]], vbuf.at[pl.ds(c * GCHUNK, GCHUNK)],
                sem))
        for w in gwaits:
            w.wait()
        base = h * ROWS_PER_HEAD + bi * 2 * GCHUNK
        wwaits.append(pltpu.async_copy(
            kbuf, kg_hbm.at[pl.ds(base, 2 * GCHUNK)], wsem))
        wwaits.append(pltpu.async_copy(
            vbuf, vg_hbm.at[pl.ds(base, 2 * GCHUNK)], wsem))
    for w in wwaits:
        w.wait()


def _sc_gather(k3, v3, page_idx):
    table_rows = k3.shape[0] * KVH
    mesh = plsc.VectorSubcoreMesh(core_axis_name="c", subcore_axis_name="s")
    f = functools.partial(
        pl.kernel,
        mesh=mesh,
        out_type=[
            jax.ShapeDtypeStruct((H * ROWS_PER_HEAD, D), jnp.float32),
            jax.ShapeDtypeStruct((H * ROWS_PER_HEAD, D), jnp.float32),
        ],
        scratch_types=[
            pltpu.VMEM((NCHUNK, GCHUNK), jnp.int32),
            pltpu.VMEM((2 * GCHUNK, D), jnp.float32),
            pltpu.VMEM((2 * GCHUNK, D), jnp.float32),
            pltpu.SemaphoreType.DMA,
            pltpu.SemaphoreType.DMA,
        ],
    )(functools.partial(_sc_gather_kernel, table_rows=table_rows))
    return f(k3, v3, page_idx)


NOB = HID // RPB


def _attn_o_kernel(idx_ref, kg_ref, vg_ref, q_ref, knew_ref, vnewt_ref,
                   idxv_ref, wo_ref, y_ref, attn_s, *, num_pages):
    i = pl.program_id(0)

    @pl.when(i < H)
    def _():
        h = i
        q = q_ref[...].reshape(1, D)
        K = kg_ref[...]
        V = vg_ref[...]
        knew = knew_ref[...].reshape(1, D)
        vnew_col = vnewt_ref[...].reshape(D, 1)
        iv = idxv_ref[...].reshape(1, TOPK)
        isb = iv == num_pages - 1
        tcol = jax.lax.broadcasted_iota(jnp.int32, (1, TOPK), 1)
        bad_slot = jnp.min(jnp.where(isb, tcol, TOPK))
        bad_pos = bad_slot * PAGE + PAGE - 1
        col = jax.lax.broadcasted_iota(jnp.int32, (1, ROWS_PER_HEAD), 1)
        mask = col == bad_pos
        logits = jax.lax.dot_general(
            q, K, (((1,), (1,)), ((), ()))
        ) * SCALE
        lognew = jnp.sum(q * knew) * SCALE
        logits = jnp.where(mask, lognew, logits)
        m = jnp.max(logits)
        p = jnp.exp(logits - m)
        s = jnp.sum(p)
        p_good = jnp.where(mask, 0.0, p)
        p_bad = jnp.sum(jnp.where(mask, p, 0.0))
        o_col = jax.lax.dot_general(
            V, p_good, (((0,), (1,)), ((), ()))
        )
        attn_s[pl.ds(h * D, D)] = (o_col + p_bad * vnew_col) / s

    @pl.when(i >= H)
    def _():
        y_ref[...] = jax.lax.dot_general(
            wo_ref[...], attn_s[...], (((1,), (0,)), ((), ())))


def _attn_o(page_idx, kg, vg, q3, knew3, vnewt, Wo, num_pages):
    grid_spec = pltpu.PrefetchScalarGridSpec(
        num_scalar_prefetch=1,
        grid=(H + NOB,),
        in_specs=[
            pl.BlockSpec((ROWS_PER_HEAD, D),
                         lambda i, idx_ref: (jnp.minimum(i, H - 1), 0)),
            pl.BlockSpec((ROWS_PER_HEAD, D),
                         lambda i, idx_ref: (jnp.minimum(i, H - 1), 0)),
            pl.BlockSpec((1, 1, D),
                         lambda i, idx_ref: (jnp.minimum(i, H - 1), 0, 0)),
            pl.BlockSpec((1, 1, D),
                         lambda i, idx_ref: (jnp.minimum(i, H - 1) // G, 0, 0)),
            pl.BlockSpec((1, D, 1),
                         lambda i, idx_ref: (jnp.minimum(i, H - 1) // G, 0, 0)),
            pl.BlockSpec((1, 1, TOPK),
                         lambda i, idx_ref: (jnp.minimum(i, H - 1), 0, 0)),
            pl.BlockSpec((RPB, HID),
                         lambda i, idx_ref: (jnp.clip(i - H, 0, NOB - 1), 0)),
        ],
        out_specs=pl.BlockSpec((RPB, 1),
                               lambda i, idx_ref: (jnp.clip(i - H, 0,
                                                            NOB - 1), 0)),
        scratch_shapes=[pltpu.VMEM((HID, 1), jnp.float32)],
    )
    return pl.pallas_call(
        functools.partial(_attn_o_kernel, num_pages=num_pages),
        grid_spec=grid_spec,
        out_shape=jax.ShapeDtypeStruct((HID, 1), jnp.float32),
        compiler_params=pltpu.CompilerParams(
            dimension_semantics=("arbitrary",)),
    )(page_idx, kg, vg, q3, knew3, vnewt,
      page_idx.reshape(H, 1, TOPK), Wo)


def kernel(hidden_states, k_cache, v_cache, Wq, Wk, Wv, Wo):
    past = k_cache.shape[0]
    seq = past + 1
    num_pages = seq // PAGE
    pos = float(past)

    x2d = hidden_states.reshape(HID, 1)
    inv_freq = 1.0 / (THETA ** (jnp.arange(HALF, dtype=jnp.float32) * 2.0 / D))
    ang = pos * inv_freq
    cos = jnp.cos(ang).reshape(HALF, 1)
    sin = jnp.sin(ang).reshape(HALF, 1)

    qc, kc, vc = _proj(Wq, Wk, Wv, x2d, cos, sin)
    q = qc.reshape(H, D)
    k_new = kc.reshape(KVH, D)
    v_new = vc.reshape(KVH, D)

    tail = (num_pages - 1) * PAGE
    lastk = jnp.concatenate([k_cache[tail:], k_new[None]], axis=0)

    pages_per_block = 64
    num_blocks = num_pages // pages_per_block
    rows_per_block = pages_per_block * PAGE
    page_idx, gather_rows = pl.pallas_call(
        functools.partial(_select_kernel, pages_per_block=pages_per_block,
                          num_blocks=num_blocks, num_pages=num_pages,
                          table_rows=past * KVH),
        grid=(num_blocks,),
        in_specs=[
            pl.BlockSpec((rows_per_block, KVH, D), lambda i: (i, 0, 0)),
            pl.BlockSpec((PAGE, KVH, D), lambda i: (0, 0, 0)),
            pl.BlockSpec((H, D), lambda i: (0, 0)),
        ],
        out_specs=[
            pl.BlockSpec((H, TOPK), lambda i: (0, 0)),
            pl.BlockSpec((H, TOPK // 8, 2 * TOPK), lambda i: (0, 0, 0)),
        ],
        out_shape=[
            jax.ShapeDtypeStruct((H, TOPK), jnp.int32),
            jax.ShapeDtypeStruct((H, TOPK // 8, 2 * TOPK), jnp.int32),
        ],
        scratch_shapes=[
            pltpu.VMEM((num_pages, KVH, D), jnp.float32),
            pltpu.VMEM((num_pages, KVH, D), jnp.float32),
        ],
        compiler_params=pltpu.CompilerParams(
            dimension_semantics=("arbitrary",)),
    )(k_cache, lastk, q)

    kg, vg = _sc_gather(k_cache, v_cache, gather_rows)
    q3 = q.reshape(H, 1, D)
    knew3 = k_new.reshape(KVH, 1, D)
    vnewt = v_new.reshape(KVH, D, 1)

    y = _attn_o(page_idx, kg, vg, q3, knew3, vnewt, Wo, num_pages)
    return y.reshape(1, 1, HID)

# --- scband reference (transcript-rebuilt; emitter-appended) ---
"""Pipeline reference for scband-quest-attention-77979426226494 (READ-ONLY COPY).

The authoritative reference and input builder live on the scoring server;
editing this copy changes nothing except your own understanding.
"""

import jax, jax.numpy as jnp
import numpy as np

H = 32
KVH = 8
D = 128
HID = 4096
PAGE = 16
TOPK_PAGES = 64
THETA = 10000.0


def _rope(x, pos):
    half = D // 2
    inv_freq = 1.0 / (THETA ** (jnp.arange(half, dtype=jnp.float32) * 2.0 / D))
    ang = pos * inv_freq
    cos = jnp.cos(ang)
    sin = jnp.sin(ang)
    x1 = x[..., :half]
    x2 = x[..., half:]
    return jnp.concatenate([x1 * cos - x2 * sin, x2 * cos + x1 * sin], axis=-1)


def setup_inputs(seed: int = 0):
    key = jax.random.key(seed)
    ks = jax.random.split(key, 8)
    past = 8191
    return {
        "hidden_states": jax.random.normal(ks[0], (1, 1, HID), dtype=jnp.float32),
        "k_cache": jax.random.normal(ks[1], (past, KVH, D), dtype=jnp.float32),
        "v_cache": jax.random.normal(ks[2], (past, KVH, D), dtype=jnp.float32),
        "Wq": jax.random.normal(ks[3], (H * D, HID), dtype=jnp.float32) * 0.02,
        "Wk": jax.random.normal(ks[4], (KVH * D, HID), dtype=jnp.float32) * 0.02,
        "Wv": jax.random.normal(ks[5], (KVH * D, HID), dtype=jnp.float32) * 0.02,
        "Wo": jax.random.normal(ks[6], (HID, H * D), dtype=jnp.float32) * 0.02,
    }


def reference(hidden_states, k_cache, v_cache, Wq, Wk, Wv, Wo):
    # Quest decode step (q_len == 1): qkv proj -> RoPE -> append kv ->
    # page min/max estimate -> top-k pages -> sparse attention over pages -> o_proj
    x = hidden_states.reshape(HID)
    q = (Wq @ x).reshape(H, D)
    k_new = (Wk @ x).reshape(KVH, D)
    v_new = (Wv @ x).reshape(KVH, D)
    pos = float(k_cache.shape[0])
    q = _rope(q, pos)
    k_new = _rope(k_new, pos)
    K = jnp.concatenate([k_cache, k_new[None, :, :]], axis=0)  # [S, KVH, D]
    V = jnp.concatenate([v_cache, v_new[None, :, :]], axis=0)
    S = K.shape[0]
    P = S // PAGE
    Kp = K.reshape(P, PAGE, KVH, D)
    Vp = V.reshape(P, PAGE, KVH, D)
    # Quest page metadata: elementwise min/max of keys per page
    pmin = Kp.min(axis=1)  # [P, KVH, D]
    pmax = Kp.max(axis=1)
    G = H // KVH
    qh = q.reshape(KVH, G, D)
    # estimated upper-bound attention score per page per query head
    est = jnp.maximum(pmin[:, :, None, :] * qh[None, :, :, :],
                      pmax[:, :, None, :] * qh[None, :, :, :]).sum(axis=-1)  # [P, KVH, G]
    scores_t = jnp.transpose(est, (1, 2, 0))  # [KVH, G, P]
    _, page_idx = jax.lax.top_k(scores_t, TOPK_PAGES)  # [KVH, G, T]
    Kh = jnp.transpose(Kp, (2, 0, 1, 3))  # [KVH, P, PAGE, D]
    Vh = jnp.transpose(Vp, (2, 0, 1, 3))
    kv_head_ids = jnp.arange(KVH)[:, None, None]
    Ksel = Kh[kv_head_ids, page_idx]  # [KVH, G, T, PAGE, D]
    Vsel = Vh[kv_head_ids, page_idx]
    logits = jnp.einsum('kgd,kgtpd->kgtp', qh, Ksel) / jnp.sqrt(jnp.float32(D))
    logits_flat = logits.reshape(KVH, G, TOPK_PAGES * PAGE)
    probs = jax.nn.softmax(logits_flat, axis=-1)
    Vflat = Vsel.reshape(KVH, G, TOPK_PAGES * PAGE, D)
    out = jnp.einsum('kgn,kgnd->kgd', probs, Vflat)  # [KVH, G, D]
    attn = out.reshape(H * D)
    y = (Wo @ attn).reshape(1, 1, HID)
    return y

if __name__ == "__main__":
    import jax
    _d = setup_inputs()
    print(jax.jit(kernel)(*tuple(_d.values())))

</pallas_src>

<mosaic_0001>
#map = affine_map<(d0, d1) -> (0, 0, 0)>
#map1 = affine_map<(d0, d1) -> (0, 0)>
module attributes {stable_mosaic.version = 14 : i64} {
  func.func @_sc_gather_kernel(%arg0: i32, %arg1: i32, %arg2: memref<8191x8x128xf32, #tpu.memory_space<hbm>>, %arg3: memref<8191x8x128xf32, #tpu.memory_space<hbm>>, %arg4: memref<32x8x128xi32, #tpu.memory_space<hbm>>, %arg5: memref<32768x128xf32, #tpu.memory_space<hbm>>, %arg6: memref<32768x128xf32, #tpu.memory_space<hbm>>, %arg7: memref<8x128xi32, #tpu.memory_space<vmem>>, %arg8: memref<256x128xf32, #tpu.memory_space<vmem>>, %arg9: memref<256x128xf32, #tpu.memory_space<vmem>>, %arg10: memref<!tpu.dma_semaphore, #tpu.memory_space<semaphore_mem>>, %arg11: memref<!tpu.dma_semaphore, #tpu.memory_space<semaphore_mem>>) attributes {dimension_semantics = [#tpu.dimension_semantics<core_parallel>, #tpu.dimension_semantics<subcore_parallel>], iteration_bounds = array<i64: 2, 16>, scalar_prefetch = 0 : i64, scratch_operands = 5 : i64, tpu.core_type = #tpu.core_type<sc_vector_subcore>, window_params = [{transform_indices = #map}, {transform_indices = #map}, {transform_indices = #map}, {transform_indices = #map1}, {transform_indices = #map1}]} {
    %mul3A = arith.constant 2 : i32
    %mul3A_0 = arith.muli %arg1, %mul3A : i32
    %add3A = arith.addi %mul3A_0, %arg0 : i32
    "tpu.region"() ({
      %run_scoped3A = tpu.sem_alloc : memref<!tpu.dma_semaphore, #tpu.memory_space<semaphore_mem>>
      %dma_start3A_431 = arith.constant 0 : i32
      %dma_start3A_432 = arith.constant 0 : i32
      %dma_start3A_433 = tpu.memref_slice %arg4[%add3A, %dma_start3A_431, %dma_start3A_432] : memref<32x8x128xi32, #tpu.memory_space<hbm>> -> memref<1x8x128xi32, #tpu.memory_space<hbm>>
      %dma_start3A_434 = tpu.memref_squeeze %dma_start3A_433 : memref<1x8x128xi32, #tpu.memory_space<hbm>> -> memref<8x128xi32, #tpu.memory_space<hbm>>
      %dma_start3A_435 = arith.constant 0 : i32
      %dma_start3A_436 = arith.constant 0 : i32
      %dma_start3A_437 = tpu.memref_slice %arg4[%add3A, %dma_start3A_435, %dma_start3A_436] : memref<32x8x128xi32, #tpu.memory_space<hbm>> -> memref<1x8x128xi32, #tpu.memory_space<hbm>>
      %dma_start3A_438 = tpu.memref_squeeze %dma_start3A_437 : memref<1x8x128xi32, #tpu.memory_space<hbm>> -> memref<8x128xi32, #tpu.memory_space<hbm>>
      tpu.enqueue_dma source(%dma_start3A_438 : memref<8x128xi32, #tpu.memory_space<hbm>>) target(%arg7 : memref<8x128xi32, #tpu.memory_space<vmem>>) target_semaphore(%run_scoped3A : memref<!tpu.dma_semaphore, #tpu.memory_space<semaphore_mem>>)
      %dma_wait3A_439 = arith.constant 0 : i32
      %dma_wait3A_440 = arith.constant 0 : i32
      %dma_wait3A_441 = tpu.memref_slice %arg4[%add3A, %dma_wait3A_439, %dma_wait3A_440] : memref<32x8x128xi32, #tpu.memory_space<hbm>> -> memref<1x8x128xi32, #tpu.memory_space<hbm>>
      %dma_wait3A_442 = tpu.memref_squeeze %dma_wait3A_441 : memref<1x8x128xi32, #tpu.memory_space<hbm>> -> memref<8x128xi32, #tpu.memory_space<hbm>>
      %dma_wait3A_443 = arith.constant 0 : i32
      %dma_wait3A_444 = arith.constant 0 : i32
      %dma_wait3A_445 = tpu.memref_slice %arg4[%add3A, %dma_wait3A_443, %dma_wait3A_444] : memref<32x8x128xi32, #tpu.memory_space<hbm>> -> memref<1x8x128xi32, #tpu.memory_space<hbm>>
      %dma_wait3A_446 = tpu.memref_squeeze %dma_wait3A_445 : memref<1x8x128xi32, #tpu.memory_space<hbm>> -> memref<8x128xi32, #tpu.memory_space<hbm>>
      tpu.wait_dma2 semaphore(%run_scoped3A : memref<!tpu.dma_semaphore, #tpu.memory_space<semaphore_mem>>) src(%dma_wait3A_446 : memref<8x128xi32, #tpu.memory_space<hbm>>) dst(%arg7 : memref<8x128xi32, #tpu.memory_space<vmem>>)
      tpu.yield
    }) : () -> ()
    %dma_start3A = arith.constant 0 : i32
    %dma_start3A_1 = arith.constant 0 : i32
    %dma_start3A_2 = arith.constant 0 : i32
    %dma_start3A_3 = tpu.memref_slice %arg8[%dma_start3A_1, %dma_start3A_2] : memref<256x128xf32, #tpu.memory_space<vmem>> -> memref<128x128xf32, #tpu.memory_space<vmem>>
    %dma_start3A_4 = arith.constant 0 : i32
    %dma_start3A_5 = tpu.memref_slice %arg7[%dma_start3A, %dma_start3A_4] : memref<8x128xi32, #tpu.memory_space<vmem>> -> memref<1x128xi32, #tpu.memory_space<vmem>>
    %dma_start3A_6 = tpu.memref_squeeze %dma_start3A_5 : memref<1x128xi32, #tpu.memory_space<vmem>> -> memref<128xi32, #tpu.memory_space<vmem>>
    %dma_start3A_7 = tpu.memref_reshape %arg2 : memref<8191x8x128xf32, #tpu.memory_space<hbm>> -> memref<65528x128xf32, #tpu.memory_space<hbm>>
    %dma_start3A_8 = arith.constant 0 : i32
    %dma_start3A_9 = arith.constant 0 : i32
    %dma_start3A_10 = tpu.memref_slice %dma_start3A_7[%dma_start3A_8, %dma_start3A_9] : memref<65528x128xf32, #tpu.memory_space<hbm>> -> memref<65528x128xf32, #tpu.memory_space<hbm>>
    tpu.enqueue_indirect_dma source(%dma_start3A_10 : memref<65528x128xf32, #tpu.memory_space<hbm>>) target(%dma_start3A_3 : memref<128x128xf32, #tpu.memory_space<vmem>>) offsets(%dma_start3A_6 : memref<128xi32, #tpu.memory_space<vmem>>) semaphore(%arg10 : memref<!tpu.dma_semaphore, #tpu.memory_space<semaphore_mem>>)
    %dma_start3A_11 = arith.constant 0 : i32
    %dma_start3A_12 = arith.constant 0 : i32
    %dma_start3A_13 = arith.constant 0 : i32
    %dma_start3A_14 = tpu.memref_slice %arg9[%dma_start3A_12, %dma_start3A_13] : memref<256x128xf32, #tpu.memory_space<vmem>> -> memref<128x128xf32, #tpu.memory_space<vmem>>
    %dma_start3A_15 = arith.constant 0 : i32
    %dma_start3A_16 = tpu.memref_slice %arg7[%dma_start3A_11, %dma_start3A_15] : memref<8x128xi32, #tpu.memory_space<vmem>> -> memref<1x128xi32, #tpu.memory_space<vmem>>
    %dma_start3A_17 = tpu.memref_squeeze %dma_start3A_16 : memref<1x128xi32, #tpu.memory_space<vmem>> -> memref<128xi32, #tpu.memory_space<vmem>>
    %dma_start3A_18 = tpu.memref_reshape %arg3 : memref<8191x8x128xf32, #tpu.memory_space<hbm>> -> memref<65528x128xf32, #tpu.memory_space<hbm>>
    %dma_start3A_19 = arith.constant 0 : i32
    %dma_start3A_20 = arith.constant 0 : i32
    %dma_start3A_21 = tpu.memref_slice %dma_start3A_18[%dma_start3A_19, %dma_start3A_20] : memref<65528x128xf32, #tpu.memory_space<hbm>> -> memref<65528x128xf32, #tpu.memory_space<hbm>>
    tpu.enqueue_indirect_dma source(%dma_start3A_21 : memref<65528x128xf32, #tpu.memory_space<hbm>>) target(%dma_start3A_14 : memref<128x128xf32, #tpu.memory_space<vmem>>) offsets(%dma_start3A_17 : memref<128xi32, #tpu.memory_space<vmem>>) semaphore(%arg10 : memref<!tpu.dma_semaphore, #tpu.memory_space<semaphore_mem>>)
    %dma_start3A_22 = arith.constant 1 : i32
    %dma_start3A_23 = arith.constant 128 : i32
    %dma_start3A_24 = arith.constant 0 : i32
    %dma_start3A_25 = tpu.memref_slice %arg8[%dma_start3A_23, %dma_start3A_24] : memref<256x128xf32, #tpu.memory_space<vmem>> -> memref<128x128xf32, #tpu.memory_space<vmem>>
    %dma_start3A_26 = arith.constant 0 : i32
    %dma_start3A_27 = tpu.memref_slice %arg7[%dma_start3A_22, %dma_start3A_26] : memref<8x128xi32, #tpu.memory_space<vmem>> -> memref<1x128xi32, #tpu.memory_space<vmem>>
    %dma_start3A_28 = tpu.memref_squeeze %dma_start3A_27 : memref<1x128xi32, #tpu.memory_space<vmem>> -> memref<128xi32, #tpu.memory_space<vmem>>
    %dma_start3A_29 = tpu.memref_reshape %arg2 : memref<8191x8x128xf32, #tpu.memory_space<hbm>> -> memref<65528x128xf32, #tpu.memory_space<hbm>>
    %dma_start3A_30 = arith.constant 0 : i32
    %dma_start3A_31 = arith.constant 0 : i32
    %dma_start3A_32 = tpu.memref_slice %dma_start3A_29[%dma_start3A_30, %dma_start3A_31] : memref<65528x128xf32, #tpu.memory_space<hbm>> -> memref<65528x128xf32, #tpu.memory_space<hbm>>
    tpu.enqueue_indirect_dma source(%dma_start3A_32 : memref<65528x128xf32, #tpu.memory_space<hbm>>) target(%dma_start3A_25 : memref<128x128xf32, #tpu.memory_space<vmem>>) offsets(%dma_start3A_28 : memref<128xi32, #tpu.memory_space<vmem>>) semaphore(%arg10 : memref<!tpu.dma_semaphore, #tpu.memory_space<semaphore_mem>>)
    %dma_start3A_33 = arith.constant 1 : i32
    %dma_start3A_34 = arith.constant 128 : i32
    %dma_start3A_35 = arith.constant 0 : i32
    %dma_start3A_36 = tpu.memref_slice %arg9[%dma_start3A_34, %dma_start3A_35] : memref<256x128xf32, #tpu.memory_space<vmem>> -> memref<128x128xf32, #tpu.memory_space<vmem>>
    %dma_start3A_37 = arith.constant 0 : i32
    %dma_start3A_38 = tpu.memref_slice %arg7[%dma_start3A_33, %dma_start3A_37] : memref<8x128xi32, #tpu.memory_space<vmem>> -> memref<1x128xi32, #tpu.memory_space<vmem>>
    %dma_start3A_39 = tpu.memref_squeeze %dma_start3A_38 : memref<1x128xi32, #tpu.memory_space<vmem>> -> memref<128xi32, #tpu.memory_space<vmem>>
    %dma_start3A_40 = tpu.memref_reshape %arg3 : memref<8191x8x128xf32, #tpu.memory_space<hbm>> -> memref<65528x128xf32, #tpu.memory_space<hbm>>
    %dma_start3A_41 = arith.constant 0 : i32
    %dma_start3A_42 = arith.constant 0 : i32
    %dma_start3A_43 = tpu.memref_slice %dma_start3A_40[%dma_start3A_41, %dma_start3A_42] : memref<65528x128xf32, #tpu.memory_space<hbm>> -> memref<65528x128xf32, #tpu.memory_space<hbm>>
    tpu.enqueue_indirect_dma source(%dma_start3A_43 : memref<65528x128xf32, #tpu.memory_space<hbm>>) target(%dma_start3A_36 : memref<128x128xf32, #tpu.memory_space<vmem>>) offsets(%dma_start3A_39 : memref<128xi32, #tpu.memory_space<vmem>>) semaphore(%arg10 : memref<!tpu.dma_semaphore, #tpu.memory_space<semaphore_mem>>)
    %dma_wait3A = arith.constant 0 : i32
    %dma_wait3A_44 = arith.constant 0 : i32
    %dma_wait3A_45 = arith.constant 0 : i32
    %dma_wait3A_46 = tpu.memref_slice %arg8[%dma_wait3A_44, %dma_wait3A_45] : memref<256x128xf32, #tpu.memory_space<vmem>> -> memref<128x128xf32, #tpu.memory_space<vmem>>
    %dma_wait3A_47 = arith.constant 0 : i32
    %dma_wait3A_48 = tpu.memref_slice %arg7[%dma_wait3A, %dma_wait3A_47] : memref<8x128xi32, #tpu.memory_space<vmem>> -> memref<1x128xi32, #tpu.memory_space<vmem>>
    %dma_wait3A_49 = tpu.memref_squeeze %dma_wait3A_48 : memref<1x128xi32, #tpu.memory_space<vmem>> -> memref<128xi32, #tpu.memory_space<vmem>>
    %dma_wait3A_50 = tpu.memref_reshape %arg2 : memref<8191x8x128xf32, #tpu.memory_space<hbm>> -> memref<65528x128xf32, #tpu.memory_space<hbm>>
    %dma_wait3A_51 = arith.constant 0 : i32
    %dma_wait3A_52 = arith.constant 0 : i32
    %dma_wait3A_53 = tpu.memref_slice %dma_wait3A_50[%dma_wait3A_51, %dma_wait3A_52] : memref<65528x128xf32, #tpu.memory_space<hbm>> -> memref<65528x128xf32, #tpu.memory_space<hbm>>
    tpu.wait_indirect_dma semaphore(%arg10 : memref<!tpu.dma_semaphore, #tpu.memory_space<semaphore_mem>>) src(%dma_wait3A_53 : memref<65528x128xf32, #tpu.memory_space<hbm>>) dst(%dma_wait3A_46 : memref<128x128xf32, #tpu.memory_space<vmem>>)
    %dma_wait3A_54 = arith.constant 0 : i32
    %dma_wait3A_55 = arith.constant 0 : i32
    %dma_wait3A_56 = arith.constant 0 : i32
    %dma_wait3A_57 = tpu.memref_slice %arg9[%dma_wait3A_55, %dma_wait3A_56] : memref<256x128xf32, #tpu.memory_space<vmem>> -> memref<128x128xf32, #tpu.memory_space<vmem>>
    %dma_wait3A_58 = arith.constant 0 : i32
    %dma_wait3A_59 = tpu.memref_slice %arg7[%dma_wait3A_54, %dma_wait3A_58] : memref<8x128xi32, #tpu.memory_space<vmem>> -> memref<1x128xi32, #tpu.memory_space<vmem>>
    %dma_wait3A_60 = tpu.memref_squeeze %dma_wait3A_59 : memref<1x128xi32, #tpu.memory_space<vmem>> -> memref<128xi32, #tpu.memory_space<vmem>>
    %dma_wait3A_61 = tpu.memref_reshape %arg3 : memref<8191x8x128xf32, #tpu.memory_space<hbm>> -> memref<65528x128xf32, #tpu.memory_space<hbm>>
    %dma_wait3A_62 = arith.constant 0 : i32
    %dma_wait3A_63 = arith.constant 0 : i32
    %dma_wait3A_64 = tpu.memref_slice %dma_wait3A_61[%dma_wait3A_62, %dma_wait3A_63] : memref<65528x128xf32, #tpu.memory_space<hbm>> -> memref<65528x128xf32, #tpu.memory_space<hbm>>
    tpu.wait_indirect_dma semaphore(%arg10 : memref<!tpu.dma_semaphore, #tpu.memory_space<semaphore_mem>>) src(%dma_wait3A_64 : memref<65528x128xf32, #tpu.memory_space<hbm>>) dst(%dma_wait3A_57 : memref<128x128xf32, #tpu.memory_space<vmem>>)
    %dma_wait3A_65 = arith.constant 1 : i32
    %dma_wait3A_66 = arith.constant 128 : i32
    %dma_wait3A_67 = arith.constant 0 : i32
    %dma_wait3A_68 = tpu.memref_slice %arg8[%dma_wait3A_66, %dma_wait3A_67] : memref<256x128xf32, #tpu.memory_space<vmem>> -> memref<128x128xf32, #tpu.memory_space<vmem>>
    %dma_wait3A_69 = arith.constant 0 : i32
    %dma_wait3A_70 = tpu.memref_slice %arg7[%dma_wait3A_65, %dma_wait3A_69] : memref<8x128xi32, #tpu.memory_space<vmem>> -> memref<1x128xi32, #tpu.memory_space<vmem>>
    %dma_wait3A_71 = tpu.memref_squeeze %dma_wait3A_70 : memref<1x128xi32, #tpu.memory_space<vmem>> -> memref<128xi32, #tpu.memory_space<vmem>>
    %dma_wait3A_72 = tpu.memref_reshape %arg2 : memref<8191x8x128xf32, #tpu.memory_space<hbm>> -> memref<65528x128xf32, #tpu.memory_space<hbm>>
    %dma_wait3A_73 = arith.constant 0 : i32
    %dma_wait3A_74 = arith.constant 0 : i32
    %dma_wait3A_75 = tpu.memref_slice %dma_wait3A_72[%dma_wait3A_73, %dma_wait3A_74] : memref<65528x128xf32, #tpu.memory_space<hbm>> -> memref<65528x128xf32, #tpu.memory_space<hbm>>
    tpu.wait_indirect_dma semaphore(%arg10 : memref<!tpu.dma_semaphore, #tpu.memory_space<semaphore_mem>>) src(%dma_wait3A_75 : memref<65528x128xf32, #tpu.memory_space<hbm>>) dst(%dma_wait3A_68 : memref<128x128xf32, #tpu.memory_space<vmem>>)
    %dma_wait3A_76 = arith.constant 1 : i32
    %dma_wait3A_77 = arith.constant 128 : i32
    %dma_wait3A_78 = arith.constant 0 : i32
    %dma_wait3A_79 = tpu.memref_slice %arg9[%dma_wait3A_77, %dma_wait3A_78] : memref<256x128xf32, #tpu.memory_space<vmem>> -> memref<128x128xf32, #tpu.memory_space<vmem>>
    %dma_wait3A_80 = arith.constant 0 : i32
    %dma_wait3A_81 = tpu.memref_slice %arg7[%dma_wait3A_76, %dma_wait3A_80] : memref<8x128xi32, #tpu.memory_space<vmem>> -> memref<1x128xi32, #tpu.memory_space<vmem>>
    %dma_wait3A_82 = tpu.memref_squeeze %dma_wait3A_81 : memref<1x128xi32, #tpu.memory_space<vmem>> -> memref<128xi32, #tpu.memory_space<vmem>>
    %dma_wait3A_83 = tpu.memref_reshape %arg3 : memref<8191x8x128xf32, #tpu.memory_space<hbm>> -> memref<65528x128xf32, #tpu.memory_space<hbm>>
    %dma_wait3A_84 = arith.constant 0 : i32
    %dma_wait3A_85 = arith.constant 0 : i32
    %dma_wait3A_86 = tpu.memref_slice %dma_wait3A_83[%dma_wait3A_84, %dma_wait3A_85] : memref<65528x128xf32, #tpu.memory_space<hbm>> -> memref<65528x128xf32, #tpu.memory_space<hbm>>
    tpu.wait_indirect_dma semaphore(%arg10 : memref<!tpu.dma_semaphore, #tpu.memory_space<semaphore_mem>>) src(%dma_wait3A_86 : memref<65528x128xf32, #tpu.memory_space<hbm>>) dst(%dma_wait3A_79 : memref<128x128xf32, #tpu.memory_space<vmem>>)
    %mul3A_87 = arith.constant 1024 : i32
    %mul3A_88 = arith.muli %add3A, %mul3A_87 : i32
    %add3A_89 = arith.constant 0 : i32
    %add3A_90 = arith.addi %mul3A_88, %add3A_89 : i32
    %dma_start3A_91 = arith.constant 0 : i32
    %dma_start3A_92 = tpu.memref_slice %arg5[%add3A_90, %dma_start3A_91] : memref<32768x128xf32, #tpu.memory_space<hbm>> -> memref<256x128xf32, #tpu.memory_space<hbm>>
    %dma_start3A_93 = arith.constant 0 : i32
    %dma_start3A_94 = tpu.memref_slice %arg5[%add3A_90, %dma_start3A_93] : memref<32768x128xf32, #tpu.memory_space<hbm>> -> memref<256x128xf32, #tpu.memory_space<hbm>>
    tpu.enqueue_dma source(%arg8 : memref<256x128xf32, #tpu.memory_space<vmem>>) target(%dma_start3A_94 : memref<256x128xf32, #tpu.memory_space<hbm>>) target_semaphore(%arg11 : memref<!tpu.dma_semaphore, #tpu.memory_space<semaphore_mem>>)
    %dma_start3A_95 = arith.constant 0 : i32
    %dma_start3A_96 = tpu.memref_slice %arg6[%add3A_90, %dma_start3A_95] : memref<32768x128xf32, #tpu.memory_space<hbm>> -> memref<256x128xf32, #tpu.memory_space<hbm>>
    %dma_start3A_97 = arith.constant 0 : i32
    %dma_start3A_98 = tpu.memref_slice %arg6[%add3A_90, %dma_start3A_97] : memref<32768x128xf32, #tpu.memory_space<hbm>> -> memref<256x128xf32, #tpu.memory_space<hbm>>
    tpu.enqueue_dma source(%arg9 : memref<256x128xf32, #tpu.memory_space<vmem>>) target(%dma_start3A_98 : memref<256x128xf32, #tpu.memory_space<hbm>>) target_semaphore(%arg11 : memref<!tpu.dma_semaphore, #tpu.memory_space<semaphore_mem>>)
    %dma_wait3A_99 = arith.constant 0 : i32
    %dma_wait3A_100 = tpu.memref_slice %arg5[%add3A_90, %dma_wait3A_99] : memref<32768x128xf32, #tpu.memory_space<hbm>> -> memref<256x128xf32, #tpu.memory_space<hbm>>
    %dma_wait3A_101 = arith.constant 0 : i32
    %dma_wait3A_102 = tpu.memref_slice %arg5[%add3A_90, %dma_wait3A_101] : memref<32768x128xf32, #tpu.memory_space<hbm>> -> memref<256x128xf32, #tpu.memory_space<hbm>>
    tpu.wait_dma2 semaphore(%arg11 : memref<!tpu.dma_semaphore, #tpu.memory_space<semaphore_mem>>) src(%arg8 : memref<256x128xf32, #tpu.memory_space<vmem>>) dst(%dma_wait3A_102 : memref<256x128xf32, #tpu.memory_space<hbm>>)
    %dma_wait3A_103 = arith.constant 0 : i32
    %dma_wait3A_104 = tpu.memref_slice %arg6[%add3A_90, %dma_wait3A_103] : memref<32768x128xf32, #tpu.memory_space<hbm>> -> memref<256x128xf32, #tpu.memory_space<hbm>>
    %dma_wait3A_105 = arith.constant 0 : i32
    %dma_wait3A_106 = tpu.memref_slice %arg6[%add3A_90, %dma_wait3A_105] : memref<32768x128xf32, #tpu.memory_space<hbm>> -> memref<256x128xf32, #tpu.memory_space<hbm>>
    tpu.wait_dma2 semaphore(%arg11 : memref<!tpu.dma_semaphore, #tpu.memory_space<semaphore_mem>>) src(%arg9 : memref<256x128xf32, #tpu.memory_space<vmem>>) dst(%dma_wait3A_106 : memref<256x128xf32, #tpu.memory_space<hbm>>)
    %dma_start3A_107 = arith.constant 2 : i32
    %dma_start3A_108 = arith.constant 0 : i32
    %dma_start3A_109 = arith.constant 0 : i32
    %dma_start3A_110 = tpu.memref_slice %arg8[%dma_start3A_108, %dma_start3A_109] : memref<256x128xf32, #tpu.memory_space<vmem>> -> memref<128x128xf32, #tpu.memory_space<vmem>>
    %dma_start3A_111 = arith.constant 0 : i32
    %dma_start3A_112 = tpu.memref_slice %arg7[%dma_start3A_107, %dma_start3A_111] : memref<8x128xi32, #tpu.memory_space<vmem>> -> memref<1x128xi32, #tpu.memory_space<vmem>>
    %dma_start3A_113 = tpu.memref_squeeze %dma_start3A_112 : memref<1x128xi32, #tpu.memory_space<vmem>> -> memref<128xi32, #tpu.memory_space<vmem>>
    %dma_start3A_114 = tpu.memref_reshape %arg2 : memref<8191x8x128xf32, #tpu.memory_space<hbm>> -> memref<65528x128xf32, #tpu.memory_space<hbm>>
    %dma_start3A_115 = arith.constant 0 : i32
    %dma_start3A_116 = arith.constant 0 : i32
    %dma_start3A_117 = tpu.memref_slice %dma_start3A_114[%dma_start3A_115, %dma_start3A_116] : memref<65528x128xf32, #tpu.memory_space<hbm>> -> memref<65528x128xf32, #tpu.memory_space<hbm>>
    tpu.enqueue_indirect_dma source(%dma_start3A_117 : memref<65528x128xf32, #tpu.memory_space<hbm>>) target(%dma_start3A_110 : memref<128x128xf32, #tpu.memory_space<vmem>>) offsets(%dma_start3A_113 : memref<128xi32, #tpu.memory_space<vmem>>) semaphore(%arg10 : memref<!tpu.dma_semaphore, #tpu.memory_space<semaphore_mem>>)
    %dma_start3A_118 = arith.constant 2 : i32
    %dma_start3A_119 = arith.constant 0 : i32
    %dma_start3A_120 = arith.constant 0 : i32
    %dma_start3A_121 = tpu.memref_slice %arg9[%dma_start3A_119, %dma_start3A_120] : memref<256x128xf32, #tpu.memory_space<vmem>> -> memref<128x128xf32, #tpu.memory_space<vmem>>
    %dma_start3A_122 = arith.constant 0 : i32
    %dma_start3A_123 = tpu.memref_slice %arg7[%dma_start3A_118, %dma_start3A_122] : memref<8x128xi32, #tpu.memory_space<vmem>> -> memref<1x128xi32, #tpu.memory_space<vmem>>
    %dma_start3A_124 = tpu.memref_squeeze %dma_start3A_123 : memref<1x128xi32, #tpu.memory_space<vmem>> -> memref<128xi32, #tpu.memory_space<vmem>>
    %dma_start3A_125 = tpu.memref_reshape %arg3 : memref<8191x8x128xf32, #tpu.memory_space<hbm>> -> memref<65528x128xf32, #tpu.memory_space<hbm>>
    %dma_start3A_126 = arith.constant 0 : i32
    %dma_start3A_127 = arith.constant 0 : i32
    %dma_start3A_128 = tpu.memref_slice %dma_start3A_125[%dma_start3A_126, %dma_start3A_127] : memref<65528x128xf32, #tpu.memory_space<hbm>> -> memref<65528x128xf32, #tpu.memory_space<hbm>>
    tpu.enqueue_indirect_dma source(%dma_start3A_128 : memref<65528x128xf32, #tpu.memory_space<hbm>>) target(%dma_start3A_121 : memref<128x128xf32, #tpu.memory_space<vmem>>) offsets(%dma_start3A_124 : memref<128xi32, #tpu.memory_space<vmem>>) semaphore(%arg10 : memref<!tpu.dma_semaphore, #tpu.memory_space<semaphore_mem>>)
    %dma_start3A_129 = arith.constant 3 : i32
    %dma_start3A_130 = arith.constant 128 : i32
    %dma_start3A_131 = arith.constant 0 : i32
    %dma_start3A_132 = tpu.memref_slice %arg8[%dma_start3A_130, %dma_start3A_131] : memref<256x128xf32, #tpu.memory_space<vmem>> -> memref<128x128xf32, #tpu.memory_space<vmem>>
    %dma_start3A_133 = arith.constant 0 : i32
    %dma_start3A_134 = tpu.memref_slice %arg7[%dma_start3A_129, %dma_start3A_133] : memref<8x128xi32, #tpu.memory_space<vmem>> -> memref<1x128xi32, #tpu.memory_space<vmem>>
    %dma_start3A_135 = tpu.memref_squeeze %dma_start3A_134 : memref<1x128xi32, #tpu.memory_space<vmem>> -> memref<128xi32, #tpu.memory_space<vmem>>
    %dma_start3A_136 = tpu.memref_reshape %arg2 : memref<8191x8x128xf32, #tpu.memory_space<hbm>> -> memref<65528x128xf32, #tpu.memory_space<hbm>>
    %dma_start3A_137 = arith.constant 0 : i32
    %dma_start3A_138 = arith.constant 0 : i32
    %dma_start3A_139 = tpu.memref_slice %dma_start3A_136[%dma_start3A_137, %dma_start3A_138] : memref<65528x128xf32, #tpu.memory_space<hbm>> -> memref<65528x128xf32, #tpu.memory_space<hbm>>
    tpu.enqueue_indirect_dma source(%dma_start3A_139 : memref<65528x128xf32, #tpu.memory_space<hbm>>) target(%dma_start3A_132 : memref<128x128xf32, #tpu.memory_space<vmem>>) offsets(%dma_start3A_135 : memref<128xi32, #tpu.memory_space<vmem>>) semaphore(%arg10 : memref<!tpu.dma_semaphore, #tpu.memory_space<semaphore_mem>>)
    %dma_start3A_140 = arith.constant 3 : i32
    %dma_start3A_141 = arith.constant 128 : i32
    %dma_start3A_142 = arith.constant 0 : i32
    %dma_start3A_143 = tpu.memref_slice %arg9[%dma_start3A_141, %dma_start3A_142] : memref<256x128xf32, #tpu.memory_space<vmem>> -> memref<128x128xf32, #tpu.memory_space<vmem>>
    %dma_start3A_144 = arith.constant 0 : i32
    %dma_start3A_145 = tpu.memref_slice %arg7[%dma_start3A_140, %dma_start3A_144] : memref<8x128xi32, #tpu.memory_space<vmem>> -> memref<1x128xi32, #tpu.memory_space<vmem>>
    %dma_start3A_146 = tpu.memref_squeeze %dma_start3A_145 : memref<1x128xi32, #tpu.memory_space<vmem>> -> memref<128xi32, #tpu.memory_space<vmem>>
    %dma_start3A_147 = tpu.memref_reshape %arg3 : memref<8191x8x128xf32, #tpu.memory_space<hbm>> -> memref<65528x128xf32, #tpu.memory_space<hbm>>
    %dma_start3A_148 = arith.constant 0 : i32
    %dma_start3A_149 = arith.constant 0 : i32
    %dma_start3A_150 = tpu.memref_slice %dma_start3A_147[%dma_start3A_148, %dma_start3A_149] : memref<65528x128xf32, #tpu.memory_space<hbm>> -> memref<65528x128xf32, #tpu.memory_space<hbm>>
    tpu.enqueue_indirect_dma source(%dma_start3A_150 : memref<65528x128xf32, #tpu.memory_space<hbm>>) target(%dma_start3A_143 : memref<128x128xf32, #tpu.memory_space<vmem>>) offsets(%dma_start3A_146 : memref<128xi32, #tpu.memory_space<vmem>>) semaphore(%arg10 : memref<!tpu.dma_semaphore, #tpu.memory_space<semaphore_mem>>)
    %dma_wait3A_151 = arith.constant 2 : i32
    %dma_wait3A_152 = arith.constant 0 : i32
    %dma_wait3A_153 = arith.constant 0 : i32
    %dma_wait3A_154 = tpu.memref_slice %arg8[%dma_wait3A_152, %dma_wait3A_153] : memref<256x128xf32, #tpu.memory_space<vmem>> -> memref<128x128xf32, #tpu.memory_space<vmem>>
    %dma_wait3A_155 = arith.constant 0 : i32
    %dma_wait3A_156 = tpu.memref_slice %arg7[%dma_wait3A_151, %dma_wait3A_155] : memref<8x128xi32, #tpu.memory_space<vmem>> -> memref<1x128xi32, #tpu.memory_space<vmem>>
    %dma_wait3A_157 = tpu.memref_squeeze %dma_wait3A_156 : memref<1x128xi32, #tpu.memory_space<vmem>> -> memref<128xi32, #tpu.memory_space<vmem>>
    %dma_wait3A_158 = tpu.memref_reshape %arg2 : memref<8191x8x128xf32, #tpu.memory_space<hbm>> -> memref<65528x128xf32, #tpu.memory_space<hbm>>
    %dma_wait3A_159 = arith.constant 0 : i32
    %dma_wait3A_160 = arith.constant 0 : i32
    %dma_wait3A_161 = tpu.memref_slice %dma_wait3A_158[%dma_wait3A_159, %dma_wait3A_160] : memref<65528x128xf32, #tpu.memory_space<hbm>> -> memref<65528x128xf32, #tpu.memory_space<hbm>>
    tpu.wait_indirect_dma semaphore(%arg10 : memref<!tpu.dma_semaphore, #tpu.memory_space<semaphore_mem>>) src(%dma_wait3A_161 : memref<65528x128xf32, #tpu.memory_space<hbm>>) dst(%dma_wait3A_154 : memref<128x128xf32, #tpu.memory_space<vmem>>)
    %dma_wait3A_162 = arith.constant 2 : i32
    %dma_wait3A_163 = arith.constant 0 : i32
    %dma_wait3A_164 = arith.constant 0 : i32
    %dma_wait3A_165 = tpu.memref_slice %arg9[%dma_wait3A_163, %dma_wait3A_164] : memref<256x128xf32, #tpu.memory_space<vmem>> -> memref<128x128xf32, #tpu.memory_space<vmem>>
    %dma_wait3A_166 = arith.constant 0 : i32
    %dma_wait3A_167 = tpu.memref_slice %arg7[%dma_wait3A_162, %dma_wait3A_166] : memref<8x128xi32, #tpu.memory_space<vmem>> -> memref<1x128xi32, #tpu.memory_space<vmem>>
    %dma_wait3A_168 = tpu.memref_squeeze %dma_wait3A_167 : memref<1x128xi32, #tpu.memory_space<vmem>> -> memref<128xi32, #tpu.memory_space<vmem>>
    %dma_wait3A_169 = tpu.memref_reshape %arg3 : memref<8191x8x128xf32, #tpu.memory_space<hbm>> -> memref<65528x128xf32, #tpu.memory_space<hbm>>
    %dma_wait3A_170 = arith.constant 0 : i32
    %dma_wait3A_171 = arith.constant 0 : i32
    %dma_wait3A_172 = tpu.memref_slice %dma_wait3A_169[%dma_wait3A_170, %dma_wait3A_171] : memref<65528x128xf32, #tpu.memory_space<hbm>> -> memref<65528x128xf32, #tpu.memory_space<hbm>>
    tpu.wait_indirect_dma semaphore(%arg10 : memref<!tpu.dma_semaphore, #tpu.memory_space<semaphore_mem>>) src(%dma_wait3A_172 : memref<65528x128xf32, #tpu.memory_space<hbm>>) dst(%dma_wait3A_165 : memref<128x128xf32, #tpu.memory_space<vmem>>)
    %dma_wait3A_173 = arith.constant 3 : i32
    %dma_wait3A_174 = arith.constant 128 : i32
    %dma_wait3A_175 = arith.constant 0 : i32
    %dma_wait3A_176 = tpu.memref_slice %arg8[%dma_wait3A_174, %dma_wait3A_175] : memref<256x128xf32, #tpu.memory_space<vmem>> -> memref<128x128xf32, #tpu.memory_space<vmem>>
    %dma_wait3A_177 = arith.constant 0 : i32
    %dma_wait3A_178 = tpu.memref_slice %arg7[%dma_wait3A_173, %dma_wait3A_177] : memref<8x128xi32, #tpu.memory_space<vmem>> -> memref<1x128xi32, #tpu.memory_space<vmem>>
    %dma_wait3A_179 = tpu.memref_squeeze %dma_wait3A_178 : memref<1x128xi32, #tpu.memory_space<vmem>> -> memref<128xi32, #tpu.memory_space<vmem>>
    %dma_wait3A_180 = tpu.memref_reshape %arg2 : memref<8191x8x128xf32, #tpu.memory_space<hbm>> -> memref<65528x128xf32, #tpu.memory_space<hbm>>
    %dma_wait3A_181 = arith.constant 0 : i32
    %dma_wait3A_182 = arith.constant 0 : i32
    %dma_wait3A_183 = tpu.memref_slice %dma_wait3A_180[%dma_wait3A_181, %dma_wait3A_182] : memref<65528x128xf32, #tpu.memory_space<hbm>> -> memref<65528x128xf32, #tpu.memory_space<hbm>>
    tpu.wait_indirect_dma semaphore(%arg10 : memref<!tpu.dma_semaphore, #tpu.memory_space<semaphore_mem>>) src(%dma_wait3A_183 : memref<65528x128xf32, #tpu.memory_space<hbm>>) dst(%dma_wait3A_176 : memref<128x128xf32, #tpu.memory_space<vmem>>)
    %dma_wait3A_184 = arith.constant 3 : i32
    %dma_wait3A_185 = arith.constant 128 : i32
    %dma_wait3A_186 = arith.constant 0 : i32
    %dma_wait3A_187 = tpu.memref_slice %arg9[%dma_wait3A_185, %dma_wait3A_186] : memref<256x128xf32, #tpu.memory_space<vmem>> -> memref<128x128xf32, #tpu.memory_space<vmem>>
    %dma_wait3A_188 = arith.constant 0 : i32
    %dma_wait3A_189 = tpu.memref_slice %arg7[%dma_wait3A_184, %dma_wait3A_188] : memref<8x128xi32, #tpu.memory_space<vmem>> -> memref<1x128xi32, #tpu.memory_space<vmem>>
    %dma_wait3A_190 = tpu.memref_squeeze %dma_wait3A_189 : memref<1x128xi32, #tpu.memory_space<vmem>> -> memref<128xi32, #tpu.memory_space<vmem>>
    %dma_wait3A_191 = tpu.memref_reshape %arg3 : memref<8191x8x128xf32, #tpu.memory_space<hbm>> -> memref<65528x128xf32, #tpu.memory_space<hbm>>
    %dma_wait3A_192 = arith.constant 0 : i32
    %dma_wait3A_193 = arith.constant 0 : i32
    %dma_wait3A_194 = tpu.memref_slice %dma_wait3A_191[%dma_wait3A_192, %dma_wait3A_193] : memref<65528x128xf32, #tpu.memory_space<hbm>> -> memref<65528x128xf32, #tpu.memory_space<hbm>>
    tpu.wait_indirect_dma semaphore(%arg10 : memref<!tpu.dma_semaphore, #tpu.memory_space<semaphore_mem>>) src(%dma_wait3A_194 : memref<65528x128xf32, #tpu.memory_space<hbm>>) dst(%dma_wait3A_187 : memref<128x128xf32, #tpu.memory_space<vmem>>)
    %mul3A_195 = arith.constant 1024 : i32
    %mul3A_196 = arith.muli %add3A, %mul3A_195 : i32
    %add3A_197 = arith.constant 256 : i32
    %add3A_198 = arith.addi %mul3A_196, %add3A_197 : i32
    %dma_start3A_199 = arith.constant 0 : i32
    %dma_start3A_200 = tpu.memref_slice %arg5[%add3A_198, %dma_start3A_199] : memref<32768x128xf32, #tpu.memory_space<hbm>> -> memref<256x128xf32, #tpu.memory_space<hbm>>
    %dma_start3A_201 = arith.constant 0 : i32
    %dma_start3A_202 = tpu.memref_slice %arg5[%add3A_198, %dma_start3A_201] : memref<32768x128xf32, #tpu.memory_space<hbm>> -> memref<256x128xf32, #tpu.memory_space<hbm>>
    tpu.enqueue_dma source(%arg8 : memref<256x128xf32, #tpu.memory_space<vmem>>) target(%dma_start3A_202 : memref<256x128xf32, #tpu.memory_space<hbm>>) target_semaphore(%arg11 : memref<!tpu.dma_semaphore, #tpu.memory_space<semaphore_mem>>)
    %dma_start3A_203 = arith.constant 0 : i32
    %dma_start3A_204 = tpu.memref_slice %arg6[%add3A_198, %dma_start3A_203] : memref<32768x128xf32, #tpu.memory_space<hbm>> -> memref<256x128xf32, #tpu.memory_space<hbm>>
    %dma_start3A_205 = arith.constant 0 : i32
    %dma_start3A_206 = tpu.memref_slice %arg6[%add3A_198, %dma_start3A_205] : memref<32768x128xf32, #tpu.memory_space<hbm>> -> memref<256x128xf32, #tpu.memory_space<hbm>>
    tpu.enqueue_dma source(%arg9 : memref<256x128xf32, #tpu.memory_space<vmem>>) target(%dma_start3A_206 : memref<256x128xf32, #tpu.memory_space<hbm>>) target_semaphore(%arg11 : memref<!tpu.dma_semaphore, #tpu.memory_space<semaphore_mem>>)
    %dma_wait3A_207 = arith.constant 0 : i32
    %dma_wait3A_208 = tpu.memref_slice %arg5[%add3A_198, %dma_wait3A_207] : memref<32768x128xf32, #tpu.memory_space<hbm>> -> memref<256x128xf32, #tpu.memory_space<hbm>>
    %dma_wait3A_209 = arith.constant 0 : i32
    %dma_wait3A_210 = tpu.memref_slice %arg5[%add3A_198, %dma_wait3A_209] : memref<32768x128xf32, #tpu.memory_space<hbm>> -> memref<256x128xf32, #tpu.memory_space<hbm>>
    tpu.wait_dma2 semaphore(%arg11 : memref<!tpu.dma_semaphore, #tpu.memory_space<semaphore_mem>>) src(%arg8 : memref<256x128xf32, #tpu.memory_space<vmem>>) dst(%dma_wait3A_210 : memref<256x128xf32, #tpu.memory_space<hbm>>)
    %dma_wait3A_211 = arith.constant 0 : i32
    %dma_wait3A_212 = tpu.memref_slice %arg6[%add3A_198, %dma_wait3A_211] : memref<32768x128xf32, #tpu.memory_space<hbm>> -> memref<256x128xf32, #tpu.memory_space<hbm>>
    %dma_wait3A_213 = arith.constant 0 : i32
    %dma_wait3A_214 = tpu.memref_slice %arg6[%add3A_198, %dma_wait3A_213] : memref<32768x128xf32, #tpu.memory_space<hbm>> -> memref<256x128xf32, #tpu.memory_space<hbm>>
    tpu.wait_dma2 semaphore(%arg11 : memref<!tpu.dma_semaphore, #tpu.memory_space<semaphore_mem>>) src(%arg9 : memref<256x128xf32, #tpu.memory_space<vmem>>) dst(%dma_wait3A_214 : memref<256x128xf32, #tpu.memory_space<hbm>>)
    %dma_start3A_215 = arith.constant 4 : i32
    %dma_start3A_216 = arith.constant 0 : i32
    %dma_start3A_217 = arith.constant 0 : i32
    %dma_start3A_218 = tpu.memref_slice %arg8[%dma_start3A_216, %dma_start3A_217] : memref<256x128xf32, #tpu.memory_space<vmem>> -> memref<128x128xf32, #tpu.memory_space<vmem>>
    %dma_start3A_219 = arith.constant 0 : i32
    %dma_start3A_220 = tpu.memref_slice %arg7[%dma_start3A_215, %dma_start3A_219] : memref<8x128xi32, #tpu.memory_space<vmem>> -> memref<1x128xi32, #tpu.memory_space<vmem>>
    %dma_start3A_221 = tpu.memref_squeeze %dma_start3A_220 : memref<1x128xi32, #tpu.memory_space<vmem>> -> memref<128xi32, #tpu.memory_space<vmem>>
    %dma_start3A_222 = tpu.memref_reshape %arg2 : memref<8191x8x128xf32, #tpu.memory_space<hbm>> -> memref<65528x128xf32, #tpu.memory_space<hbm>>
    %dma_start3A_223 = arith.constant 0 : i32
    %dma_start3A_224 = arith.constant 0 : i32
    %dma_start3A_225 = tpu.memref_slice %dma_start3A_222[%dma_start3A_223, %dma_start3A_224] : memref<65528x128xf32, #tpu.memory_space<hbm>> -> memref<65528x128xf32, #tpu.memory_space<hbm>>
    tpu.enqueue_indirect_dma source(%dma_start3A_225 : memref<65528x128xf32, #tpu.memory_space<hbm>>) target(%dma_start3A_218 : memref<128x128xf32, #tpu.memory_space<vmem>>) offsets(%dma_start3A_221 : memref<128xi32, #tpu.memory_space<vmem>>) semaphore(%arg10 : memref<!tpu.dma_semaphore, #tpu.memory_space<semaphore_mem>>)
    %dma_start3A_226 = arith.constant 4 : i32
    %dma_start3A_227 = arith.constant 0 : i32
    %dma_start3A_228 = arith.constant 0 : i32
    %dma_start3A_229 = tpu.memref_slice %arg9[%dma_start3A_227, %dma_start3A_228] : memref<256x128xf32, #tpu.memory_space<vmem>> -> memref<128x128xf32, #tpu.memory_space<vmem>>
    %dma_start3A_230 = arith.constant 0 : i32
    %dma_start3A_231 = tpu.memref_slice %arg7[%dma_start3A_226, %dma_start3A_230] : memref<8x128xi32, #tpu.memory_space<vmem>> -> memref<1x128xi32, #tpu.memory_space<vmem>>
    %dma_start3A_232 = tpu.memref_squeeze %dma_start3A_231 : memref<1x128xi32, #tpu.memory_space<vmem>> -> memref<128xi32, #tpu.memory_space<vmem>>
    %dma_start3A_233 = tpu.memref_reshape %arg3 : memref<8191x8x128xf32, #tpu.memory_space<hbm>> -> memref<65528x128xf32, #tpu.memory_space<hbm>>
    %dma_start3A_234 = arith.constant 0 : i32
    %dma_start3A_235 = arith.constant 0 : i32
    %dma_start3A_236 = tpu.memref_slice %dma_start3A_233[%dma_start3A_234, %dma_start3A_235] : memref<65528x128xf32, #tpu.memory_space<hbm>> -> memref<65528x128xf32, #tpu.memory_space<hbm>>
    tpu.enqueue_indirect_dma source(%dma_start3A_236 : memref<65528x128xf32, #tpu.memory_space<hbm>>) target(%dma_start3A_229 : memref<128x128xf32, #tpu.memory_space<vmem>>) offsets(%dma_start3A_232 : memref<128xi32, #tpu.memory_space<vmem>>) semaphore(%arg10 : memref<!tpu.dma_semaphore, #tpu.memory_space<semaphore_mem>>)
    %dma_start3A_237 = arith.constant 5 : i32
    %dma_start3A_238 = arith.constant 128 : i32
    %dma_start3A_239 = arith.constant 0 : i32
    %dma_start3A_240 = tpu.memref_slice %arg8[%dma_start3A_238, %dma_start3A_239] : memref<256x128xf32, #tpu.memory_space<vmem>> -> memref<128x128xf32, #tpu.memory_space<vmem>>
    %dma_start3A_241 = arith.constant 0 : i32
    %dma_start3A_242 = tpu.memref_slice %arg7[%dma_start3A_237, %dma_start3A_241] : memref<8x128xi32, #tpu.memory_space<vmem>> -> memref<1x128xi32, #tpu.memory_space<vmem>>
    %dma_start3A_243 = tpu.memref_squeeze %dma_start3A_242 : memref<1x128xi32, #tpu.memory_space<vmem>> -> memref<128xi32, #tpu.memory_space<vmem>>
    %dma_start3A_244 = tpu.memref_reshape %arg2 : memref<8191x8x128xf32, #tpu.memory_space<hbm>> -> memref<65528x128xf32, #tpu.memory_space<hbm>>
    %dma_start3A_245 = arith.constant 0 : i32
    %dma_start3A_246 = arith.constant 0 : i32
    %dma_start3A_247 = tpu.memref_slice %dma_start3A_244[%dma_start3A_245, %dma_start3A_246] : memref<65528x128xf32, #tpu.memory_space<hbm>> -> memref<65528x128xf32, #tpu.memory_space<hbm>>
    tpu.enqueue_indirect_dma source(%dma_start3A_247 : memref<65528x128xf32, #tpu.memory_space<hbm>>) target(%dma_start3A_240 : memref<128x128xf32, #tpu.memory_space<vmem>>) offsets(%dma_start3A_243 : memref<128xi32, #tpu.memory_space<vmem>>) semaphore(%arg10 : memref<!tpu.dma_semaphore, #tpu.memory_space<semaphore_mem>>)
    %dma_start3A_248 = arith.constant 5 : i32
    %dma_start3A_249 = arith.constant 128 : i32
    %dma_start3A_250 = arith.constant 0 : i32
    %dma_start3A_251 = tpu.memref_slice %arg9[%dma_start3A_249, %dma_start3A_250] : memref<256x128xf32, #tpu.memory_space<vmem>> -> memref<128x128xf32, #tpu.memory_space<vmem>>
    %dma_start3A_252 = arith.constant 0 : i32
    %dma_start3A_253 = tpu.memref_slice %arg7[%dma_start3A_248, %dma_start3A_252] : memref<8x128xi32, #tpu.memory_space<vmem>> -> memref<1x128xi32, #tpu.memory_space<vmem>>
    %dma_start3A_254 = tpu.memref_squeeze %dma_start3A_253 : memref<1x128xi32, #tpu.memory_space<vmem>> -> memref<128xi32, #tpu.memory_space<vmem>>
    %dma_start3A_255 = tpu.memref_reshape %arg3 : memref<8191x8x128xf32, #tpu.memory_space<hbm>> -> memref<65528x128xf32, #tpu.memory_space<hbm>>
    %dma_start3A_256 = arith.constant 0 : i32
    %dma_start3A_257 = arith.constant 0 : i32
    %dma_start3A_258 = tpu.memref_slice %dma_start3A_255[%dma_start3A_256, %dma_start3A_257] : memref<65528x128xf32, #tpu.memory_space<hbm>> -> memref<65528x128xf32, #tpu.memory_space<hbm>>
    tpu.enqueue_indirect_dma source(%dma_start3A_258 : memref<65528x128xf32, #tpu.memory_space<hbm>>) target(%dma_start3A_251 : memref<128x128xf32, #tpu.memory_space<vmem>>) offsets(%dma_start3A_254 : memref<128xi32, #tpu.memory_space<vmem>>) semaphore(%arg10 : memref<!tpu.dma_semaphore, #tpu.memory_space<semaphore_mem>>)
    %dma_wait3A_259 = arith.constant 4 : i32
    %dma_wait3A_260 = arith.constant 0 : i32
    %dma_wait3A_261 = arith.constant 0 : i32
    %dma_wait3A_262 = tpu.memref_slice %arg8[%dma_wait3A_260, %dma_wait3A_261] : memref<256x128xf32, #tpu.memory_space<vmem>> -> memref<128x128xf32, #tpu.memory_space<vmem>>
    %dma_wait3A_263 = arith.constant 0 : i32
    %dma_wait3A_264 = tpu.memref_slice %arg7[%dma_wait3A_259, %dma_wait3A_263] : memref<8x128xi32, #tpu.memory_space<vmem>> -> memref<1x128xi32, #tpu.memory_space<vmem>>
    %dma_wait3A_265 = tpu.memref_squeeze %dma_wait3A_264 : memref<1x128xi32, #tpu.memory_space<vmem>> -> memref<128xi32, #tpu.memory_space<vmem>>
    %dma_wait3A_266 = tpu.memref_reshape %arg2 : memref<8191x8x128xf32, #tpu.memory_space<hbm>> -> memref<65528x128xf32, #tpu.memory_space<hbm>>
    %dma_wait3A_267 = arith.constant 0 : i32
    %dma_wait3A_268 = arith.constant 0 : i32
    %dma_wait3A_269 = tpu.memref_slice %dma_wait3A_266[%dma_wait3A_267, %dma_wait3A_268] : memref<65528x128xf32, #tpu.memory_space<hbm>> -> memref<65528x128xf32, #tpu.memory_space<hbm>>
    tpu.wait_indirect_dma semaphore(%arg10 : memref<!tpu.dma_semaphore, #tpu.memory_space<semaphore_mem>>) src(%dma_wait3A_269 : memref<65528x128xf32, #tpu.memory_space<hbm>>) dst(%dma_wait3A_262 : memref<128x128xf32, #tpu.memory_space<vmem>>)
    %dma_wait3A_270 = arith.constant 4 : i32
    %dma_wait3A_271 = arith.constant 0 : i32
    %dma_wait3A_272 = arith.constant 0 : i32
    %dma_wait3A_273 = tpu.memref_slice %arg9[%dma_wait3A_271, %dma_wait3A_272] : memref<256x128xf32, #tpu.memory_space<vmem>> -> memref<128x128xf32, #tpu.memory_space<vmem>>
    %dma_wait3A_274 = arith.constant 0 : i32
    %dma_wait3A_275 = tpu.memref_slice %arg7[%dma_wait3A_270, %dma_wait3A_274] : memref<8x128xi32, #tpu.memory_space<vmem>> -> memref<1x128xi32, #tpu.memory_space<vmem>>
    %dma_wait3A_276 = tpu.memref_squeeze %dma_wait3A_275 : memref<1x128xi32, #tpu.memory_space<vmem>> -> memref<128xi32, #tpu.memory_space<vmem>>
    %dma_wait3A_277 = tpu.memref_reshape %arg3 : memref<8191x8x128xf32, #tpu.memory_space<hbm>> -> memref<65528x128xf32, #tpu.memory_space<hbm>>
    %dma_wait3A_278 = arith.constant 0 : i32
    %dma_wait3A_279 = arith.constant 0 : i32
    %dma_wait3A_280 = tpu.memref_slice %dma_wait3A_277[%dma_wait3A_278, %dma_wait3A_279] : memref<65528x128xf32, #tpu.memory_space<hbm>> -> memref<65528x128xf32, #tpu.memory_space<hbm>>
    tpu.wait_indirect_dma semaphore(%arg10 : memref<!tpu.dma_semaphore, #tpu.memory_space<semaphore_mem>>) src(%dma_wait3A_280 : memref<65528x128xf32, #tpu.memory_space<hbm>>) dst(%dma_wait3A_273 : memref<128x128xf32, #tpu.memory_space<vmem>>)
    %dma_wait3A_281 = arith.constant 5 : i32
    %dma_wait3A_282 = arith.constant 128 : i32
    %dma_wait3A_283 = arith.constant 0 : i32
    %dma_wait3A_284 = tpu.memref_slice %arg8[%dma_wait3A_282, %dma_wait3A_283] : memref<256x128xf32, #tpu.memory_space<vmem>> -> memref<128x128xf32, #tpu.memory_space<vmem>>
    %dma_wait3A_285 = arith.constant 0 : i32
    %dma_wait3A_286 = tpu.memref_slice %arg7[%dma_wait3A_281, %dma_wait3A_285] : memref<8x128xi32, #tpu.memory_space<vmem>> -> memref<1x128xi32, #tpu.memory_space<vmem>>
    %dma_wait3A_287 = tpu.memref_squeeze %dma_wait3A_286 : memref<1x128xi32, #tpu.memory_space<vmem>> -> memref<128xi32, #tpu.memory_space<vmem>>
    %dma_wait3A_288 = tpu.memref_reshape %arg2 : memref<8191x8x128xf32, #tpu.memory_space<hbm>> -> memref<65528x128xf32, #tpu.memory_space<hbm>>
    %dma_wait3A_289 = arith.constant 0 : i32
    %dma_wait3A_290 = arith.constant 0 : i32
    %dma_wait3A_291 = tpu.memref_slice %dma_wait3A_288[%dma_wait3A_289, %dma_wait3A_290] : memref<65528x128xf32, #tpu.memory_space<hbm>> -> memref<65528x128xf32, #tpu.memory_space<hbm>>
    tpu.wait_indirect_dma semaphore(%arg10 : memref<!tpu.dma_semaphore, #tpu.memory_space<semaphore_mem>>) src(%dma_wait3A_291 : memref<65528x128xf32, #tpu.memory_space<hbm>>) dst(%dma_wait3A_284 : memref<128x128xf32, #tpu.memory_space<vmem>>)
    %dma_wait3A_292 = arith.constant 5 : i32
    %dma_wait3A_293 = arith.constant 128 : i32
    %dma_wait3A_294 = arith.constant 0 : i32
    %dma_wait3A_295 = tpu.memref_slice %arg9[%dma_wait3A_293, %dma_wait3A_294] : memref<256x128xf32, #tpu.memory_space<vmem>> -> memref<128x128xf32, #tpu.memory_space<vmem>>
    %dma_wait3A_296 = arith.constant 0 : i32
    %dma_wait3A_297 = tpu.memref_slice %arg7[%dma_wait3A_292, %dma_wait3A_296] : memref<8x128xi32, #tpu.memory_space<vmem>> -> memref<1x128xi32, #tpu.memory_space<vmem>>
    %dma_wait3A_298 = tpu.memref_squeeze %dma_wait3A_297 : memref<1x128xi32, #tpu.memory_space<vmem>> -> memref<128xi32, #tpu.memory_space<vmem>>
    %dma_wait3A_299 = tpu.memref_reshape %arg3 : memref<8191x8x128xf32, #tpu.memory_space<hbm>> -> memref<65528x128xf32, #tpu.memory_space<hbm>>
    %dma_wait3A_300 = arith.constant 0 : i32
    %dma_wait3A_301 = arith.constant 0 : i32
    %dma_wait3A_302 = tpu.memref_slice %dma_wait3A_299[%dma_wait3A_300, %dma_wait3A_301] : memref<65528x128xf32, #tpu.memory_space<hbm>> -> memref<65528x128xf32, #tpu.memory_space<hbm>>
    tpu.wait_indirect_dma semaphore(%arg10 : memref<!tpu.dma_semaphore, #tpu.memory_space<semaphore_mem>>) src(%dma_wait3A_302 : memref<65528x128xf32, #tpu.memory_space<hbm>>) dst(%dma_wait3A_295 : memref<128x128xf32, #tpu.memory_space<vmem>>)
    %mul3A_303 = arith.constant 1024 : i32
    %mul3A_304 = arith.muli %add3A, %mul3A_303 : i32
    %add3A_305 = arith.constant 512 : i32
    %add3A_306 = arith.addi %mul3A_304, %add3A_305 : i32
    %dma_start3A_307 = arith.constant 0 : i32
    %dma_start3A_308 = tpu.memref_slice %arg5[%add3A_306, %dma_start3A_307] : memref<32768x128xf32, #tpu.memory_space<hbm>> -> memref<256x128xf32, #tpu.memory_space<hbm>>
    %dma_start3A_309 = arith.constant 0 : i32
    %dma_start3A_310 = tpu.memref_slice %arg5[%add3A_306, %dma_start3A_309] : memref<32768x128xf32, #tpu.memory_space<hbm>> -> memref<256x128xf32, #tpu.memory_space<hbm>>
    tpu.enqueue_dma source(%arg8 : memref<256x128xf32, #tpu.memory_space<vmem>>) target(%dma_start3A_310 : memref<256x128xf32, #tpu.memory_space<hbm>>) target_semaphore(%arg11 : memref<!tpu.dma_semaphore, #tpu.memory_space<semaphore_mem>>)
    %dma_start3A_311 = arith.constant 0 : i32
    %dma_start3A_312 = tpu.memref_slice %arg6[%add3A_306, %dma_start3A_311] : memref<32768x128xf32, #tpu.memory_space<hbm>> -> memref<256x128xf32, #tpu.memory_space<hbm>>
    %dma_start3A_313 = arith.constant 0 : i32
    %dma_start3A_314 = tpu.memref_slice %arg6[%add3A_306, %dma_start3A_313] : memref<32768x128xf32, #tpu.memory_space<hbm>> -> memref<256x128xf32, #tpu.memory_space<hbm>>
    tpu.enqueue_dma source(%arg9 : memref<256x128xf32, #tpu.memory_space<vmem>>) target(%dma_start3A_314 : memref<256x128xf32, #tpu.memory_space<hbm>>) target_semaphore(%arg11 : memref<!tpu.dma_semaphore, #tpu.memory_space<semaphore_mem>>)
    %dma_wait3A_315 = arith.constant 0 : i32
    %dma_wait3A_316 = tpu.memref_slice %arg5[%add3A_306, %dma_wait3A_315] : memref<32768x128xf32, #tpu.memory_space<hbm>> -> memref<256x128xf32, #tpu.memory_space<hbm>>
    %dma_wait3A_317 = arith.constant 0 : i32
    %dma_wait3A_318 = tpu.memref_slice %arg5[%add3A_306, %dma_wait3A_317] : memref<32768x128xf32, #tpu.memory_space<hbm>> -> memref<256x128xf32, #tpu.memory_space<hbm>>
    tpu.wait_dma2 semaphore(%arg11 : memref<!tpu.dma_semaphore, #tpu.memory_space<semaphore_mem>>) src(%arg8 : memref<256x128xf32, #tpu.memory_space<vmem>>) dst(%dma_wait3A_318 : memref<256x128xf32, #tpu.memory_space<hbm>>)
    %dma_wait3A_319 = arith.constant 0 : i32
    %dma_wait3A_320 = tpu.memref_slice %arg6[%add3A_306, %dma_wait3A_319] : memref<32768x128xf32, #tpu.memory_space<hbm>> -> memref<256x128xf32, #tpu.memory_space<hbm>>
    %dma_wait3A_321 = arith.constant 0 : i32
    %dma_wait3A_322 = tpu.memref_slice %arg6[%add3A_306, %dma_wait3A_321] : memref<32768x128xf32, #tpu.memory_space<hbm>> -> memref<256x128xf32, #tpu.memory_space<hbm>>
    tpu.wait_dma2 semaphore(%arg11 : memref<!tpu.dma_semaphore, #tpu.memory_space<semaphore_mem>>) src(%arg9 : memref<256x128xf32, #tpu.memory_space<vmem>>) dst(%dma_wait3A_322 : memref<256x128xf32, #tpu.memory_space<hbm>>)
    %dma_start3A_323 = arith.constant 6 : i32
    %dma_start3A_324 = arith.constant 0 : i32
    %dma_start3A_325 = arith.constant 0 : i32
    %dma_start3A_326 = tpu.memref_slice %arg8[%dma_start3A_324, %dma_start3A_325] : memref<256x128xf32, #tpu.memory_space<vmem>> -> memref<128x128xf32, #tpu.memory_space<vmem>>
    %dma_start3A_327 = arith.constant 0 : i32
    %dma_start3A_328 = tpu.memref_slice %arg7[%dma_start3A_323, %dma_start3A_327] : memref<8x128xi32, #tpu.memory_space<vmem>> -> memref<1x128xi32, #tpu.memory_space<vmem>>
    %dma_start3A_329 = tpu.memref_squeeze %dma_start3A_328 : memref<1x128xi32, #tpu.memory_space<vmem>> -> memref<128xi32, #tpu.memory_space<vmem>>
    %dma_start3A_330 = tpu.memref_reshape %arg2 : memref<8191x8x128xf32, #tpu.memory_space<hbm>> -> memref<65528x128xf32, #tpu.memory_space<hbm>>
    %dma_start3A_331 = arith.constant 0 : i32
    %dma_start3A_332 = arith.constant 0 : i32
    %dma_start3A_333 = tpu.memref_slice %dma_start3A_330[%dma_start3A_331, %dma_start3A_332] : memref<65528x128xf32, #tpu.memory_space<hbm>> -> memref<65528x128xf32, #tpu.memory_space<hbm>>
    tpu.enqueue_indirect_dma source(%dma_start3A_333 : memref<65528x128xf32, #tpu.memory_space<hbm>>) target(%dma_start3A_326 : memref<128x128xf32, #tpu.memory_space<vmem>>) offsets(%dma_start3A_329 : memref<128xi32, #tpu.memory_space<vmem>>) semaphore(%arg10 : memref<!tpu.dma_semaphore, #tpu.memory_space<semaphore_mem>>)
    %dma_start3A_334 = arith.constant 6 : i32
    %dma_start3A_335 = arith.constant 0 : i32
    %dma_start3A_336 = arith.constant 0 : i32
    %dma_start3A_337 = tpu.memref_slice %arg9[%dma_start3A_335, %dma_start3A_336] : memref<256x128xf32, #tpu.memory_space<vmem>> -> memref<128x128xf32, #tpu.memory_space<vmem>>
    %dma_start3A_338 = arith.constant 0 : i32
    %dma_start3A_339 = tpu.memref_slice %arg7[%dma_start3A_334, %dma_start3A_338] : memref<8x128xi32, #tpu.memory_space<vmem>> -> memref<1x128xi32, #tpu.memory_space<vmem>>
    %dma_start3A_340 = tpu.memref_squeeze %dma_start3A_339 : memref<1x128xi32, #tpu.memory_space<vmem>> -> memref<128xi32, #tpu.memory_space<vmem>>
    %dma_start3A_341 = tpu.memref_reshape %arg3 : memref<8191x8x128xf32, #tpu.memory_space<hbm>> -> memref<65528x128xf32, #tpu.memory_space<hbm>>
    %dma_start3A_342 = arith.constant 0 : i32
    %dma_start3A_343 = arith.constant 0 : i32
    %dma_start3A_344 = tpu.memref_slice %dma_start3A_341[%dma_start3A_342, %dma_start3A_343] : memref<65528x128xf32, #tpu.memory_space<hbm>> -> memref<65528x128xf32, #tpu.memory_space<hbm>>
    tpu.enqueue_indirect_dma source(%dma_start3A_344 : memref<65528x128xf32, #tpu.memory_space<hbm>>) target(%dma_start3A_337 : memref<128x128xf32, #tpu.memory_space<vmem>>) offsets(%dma_start3A_340 : memref<128xi32, #tpu.memory_space<vmem>>) semaphore(%arg10 : memref<!tpu.dma_semaphore, #tpu.memory_space<semaphore_mem>>)
    %dma_start3A_345 = arith.constant 7 : i32
    %dma_start3A_346 = arith.constant 128 : i32
    %dma_start3A_347 = arith.constant 0 : i32
    %dma_start3A_348 = tpu.memref_slice %arg8[%dma_start3A_346, %dma_start3A_347] : memref<256x128xf32, #tpu.memory_space<vmem>> -> memref<128x128xf32, #tpu.memory_space<vmem>>
    %dma_start3A_349 = arith.constant 0 : i32
    %dma_start3A_350 = tpu.memref_slice %arg7[%dma_start3A_345, %dma_start3A_349] : memref<8x128xi32, #tpu.memory_space<vmem>> -> memref<1x128xi32, #tpu.memory_space<vmem>>
    %dma_start3A_351 = tpu.memref_squeeze %dma_start3A_350 : memref<1x128xi32, #tpu.memory_space<vmem>> -> memref<128xi32, #tpu.memory_space<vmem>>
    %dma_start3A_352 = tpu.memref_reshape %arg2 : memref<8191x8x128xf32, #tpu.memory_space<hbm>> -> memref<65528x128xf32, #tpu.memory_space<hbm>>
    %dma_start3A_353 = arith.constant 0 : i32
    %dma_start3A_354 = arith.constant 0 : i32
    %dma_start3A_355 = tpu.memref_slice %dma_start3A_352[%dma_start3A_353, %dma_start3A_354] : memref<65528x128xf32, #tpu.memory_space<hbm>> -> memref<65528x128xf32, #tpu.memory_space<hbm>>
    tpu.enqueue_indirect_dma source(%dma_start3A_355 : memref<65528x128xf32, #tpu.memory_space<hbm>>) target(%dma_start3A_348 : memref<128x128xf32, #tpu.memory_space<vmem>>) offsets(%dma_start3A_351 : memref<128xi32, #tpu.memory_space<vmem>>) semaphore(%arg10 : memref<!tpu.dma_semaphore, #tpu.memory_space<semaphore_mem>>)
    %dma_start3A_356 = arith.constant 7 : i32
    %dma_start3A_357 = arith.constant 128 : i32
    %dma_start3A_358 = arith.constant 0 : i32
    %dma_start3A_359 = tpu.memref_slice %arg9[%dma_start3A_357, %dma_start3A_358] : memref<256x128xf32, #tpu.memory_space<vmem>> -> memref<128x128xf32, #tpu.memory_space<vmem>>
    %dma_start3A_360 = arith.constant 0 : i32
    %dma_start3A_361 = tpu.memref_slice %arg7[%dma_start3A_356, %dma_start3A_360] : memref<8x128xi32, #tpu.memory_space<vmem>> -> memref<1x128xi32, #tpu.memory_space<vmem>>
    %dma_start3A_362 = tpu.memref_squeeze %dma_start3A_361 : memref<1x128xi32, #tpu.memory_space<vmem>> -> memref<128xi32, #tpu.memory_space<vmem>>
    %dma_start3A_363 = tpu.memref_reshape %arg3 : memref<8191x8x128xf32, #tpu.memory_space<hbm>> -> memref<65528x128xf32, #tpu.memory_space<hbm>>
    %dma_start3A_364 = arith.constant 0 : i32
    %dma_start3A_365 = arith.constant 0 : i32
    %dma_start3A_366 = tpu.memref_slice %dma_start3A_363[%dma_start3A_364, %dma_start3A_365] : memref<65528x128xf32, #tpu.memory_space<hbm>> -> memref<65528x128xf32, #tpu.memory_space<hbm>>
    tpu.enqueue_indirect_dma source(%dma_start3A_366 : memref<65528x128xf32, #tpu.memory_space<hbm>>) target(%dma_start3A_359 : memref<128x128xf32, #tpu.memory_space<vmem>>) offsets(%dma_start3A_362 : memref<128xi32, #tpu.memory_space<vmem>>) semaphore(%arg10 : memref<!tpu.dma_semaphore, #tpu.memory_space<semaphore_mem>>)
    %dma_wait3A_367 = arith.constant 6 : i32
    %dma_wait3A_368 = arith.constant 0 : i32
    %dma_wait3A_369 = arith.constant 0 : i32
    %dma_wait3A_370 = tpu.memref_slice %arg8[%dma_wait3A_368, %dma_wait3A_369] : memref<256x128xf32, #tpu.memory_space<vmem>> -> memref<128x128xf32, #tpu.memory_space<vmem>>
    %dma_wait3A_371 = arith.constant 0 : i32
    %dma_wait3A_372 = tpu.memref_slice %arg7[%dma_wait3A_367, %dma_wait3A_371] : memref<8x128xi32, #tpu.memory_space<vmem>> -> memref<1x128xi32, #tpu.memory_space<vmem>>
    %dma_wait3A_373 = tpu.memref_squeeze %dma_wait3A_372 : memref<1x128xi32, #tpu.memory_space<vmem>> -> memref<128xi32, #tpu.memory_space<vmem>>
    %dma_wait3A_374 = tpu.memref_reshape %arg2 : memref<8191x8x128xf32, #tpu.memory_space<hbm>> -> memref<65528x128xf32, #tpu.memory_space<hbm>>
    %dma_wait3A_375 = arith.constant 0 : i32
    %dma_wait3A_376 = arith.constant 0 : i32
    %dma_wait3A_377 = tpu.memref_slice %dma_wait3A_374[%dma_wait3A_375, %dma_wait3A_376] : memref<65528x128xf32, #tpu.memory_space<hbm>> -> memref<65528x128xf32, #tpu.memory_space<hbm>>
    tpu.wait_indirect_dma semaphore(%arg10 : memref<!tpu.dma_semaphore, #tpu.memory_space<semaphore_mem>>) src(%dma_wait3A_377 : memref<65528x128xf32, #tpu.memory_space<hbm>>) dst(%dma_wait3A_370 : memref<128x128xf32, #tpu.memory_space<vmem>>)
    %dma_wait3A_378 = arith.constant 6 : i32
    %dma_wait3A_379 = arith.constant 0 : i32
    %dma_wait3A_380 = arith.constant 0 : i32
    %dma_wait3A_381 = tpu.memref_slice %arg9[%dma_wait3A_379, %dma_wait3A_380] : memref<256x128xf32, #tpu.memory_space<vmem>> -> memref<128x128xf32, #tpu.memory_space<vmem>>
    %dma_wait3A_382 = arith.constant 0 : i32
    %dma_wait3A_383 = tpu.memref_slice %arg7[%dma_wait3A_378, %dma_wait3A_382] : memref<8x128xi32, #tpu.memory_space<vmem>> -> memref<1x128xi32, #tpu.memory_space<vmem>>
    %dma_wait3A_384 = tpu.memref_squeeze %dma_wait3A_383 : memref<1x128xi32, #tpu.memory_space<vmem>> -> memref<128xi32, #tpu.memory_space<vmem>>
    %dma_wait3A_385 = tpu.memref_reshape %arg3 : memref<8191x8x128xf32, #tpu.memory_space<hbm>> -> memref<65528x128xf32, #tpu.memory_space<hbm>>
    %dma_wait3A_386 = arith.constant 0 : i32
    %dma_wait3A_387 = arith.constant 0 : i32
    %dma_wait3A_388 = tpu.memref_slice %dma_wait3A_385[%dma_wait3A_386, %dma_wait3A_387] : memref<65528x128xf32, #tpu.memory_space<hbm>> -> memref<65528x128xf32, #tpu.memory_space<hbm>>
    tpu.wait_indirect_dma semaphore(%arg10 : memref<!tpu.dma_semaphore, #tpu.memory_space<semaphore_mem>>) src(%dma_wait3A_388 : memref<65528x128xf32, #tpu.memory_space<hbm>>) dst(%dma_wait3A_381 : memref<128x128xf32, #tpu.memory_space<vmem>>)
    %dma_wait3A_389 = arith.constant 7 : i32
    %dma_wait3A_390 = arith.constant 128 : i32
    %dma_wait3A_391 = arith.constant 0 : i32
    %dma_wait3A_392 = tpu.memref_slice %arg8[%dma_wait3A_390, %dma_wait3A_391] : memref<256x128xf32, #tpu.memory_space<vmem>> -> memref<128x128xf32, #tpu.memory_space<vmem>>
    %dma_wait3A_393 = arith.constant 0 : i32
    %dma_wait3A_394 = tpu.memref_slice %arg7[%dma_wait3A_389, %dma_wait3A_393] : memref<8x128xi32, #tpu.memory_space<vmem>> -> memref<1x128xi32, #tpu.memory_space<vmem>>
    %dma_wait3A_395 = tpu.memref_squeeze %dma_wait3A_394 : memref<1x128xi32, #tpu.memory_space<vmem>> -> memref<128xi32, #tpu.memory_space<vmem>>
    %dma_wait3A_396 = tpu.memref_reshape %arg2 : memref<8191x8x128xf32, #tpu.memory_space<hbm>> -> memref<65528x128xf32, #tpu.memory_space<hbm>>
    %dma_wait3A_397 = arith.constant 0 : i32
    %dma_wait3A_398 = arith.constant 0 : i32
    %dma_wait3A_399 = tpu.memref_slice %dma_wait3A_396[%dma_wait3A_397, %dma_wait3A_398] : memref<65528x128xf32, #tpu.memory_space<hbm>> -> memref<65528x128xf32, #tpu.memory_space<hbm>>
    tpu.wait_indirect_dma semaphore(%arg10 : memref<!tpu.dma_semaphore, #tpu.memory_space<semaphore_mem>>) src(%dma_wait3A_399 : memref<65528x128xf32, #tpu.memory_space<hbm>>) dst(%dma_wait3A_392 : memref<128x128xf32, #tpu.memory_space<vmem>>)
    %dma_wait3A_400 = arith.constant 7 : i32
    %dma_wait3A_401 = arith.constant 128 : i32
    %dma_wait3A_402 = arith.constant 0 : i32
    %dma_wait3A_403 = tpu.memref_slice %arg9[%dma_wait3A_401, %dma_wait3A_402] : memref<256x128xf32, #tpu.memory_space<vmem>> -> memref<128x128xf32, #tpu.memory_space<vmem>>
    %dma_wait3A_404 = arith.constant 0 : i32
    %dma_wait3A_405 = tpu.memref_slice %arg7[%dma_wait3A_400, %dma_wait3A_404] : memref<8x128xi32, #tpu.memory_space<vmem>> -> memref<1x128xi32, #tpu.memory_space<vmem>>
    %dma_wait3A_406 = tpu.memref_squeeze %dma_wait3A_405 : memref<1x128xi32, #tpu.memory_space<vmem>> -> memref<128xi32, #tpu.memory_space<vmem>>
    %dma_wait3A_407 = tpu.memref_reshape %arg3 : memref<8191x8x128xf32, #tpu.memory_space<hbm>> -> memref<65528x128xf32, #tpu.memory_space<hbm>>
    %dma_wait3A_408 = arith.constant 0 : i32
    %dma_wait3A_409 = arith.constant 0 : i32
    %dma_wait3A_410 = tpu.memref_slice %dma_wait3A_407[%dma_wait3A_408, %dma_wait3A_409] : memref<65528x128xf32, #tpu.memory_space<hbm>> -> memref<65528x128xf32, #tpu.memory_space<hbm>>
    tpu.wait_indirect_dma semaphore(%arg10 : memref<!tpu.dma_semaphore, #tpu.memory_space<semaphore_mem>>) src(%dma_wait3A_410 : memref<65528x128xf32, #tpu.memory_space<hbm>>) dst(%dma_wait3A_403 : memref<128x128xf32, #tpu.memory_space<vmem>>)
    %mul3A_411 = arith.constant 1024 : i32
    %mul3A_412 = arith.muli %add3A, %mul3A_411 : i32
    %add3A_413 = arith.constant 768 : i32
    %add3A_414 = arith.addi %mul3A_412, %add3A_413 : i32
    %dma_start3A_415 = arith.constant 0 : i32
    %dma_start3A_416 = tpu.memref_slice %arg5[%add3A_414, %dma_start3A_415] : memref<32768x128xf32, #tpu.memory_space<hbm>> -> memref<256x128xf32, #tpu.memory_space<hbm>>
    %dma_start3A_417 = arith.constant 0 : i32
    %dma_start3A_418 = tpu.memref_slice %arg5[%add3A_414, %dma_start3A_417] : memref<32768x128xf32, #tpu.memory_space<hbm>> -> memref<256x128xf32, #tpu.memory_space<hbm>>
    tpu.enqueue_dma source(%arg8 : memref<256x128xf32, #tpu.memory_space<vmem>>) target(%dma_start3A_418 : memref<256x128xf32, #tpu.memory_space<hbm>>) target_semaphore(%arg11 : memref<!tpu.dma_semaphore, #tpu.memory_space<semaphore_mem>>)
    %dma_start3A_419 = arith.constant 0 : i32
    %dma_start3A_420 = tpu.memref_slice %arg6[%add3A_414, %dma_start3A_419] : memref<32768x128xf32, #tpu.memory_space<hbm>> -> memref<256x128xf32, #tpu.memory_space<hbm>>
    %dma_start3A_421 = arith.constant 0 : i32
    %dma_start3A_422 = tpu.memref_slice %arg6[%add3A_414, %dma_start3A_421] : memref<32768x128xf32, #tpu.memory_space<hbm>> -> memref<256x128xf32, #tpu.memory_space<hbm>>
    tpu.enqueue_dma source(%arg9 : memref<256x128xf32, #tpu.memory_space<vmem>>) target(%dma_start3A_422 : memref<256x128xf32, #tpu.memory_space<hbm>>) target_semaphore(%arg11 : memref<!tpu.dma_semaphore, #tpu.memory_space<semaphore_mem>>)
    %dma_wait3A_423 = arith.constant 0 : i32
    %dma_wait3A_424 = tpu.memref_slice %arg5[%add3A_414, %dma_wait3A_423] : memref<32768x128xf32, #tpu.memory_space<hbm>> -> memref<256x128xf32, #tpu.memory_space<hbm>>
    %dma_wait3A_425 = arith.constant 0 : i32
    %dma_wait3A_426 = tpu.memref_slice %arg5[%add3A_414, %dma_wait3A_425] : memref<32768x128xf32, #tpu.memory_space<hbm>> -> memref<256x128xf32, #tpu.memory_space<hbm>>
    tpu.wait_dma2 semaphore(%arg11 : memref<!tpu.dma_semaphore, #tpu.memory_space<semaphore_mem>>) src(%arg8 : memref<256x128xf32, #tpu.memory_space<vmem>>) dst(%dma_wait3A_426 : memref<256x128xf32, #tpu.memory_space<hbm>>)
    %dma_wait3A_427 = arith.constant 0 : i32
    %dma_wait3A_428 = tpu.memref_slice %arg6[%add3A_414, %dma_wait3A_427] : memref<32768x128xf32, #tpu.memory_space<hbm>> -> memref<256x128xf32, #tpu.memory_space<hbm>>
    %dma_wait3A_429 = arith.constant 0 : i32
    %dma_wait3A_430 = tpu.memref_slice %arg6[%add3A_414, %dma_wait3A_429] : memref<32768x128xf32, #tpu.memory_space<hbm>> -> memref<256x128xf32, #tpu.memory_space<hbm>>
    tpu.wait_dma2 semaphore(%arg11 : memref<!tpu.dma_semaphore, #tpu.memory_space<semaphore_mem>>) src(%arg9 : memref<256x128xf32, #tpu.memory_space<vmem>>) dst(%dma_wait3A_430 : memref<256x128xf32, #tpu.memory_space<hbm>>)
    return
  }
}

module attributes {stable_mosaic.version = 14 : i64} {
  func.func @_proj_kernel(%arg0: i32, %arg1: memref<256x4096xf32, #tpu.memory_space<vmem>>, %arg2: memref<256x4096xf32, #tpu.memory_space<vmem>>, %arg3: memref<256x4096xf32, #tpu.memory_space<vmem>>, %arg4: memref<4096x1xf32, #tpu.memory_space<vmem>>, %arg5: memref<64x1xf32, #tpu.memory_space<vmem>>, %arg6: memref<64x1xf32, #tpu.memory_space<vmem>>, %arg7: memref<256x1xf32, #tpu.memory_space<vmem>>, %arg8: memref<256x1xf32, #tpu.memory_space<vmem>>, %arg9: memref<256x1xf32, #tpu.memory_space<vmem>>) attributes {dimension_semantics = [#tpu.dimension_semantics<arbitrary>], iteration_bounds = array<i64: 24>, scalar_prefetch = 0 : i64, scratch_operands = 0 : i64, tpu.core_type = #tpu.core_type<tc>, window_params = [{transform_indices = @transform_0, window_bounds = array<i64: 256, 4096>}, {transform_indices = @transform_1, window_bounds = array<i64: 256, 4096>}, {transform_indices = @transform_2, window_bounds = array<i64: 256, 4096>}, {pipeline_mode = #tpu.pipeline_mode<synchronous>, transform_indices = @transform_3, window_bounds = array<i64: 4096, 1>}, {pipeline_mode = #tpu.pipeline_mode<synchronous>, transform_indices = @transform_4, window_bounds = array<i64: 64, 1>}, {pipeline_mode = #tpu.pipeline_mode<synchronous>, transform_indices = @transform_5, window_bounds = array<i64: 64, 1>}, {transform_indices = @transform_6, window_bounds = array<i64: 256, 1>}, {transform_indices = @transform_7, window_bounds = array<i64: 256, 1>}, {transform_indices = @transform_8, window_bounds = array<i64: 256, 1>}]} {
    %get3A = arith.constant 0 : index
    %get3A_0 = arith.constant 0 : index
    %get3A_1 = vector.load %arg4[%get3A, %get3A_0] : memref<4096x1xf32, #tpu.memory_space<vmem>>, vector<4096x1xf32>
    %get3A_2 = arith.constant 0 : index
    %get3A_3 = arith.constant 0 : index
    %get3A_4 = vector.load %arg5[%get3A_2, %get3A_3] : memref<64x1xf32, #tpu.memory_space<vmem>>, vector<64x1xf32>
    %get3A_5 = arith.constant 0 : index
    %get3A_6 = arith.constant 0 : index
    %get3A_7 = vector.load %arg6[%get3A_5, %get3A_6] : memref<64x1xf32, #tpu.memory_space<vmem>>, vector<64x1xf32>
    %lt3A = arith.constant 16 : i32
    %lt3A_8 = arith.cmpi slt, %arg0, %lt3A : i32
    %convert_element_type3A = arith.extui %lt3A_8 : i1 to i32
    %cond3A = arith.constant 0 : i32
    %cond3A_9 = arith.cmpi ne, %convert_element_type3A, %cond3A : i32
    scf.if %cond3A_9 {
      %get3A_21 = arith.constant 0 : index
      %get3A_22 = arith.constant 0 : index
      %get3A_23 = vector.load %arg1[%get3A_21, %get3A_22] : memref<256x4096xf32, #tpu.memory_space<vmem>>, vector<256x4096xf32>
      %dot_general3A = arith.constant dense<0.000000e+00> : vector<256x1xf32>
      %dot_general3A_24 = tpu.matmul %get3A_23, %get3A_1, %dot_general3A {dimension_numbers = #tpu.dot_dimension_numbers<[1], [0], [0], [1], [0, 0, 1, 1], [], []>, transpose_lhs_hint = false} : vector<256x4096xf32>, vector<4096x1xf32>, vector<256x1xf32> -> vector<256x1xf32>
      %slice3A = vector.extract_strided_slice %dot_general3A_24 {offsets = [0, 0], sizes = [128, 1], strides = [1, 1]} : vector<256x1xf32> to vector<128x1xf32>
      %slice3A_25 = vector.extract_strided_slice %slice3A {offsets = [0, 0], sizes = [64, 1], strides = [1, 1]} : vector<128x1xf32> to vector<64x1xf32>
      %slice3A_26 = vector.extract_strided_slice %slice3A {offsets = [64, 0], sizes = [64, 1], strides = [1, 1]} : vector<128x1xf32> to vector<64x1xf32>
      %mul3A = arith.mulf %slice3A_25, %get3A_4 : vector<64x1xf32>
      %mul3A_27 = arith.mulf %slice3A_26, %get3A_7 : vector<64x1xf32>
      %sub3A = arith.subf %mul3A, %mul3A_27 : vector<64x1xf32>
      %mul3A_28 = arith.mulf %slice3A_26, %get3A_4 : vector<64x1xf32>
      %mul3A_29 = arith.mulf %slice3A_25, %get3A_7 : vector<64x1xf32>
      %add3A = arith.addf %mul3A_28, %mul3A_29 : vector<64x1xf32>
      %concatenate3A = tpu.concatenate %sub3A, %add3A in 0 : vector<64x1xf32>, vector<64x1xf32> -> vector<128x1xf32>
      %slice3A_30 = vector.extract_strided_slice %dot_general3A_24 {offsets = [128, 0], sizes = [128, 1], strides = [1, 1]} : vector<256x1xf32> to vector<128x1xf32>
      %slice3A_31 = vector.extract_strided_slice %slice3A_30 {offsets = [0, 0], sizes = [64, 1], strides = [1, 1]} : vector<128x1xf32> to vector<64x1xf32>
      %slice3A_32 = vector.extract_strided_slice %slice3A_30 {offsets = [64, 0], sizes = [64, 1], strides = [1, 1]} : vector<128x1xf32> to vector<64x1xf32>
      %mul3A_33 = arith.mulf %slice3A_31, %get3A_4 : vector<64x1xf32>
      %mul3A_34 = arith.mulf %slice3A_32, %get3A_7 : vector<64x1xf32>
      %sub3A_35 = arith.subf %mul3A_33, %mul3A_34 : vector<64x1xf32>
      %mul3A_36 = arith.mulf %slice3A_32, %get3A_4 : vector<64x1xf32>
      %mul3A_37 = arith.mulf %slice3A_31, %get3A_7 : vector<64x1xf32>
      %add3A_38 = arith.addf %mul3A_36, %mul3A_37 : vector<64x1xf32>
      %concatenate3A_39 = tpu.concatenate %sub3A_35, %add3A_38 in 0 : vector<64x1xf32>, vector<64x1xf32> -> vector<128x1xf32>
      %concatenate3A_40 = tpu.concatenate %concatenate3A, %concatenate3A_39 in 0 : vector<128x1xf32>, vector<128x1xf32> -> vector<256x1xf32>
      %swap3A = arith.constant 0 : index
      %swap3A_41 = arith.constant 0 : index
      %swap3A_42 = vector.load %arg7[%swap3A, %swap3A_41] : memref<256x1xf32, #tpu.memory_space<vmem>>, vector<256x1xf32>
      tpu.vector_store %arg7[%swap3A, %swap3A_41], %concatenate3A_40 {strides = array<i32>} : memref<256x1xf32, #tpu.memory_space<vmem>>, vector<256x1xf32>,
    } else {
    }
    %ge3A = arith.constant 16 : i32
    %ge3A_10 = arith.cmpi sge, %arg0, %ge3A : i32
    %lt3A_11 = arith.constant 20 : i32
    %lt3A_12 = arith.cmpi slt, %arg0, %lt3A_11 : i32
    %and3A = arith.andi %ge3A_10, %lt3A_12 : i1
    %convert_element_type3A_13 = arith.extui %and3A : i1 to i32
    %cond3A_14 = arith.constant 0 : i32
    %cond3A_15 = arith.cmpi ne, %convert_element_type3A_13, %cond3A_14 : i32
    scf.if %cond3A_15 {
      %get3A_21 = arith.constant 0 : index
      %get3A_22 = arith.constant 0 : index
      %get3A_23 = vector.load %arg2[%get3A_21, %get3A_22] : memref<256x4096xf32, #tpu.memory_space<vmem>>, vector<256x4096xf32>
      %dot_general3A = arith.constant dense<0.000000e+00> : vector<256x1xf32>
      %dot_general3A_24 = tpu.matmul %get3A_23, %get3A_1, %dot_general3A {dimension_numbers = #tpu.dot_dimension_numbers<[1], [0], [0], [1], [0, 0, 1, 1], [], []>, transpose_lhs_hint = false} : vector<256x4096xf32>, vector<4096x1xf32>, vector<256x1xf32> -> vector<256x1xf32>
      %slice3A = vector.extract_strided_slice %dot_general3A_24 {offsets = [0, 0], sizes = [128, 1], strides = [1, 1]} : vector<256x1xf32> to vector<128x1xf32>
      %slice3A_25 = vector.extract_strided_slice %slice3A {offsets = [0, 0], sizes = [64, 1], strides = [1, 1]} : vector<128x1xf32> to vector<64x1xf32>
      %slice3A_26 = vector.extract_strided_slice %slice3A {offsets = [64, 0], sizes = [64, 1], strides = [1, 1]} : vector<128x1xf32> to vector<64x1xf32>
      %mul3A = arith.mulf %slice3A_25, %get3A_4 : vector<64x1xf32>
      %mul3A_27 = arith.mulf %slice3A_26, %get3A_7 : vector<64x1xf32>
      %sub3A = arith.subf %mul3A, %mul3A_27 : vector<64x1xf32>
      %mul3A_28 = arith.mulf %slice3A_26, %get3A_4 : vector<64x1xf32>
      %mul3A_29 = arith.mulf %slice3A_25, %get3A_7 : vector<64x1xf32>
      %add3A = arith.addf %mul3A_28, %mul3A_29 : vector<64x1xf32>
      %concatenate3A = tpu.concatenate %sub3A, %add3A in 0 : vector<64x1xf32>, vector<64x1xf32> -> vector<128x1xf32>
      %slice3A_30 = vector.extract_strided_slice %dot_general3A_24 {offsets = [128, 0], sizes = [128, 1], strides = [1, 1]} : vector<256x1xf32> to vector<128x1xf32>
      %slice3A_31 = vector.extract_strided_slice %slice3A_30 {offsets = [0, 0], sizes = [64, 1], strides = [1, 1]} : vector<128x1xf32> to vector<64x1xf32>
      %slice3A_32 = vector.extract_strided_slice %slice3A_30 {offsets = [64, 0], sizes = [64, 1], strides = [1, 1]} : vector<128x1xf32> to vector<64x1xf32>
      %mul3A_33 = arith.mulf %slice3A_31, %get3A_4 : vector<64x1xf32>
      %mul3A_34 = arith.mulf %slice3A_32, %get3A_7 : vector<64x1xf32>
      %sub3A_35 = arith.subf %mul3A_33, %mul3A_34 : vector<64x1xf32>
      %mul3A_36 = arith.mulf %slice3A_32, %get3A_4 : vector<64x1xf32>
      %mul3A_37 = arith.mulf %slice3A_31, %get3A_7 : vector<64x1xf32>
      %add3A_38 = arith.addf %mul3A_36, %mul3A_37 : vector<64x1xf32>
      %concatenate3A_39 = tpu.concatenate %sub3A_35, %add3A_38 in 0 : vector<64x1xf32>, vector<64x1xf32> -> vector<128x1xf32>
      %concatenate3A_40 = tpu.concatenate %concatenate3A, %concatenate3A_39 in 0 : vector<128x1xf32>, vector<128x1xf32> -> vector<256x1xf32>
      %swap3A = arith.constant 0 : index
      %swap3A_41 = arith.constant 0 : index
      %swap3A_42 = vector.load %arg8[%swap3A, %swap3A_41] : memref<256x1xf32, #tpu.memory_space<vmem>>, vector<256x1xf32>
      tpu.vector_store %arg8[%swap3A, %swap3A_41], %concatenate3A_40 {strides = array<i32>} : memref<256x1xf32, #tpu.memory_space<vmem>>, vector<256x1xf32>,
    } else {
    }
    %ge3A_16 = arith.constant 20 : i32
    %ge3A_17 = arith.cmpi sge, %arg0, %ge3A_16 : i32
    %convert_element_type3A_18 = arith.extui %ge3A_17 : i1 to i32
    %cond3A_19 = arith.constant 0 : i32
    %cond3A_20 = arith.cmpi ne, %convert_element_type3A_18, %cond3A_19 : i32
    scf.if %cond3A_20 {
      %get3A_21 = arith.constant 0 : index
      %get3A_22 = arith.constant 0 : index
      %get3A_23 = vector.load %arg3[%get3A_21, %get3A_22] : memref<256x4096xf32, #tpu.memory_space<vmem>>, vector<256x4096xf32>
      %dot_general3A = arith.constant dense<0.000000e+00> : vector<256x1xf32>
      %dot_general3A_24 = tpu.matmul %get3A_23, %get3A_1, %dot_general3A {dimension_numbers = #tpu.dot_dimension_numbers<[1], [0], [0], [1], [0, 0, 1, 1], [], []>, transpose_lhs_hint = false} : vector<256x4096xf32>, vector<4096x1xf32>, vector<256x1xf32> -> vector<256x1xf32>
      %swap3A = arith.constant 0 : index
      %swap3A_25 = arith.constant 0 : index
      %swap3A_26 = vector.load %arg9[%swap3A, %swap3A_25] : memref<256x1xf32, #tpu.memory_space<vmem>>, vector<256x1xf32>
      tpu.vector_store %arg9[%swap3A, %swap3A_25], %dot_general3A_24 {strides = array<i32>} : memref<256x1xf32, #tpu.memory_space<vmem>>, vector<256x1xf32>,
    } else {
    }
    return
  }
  func.func @transform_0(%arg0: i32) -> (i32, i32) {
    %min3A = arith.constant 15 : i32
    %min3A_0 = arith.minsi %arg0, %min3A : i32
    %c0_i32 = arith.constant 0 : i32
    %c0_i32_1 = arith.constant 0 : i32
    return %min3A_0, %c0_i32 : i32, i32
  }
  func.func @transform_1(%arg0: i32) -> (i32, i32) {
    %sub3A = arith.constant 16 : i32
    %sub3A_0 = arith.subi %arg0, %sub3A : i32
    %jit3A = arith.constant 0 : i32
    %jit3A_1 = arith.constant 3 : i32
    %max3A = arith.maxsi %jit3A, %sub3A_0 : i32
    %min3A = arith.minsi %jit3A_1, %max3A : i32
    %c0_i32 = arith.constant 0 : i32
    %c0_i32_2 = arith.constant 0 : i32
    return %min3A, %c0_i32 : i32, i32
  }
  func.func @transform_2(%arg0: i32) -> (i32, i32) {
    %sub3A = arith.constant 16 : i32
    %sub3A_0 = arith.subi %arg0, %sub3A : i32
    %sub3A_1 = arith.constant 4 : i32
    %sub3A_2 = arith.subi %sub3A_0, %sub3A_1 : i32
    %jit3A = arith.constant 0 : i32
    %jit3A_3 = arith.constant 3 : i32
    %max3A = arith.maxsi %jit3A, %sub3A_2 : i32
    %min3A = arith.minsi %jit3A_3, %max3A : i32
    %c0_i32 = arith.constant 0 : i32
    %c0_i32_4 = arith.constant 0 : i32
    return %min3A, %c0_i32 : i32, i32
  }
  func.func @transform_3(%arg0: i32) -> (i32, i32) {
    %c0_i32 = arith.constant 0 : i32
    %c0_i32_0 = arith.constant 0 : i32
    %c0_i32_1 = arith.constant 0 : i32
    return %c0_i32, %c0_i32_0 : i32, i32
  }
  func.func @transform_4(%arg0: i32) -> (i32, i32) {
    %c0_i32 = arith.constant 0 : i32
    %c0_i32_0 = arith.constant 0 : i32
    %c0_i32_1 = arith.constant 0 : i32
    return %c0_i32, %c0_i32_0 : i32, i32
  }
  func.func @transform_5(%arg0: i32) -> (i32, i32) {
    %c0_i32 = arith.constant 0 : i32
    %c0_i32_0 = arith.constant 0 : i32
    %c0_i32_1 = arith.constant 0 : i32
    return %c0_i32, %c0_i32_0 : i32, i32
  }
  func.func @transform_6(%arg0: i32) -> (i32, i32) {
    %min3A = arith.constant 15 : i32
    %min3A_0 = arith.minsi %arg0, %min3A : i32
    %c0_i32 = arith.constant 0 : i32
    %c0_i32_1 = arith.constant 0 : i32
    return %min3A_0, %c0_i32 : i32, i32
  }
  func.func @transform_7(%arg0: i32) -> (i32, i32) {
    %sub3A = arith.constant 16 : i32
    %sub3A_0 = arith.subi %arg0, %sub3A : i32
    %jit3A = arith.constant 0 : i32
    %jit3A_1 = arith.constant 3 : i32
    %max3A = arith.maxsi %jit3A, %sub3A_0 : i32
    %min3A = arith.minsi %jit3A_1, %max3A : i32
    %c0_i32 = arith.constant 0 : i32
    %c0_i32_2 = arith.constant 0 : i32
    return %min3A, %c0_i32 : i32, i32
  }
  func.func @transform_8(%arg0: i32) -> (i32, i32) {
    %sub3A = arith.constant 16 : i32
    %sub3A_0 = arith.subi %arg0, %sub3A : i32
    %sub3A_1 = arith.constant 4 : i32
    %sub3A_2 = arith.subi %sub3A_0, %sub3A_1 : i32
    %jit3A = arith.constant 0 : i32
    %jit3A_3 = arith.constant 3 : i32
    %max3A = arith.maxsi %jit3A, %sub3A_2 : i32
    %min3A = arith.minsi %jit3A_3, %max3A : i32
    %c0_i32 = arith.constant 0 : i32
    %c0_i32_4 = arith.constant 0 : i32
    return %min3A, %c0_i32 : i32, i32
  }
}

module attributes {stable_mosaic.version = 14 : i64} {
  func.func @_select_kernel(%arg0: i32, %arg1: memref<1024x8x128xf32, #tpu.memory_space<vmem>>, %arg2: memref<16x8x128xf32, #tpu.memory_space<vmem>>, %arg3: memref<32x128xf32, #tpu.memory_space<vmem>>, %arg4: memref<32x64xi32, #tpu.memory_space<vmem>>, %arg5: memref<32x8x128xi32, #tpu.memory_space<vmem>>, %arg6: memref<512x8x128xf32, #tpu.memory_space<vmem>>, %arg7: memref<512x8x128xf32, #tpu.memory_space<vmem>>) attributes {dimension_semantics = [#tpu.dimension_semantics<arbitrary>], iteration_bounds = array<i64: 8>, scalar_prefetch = 0 : i64, scratch_operands = 2 : i64, tpu.core_type = #tpu.core_type<tc>, window_params = [{transform_indices = @transform_0, window_bounds = array<i64: 1024, 8, 128>}, {pipeline_mode = #tpu.pipeline_mode<synchronous>, transform_indices = @transform_1, window_bounds = array<i64: 16, 8, 128>}, {pipeline_mode = #tpu.pipeline_mode<synchronous>, transform_indices = @transform_2, window_bounds = array<i64: 32, 128>}, {pipeline_mode = #tpu.pipeline_mode<synchronous>, transform_indices = @transform_3, window_bounds = array<i64: 32, 64>}, {pipeline_mode = #tpu.pipeline_mode<synchronous>, transform_indices = @transform_4, window_bounds = array<i64: 32, 8, 128>}]} {
    %get3A = arith.constant 0 : index
    %get3A_0 = arith.constant 0 : index
    %get3A_1 = arith.constant 0 : index
    %get3A_2 = vector.load %arg1[%get3A, %get3A_0, %get3A_1] : memref<1024x8x128xf32, #tpu.memory_space<vmem>>, vector<1024x8x128xf32>
    %reshape3A = vector.shape_cast %get3A_2 : vector<1024x8x128xf32> to vector<64x16x8x128xf32>
    %slice3A = vector.extract_strided_slice %reshape3A {offsets = [0, 0, 0, 0], sizes = [64, 8, 8, 128], strides = [1, 1, 1, 1]} : vector<64x16x8x128xf32> to vector<64x8x8x128xf32>
    %slice3A_3 = vector.extract_strided_slice %reshape3A {offsets = [0, 8, 0, 0], sizes = [64, 8, 8, 128], strides = [1, 1, 1, 1]} : vector<64x16x8x128xf32> to vector<64x8x8x128xf32>
    %min3A = arith.minimumf %slice3A, %slice3A_3 : vector<64x8x8x128xf32>
    %slice3A_4 = vector.extract_strided_slice %reshape3A {offsets = [0, 0, 0, 0], sizes = [64, 8, 8, 128], strides = [1, 1, 1, 1]} : vector<64x16x8x128xf32> to vector<64x8x8x128xf32>
    %slice3A_5 = vector.extract_strided_slice %reshape3A {offsets = [0, 8, 0, 0], sizes = [64, 8, 8, 128], strides = [1, 1, 1, 1]} : vector<64x16x8x128xf32> to vector<64x8x8x128xf32>
    %max3A = arith.maximumf %slice3A_4, %slice3A_5 : vector<64x8x8x128xf32>
    %slice3A_6 = vector.extract_strided_slice %min3A {offsets = [0, 0, 0, 0], sizes = [64, 4, 8, 128], strides = [1, 1, 1, 1]} : vector<64x8x8x128xf32> to vector<64x4x8x128xf32>
    %slice3A_7 = vector.extract_strided_slice %min3A {offsets = [0, 4, 0, 0], sizes = [64, 4, 8, 128], strides = [1, 1, 1, 1]} : vector<64x8x8x128xf32> to vector<64x4x8x128xf32>
    %min3A_8 = arith.minimumf %slice3A_6, %slice3A_7 : vector<64x4x8x128xf32>
    %slice3A_9 = vector.extract_strided_slice %max3A {offsets = [0, 0, 0, 0], sizes = [64, 4, 8, 128], strides = [1, 1, 1, 1]} : vector<64x8x8x128xf32> to vector<64x4x8x128xf32>
    %slice3A_10 = vector.extract_strided_slice %max3A {offsets = [0, 4, 0, 0], sizes = [64, 4, 8, 128], strides = [1, 1, 1, 1]} : vector<64x8x8x128xf32> to vector<64x4x8x128xf32>
    %max3A_11 = arith.maximumf %slice3A_9, %slice3A_10 : vector<64x4x8x128xf32>
    %slice3A_12 = vector.extract_strided_slice %min3A_8 {offsets = [0, 0, 0, 0], sizes = [64, 2, 8, 128], strides = [1, 1, 1, 1]} : vector<64x4x8x128xf32> to vector<64x2x8x128xf32>
    %slice3A_13 = vector.extract_strided_slice %min3A_8 {offsets = [0, 2, 0, 0], sizes = [64, 2, 8, 128], strides = [1, 1, 1, 1]} : vector<64x4x8x128xf32> to vector<64x2x8x128xf32>
    %min3A_14 = arith.minimumf %slice3A_12, %slice3A_13 : vector<64x2x8x128xf32>
    %slice3A_15 = vector.extract_strided_slice %max3A_11 {offsets = [0, 0, 0, 0], sizes = [64, 2, 8, 128], strides = [1, 1, 1, 1]} : vector<64x4x8x128xf32> to vector<64x2x8x128xf32>
    %slice3A_16 = vector.extract_strided_slice %max3A_11 {offsets = [0, 2, 0, 0], sizes = [64, 2, 8, 128], strides = [1, 1, 1, 1]} : vector<64x4x8x128xf32> to vector<64x2x8x128xf32>
    %max3A_17 = arith.maximumf %slice3A_15, %slice3A_16 : vector<64x2x8x128xf32>
    %slice3A_18 = vector.extract_strided_slice %min3A_14 {offsets = [0, 0, 0, 0], sizes = [64, 1, 8, 128], strides = [1, 1, 1, 1]} : vector<64x2x8x128xf32> to vector<64x1x8x128xf32>
    %slice3A_19 = vector.extract_strided_slice %min3A_14 {offsets = [0, 1, 0, 0], sizes = [64, 1, 8, 128], strides = [1, 1, 1, 1]} : vector<64x2x8x128xf32> to vector<64x1x8x128xf32>
    %min3A_20 = arith.minimumf %slice3A_18, %slice3A_19 : vector<64x1x8x128xf32>
    %slice3A_21 = vector.extract_strided_slice %max3A_17 {offsets = [0, 0, 0, 0], sizes = [64, 1, 8, 128], strides = [1, 1, 1, 1]} : vector<64x2x8x128xf32> to vector<64x1x8x128xf32>
    %slice3A_22 = vector.extract_strided_slice %max3A_17 {offsets = [0, 1, 0, 0], sizes = [64, 1, 8, 128], strides = [1, 1, 1, 1]} : vector<64x2x8x128xf32> to vector<64x1x8x128xf32>
    %max3A_23 = arith.maximumf %slice3A_21, %slice3A_22 : vector<64x1x8x128xf32>
    %squeeze3A = vector.shape_cast %min3A_20 : vector<64x1x8x128xf32> to vector<64x8x128xf32>
    %mul3A = arith.constant 64 : i32
    %mul3A_24 = arith.muli %arg0, %mul3A : i32
    %swap3A = arith.index_cast %mul3A_24 : i32 to index
    %swap3A_25 = arith.constant 0 : index
    %swap3A_26 = arith.constant 0 : index
    %swap3A_27 = vector.load %arg6[%swap3A, %swap3A_25, %swap3A_26] : memref<512x8x128xf32, #tpu.memory_space<vmem>>, vector<64x8x128xf32>
    tpu.vector_store %arg6[%swap3A, %swap3A_25, %swap3A_26], %squeeze3A {strides = array<i32>} : memref<512x8x128xf32, #tpu.memory_space<vmem>>, vector<64x8x128xf32>,
    %squeeze3A_28 = vector.shape_cast %max3A_23 : vector<64x1x8x128xf32> to vector<64x8x128xf32>
    %mul3A_29 = arith.constant 64 : i32
    %mul3A_30 = arith.muli %arg0, %mul3A_29 : i32
    %swap3A_31 = arith.index_cast %mul3A_30 : i32 to index
    %swap3A_32 = arith.constant 0 : index
    %swap3A_33 = arith.constant 0 : index
    %swap3A_34 = vector.load %arg7[%swap3A_31, %swap3A_32, %swap3A_33] : memref<512x8x128xf32, #tpu.memory_space<vmem>>, vector<64x8x128xf32>
    tpu.vector_store %arg7[%swap3A_31, %swap3A_32, %swap3A_33], %squeeze3A_28 {strides = array<i32>} : memref<512x8x128xf32, #tpu.memory_space<vmem>>, vector<64x8x128xf32>,
    %eq3A = arith.constant 7 : i32
    %eq3A_35 = arith.cmpi eq, %arg0, %eq3A : i32
    %convert_element_type3A = arith.extui %eq3A_35 : i1 to i32
    %cond3A = arith.constant 0 : i32
    %cond3A_36 = arith.cmpi ne, %convert_element_type3A, %cond3A : i32
    scf.if %cond3A_36 {
      %get3A_37 = arith.constant 0 : index
      %get3A_38 = arith.constant 0 : index
      %get3A_39 = arith.constant 0 : index
      %get3A_40 = vector.load %arg2[%get3A_37, %get3A_38, %get3A_39] : memref<16x8x128xf32, #tpu.memory_space<vmem>>, vector<16x8x128xf32>
      %reduce_min3A = arith.constant dense<0x7F800000> : vector<8x128xf32>
      %reduce_min3A_41 = vector.multi_reduction <minimumf>, %get3A_40, %reduce_min3A [0] : vector<16x8x128xf32> to vector<8x128xf32>
      %broadcast_in_dim3A = vector.shape_cast %reduce_min3A_41 : vector<8x128xf32> to vector<1x8x128xf32>
      %swap3A_42 = arith.constant 511 : index
      %swap3A_43 = arith.constant 0 : index
      %swap3A_44 = arith.constant 0 : index
      %swap3A_45 = vector.load %arg6[%swap3A_42, %swap3A_43, %swap3A_44] : memref<512x8x128xf32, #tpu.memory_space<vmem>>, vector<1x8x128xf32>
      tpu.vector_store %arg6[%swap3A_42, %swap3A_43, %swap3A_44], %broadcast_in_dim3A {strides = array<i32>} : memref<512x8x128xf32, #tpu.memory_space<vmem>>, vector<1x8x128xf32>,
      %get3A_46 = arith.constant 0 : index
      %get3A_47 = arith.constant 0 : index
      %get3A_48 = arith.constant 0 : index
      %get3A_49 = vector.load %arg2[%get3A_46, %get3A_47, %get3A_48] : memref<16x8x128xf32, #tpu.memory_space<vmem>>, vector<16x8x128xf32>
      %reduce_max3A = arith.constant dense<0xFF800000> : vector<8x128xf32>
      %reduce_max3A_50 = vector.multi_reduction <maximumf>, %get3A_49, %reduce_max3A [0] : vector<16x8x128xf32> to vector<8x128xf32>
      %broadcast_in_dim3A_51 = vector.shape_cast %reduce_max3A_50 : vector<8x128xf32> to vector<1x8x128xf32>
      %swap3A_52 = arith.constant 511 : index
      %swap3A_53 = arith.constant 0 : index
      %swap3A_54 = arith.constant 0 : index
      %swap3A_55 = vector.load %arg7[%swap3A_52, %swap3A_53, %swap3A_54] : memref<512x8x128xf32, #tpu.memory_space<vmem>>, vector<1x8x128xf32>
      tpu.vector_store %arg7[%swap3A_52, %swap3A_53, %swap3A_54], %broadcast_in_dim3A_51 {strides = array<i32>} : memref<512x8x128xf32, #tpu.memory_space<vmem>>, vector<1x8x128xf32>,
      %get3A_56 = arith.constant 0 : index
      %get3A_57 = arith.constant 0 : index
      %get3A_58 = vector.load %arg3[%get3A_56, %get3A_57] : memref<32x128xf32, #tpu.memory_space<vmem>>, vector<32x128xf32>
      %max3A_59 = arith.constant 0.000000e+00 : f32
      %max3A_60 = vector.broadcast %max3A_59 : f32 to vector<32x128xf32>
      %max3A_61 = arith.maximumf %get3A_58, %max3A_60 : vector<32x128xf32>
      %min3A_62 = arith.constant 0.000000e+00 : f32
      %min3A_63 = vector.broadcast %min3A_62 : f32 to vector<32x128xf32>
      %min3A_64 = arith.minimumf %get3A_58, %min3A_63 : vector<32x128xf32>
      %get3A_65 = arith.constant 0 : index
      %get3A_66 = arith.constant 0 : index
      %get3A_67 = arith.constant 0 : index
      %get3A_68 = vector.load %arg6[%get3A_65, %get3A_66, %get3A_67] : memref<512x8x128xf32, #tpu.memory_space<vmem>>, vector<512x1x128xf32>
      %get3A_69 = vector.shape_cast %get3A_68 : vector<512x1x128xf32> to vector<512x128xf32>
      %get3A_70 = arith.constant 0 : index
      %get3A_71 = arith.constant 0 : index
      %get3A_72 = arith.constant 0 : index
      %get3A_73 = vector.load %arg7[%get3A_70, %get3A_71, %get3A_72] : memref<512x8x128xf32, #tpu.memory_space<vmem>>, vector<512x1x128xf32>
      %get3A_74 = vector.shape_cast %get3A_73 : vector<512x1x128xf32> to vector<512x128xf32>
      %slice3A_75 = vector.extract_strided_slice %max3A_61 {offsets = [0, 0], sizes = [4, 128], strides = [1, 1]} : vector<32x128xf32> to vector<4x128xf32>
      %slice3A_76 = vector.extract_strided_slice %min3A_64 {offsets = [0, 0], sizes = [4, 128], strides = [1, 1]} : vector<32x128xf32> to vector<4x128xf32>
      %dot_general3A = arith.constant dense<0.000000e+00> : vector<4x512xf32>
      %dot_general3A_77 = tpu.matmul %slice3A_75, %get3A_74, %dot_general3A {dimension_numbers = #tpu.dot_dimension_numbers<[1], [1], [0], [0], [0, 0, 1, 0], [], []>, precision = #tpu.contract_precision<fp32>, transpose_lhs_hint = false} : vector<4x128xf32>, vector<512x128xf32>, vector<4x512xf32> -> vector<4x512xf32>
      %dot_general3A_78 = arith.constant dense<0.000000e+00> : vector<4x512xf32>
      %dot_general3A_79 = tpu.matmul %slice3A_76, %get3A_69, %dot_general3A_78 {dimension_numbers = #tpu.dot_dimension_numbers<[1], [1], [0], [0], [0, 0, 1, 0], [], []>, precision = #tpu.contract_precision<fp32>, transpose_lhs_hint = false} : vector<4x128xf32>, vector<512x128xf32>, vector<4x512xf32> -> vector<4x512xf32>
      %add3A = arith.addf %dot_general3A_77, %dot_general3A_79 : vector<4x512xf32>
      %get3A_80 = arith.constant 0 : index
      %get3A_81 = arith.constant 1 : index
      %get3A_82 = arith.constant 0 : index
      %get3A_83 = vector.load %arg6[%get3A_80, %get3A_81, %get3A_82] : memref<512x8x128xf32, #tpu.memory_space<vmem>>, vector<512x1x128xf32>
      %get3A_84 = vector.shape_cast %get3A_83 : vector<512x1x128xf32> to vector<512x128xf32>
      %get3A_85 = arith.constant 0 : index
      %get3A_86 = arith.constant 1 : index
      %get3A_87 = arith.constant 0 : index
      %get3A_88 = vector.load %arg7[%get3A_85, %get3A_86, %get3A_87] : memref<512x8x128xf32, #tpu.memory_space<vmem>>, vector<512x1x128xf32>
      %get3A_89 = vector.shape_cast %get3A_88 : vector<512x1x128xf32> to vector<512x128xf32>
      %slice3A_90 = vector.extract_strided_slice %max3A_61 {offsets = [4, 0], sizes = [4, 128], strides = [1, 1]} : vector<32x128xf32> to vector<4x128xf32>
      %slice3A_91 = vector.extract_strided_slice %min3A_64 {offsets = [4, 0], sizes = [4, 128], strides = [1, 1]} : vector<32x128xf32> to vector<4x128xf32>
      %dot_general3A_92 = arith.constant dense<0.000000e+00> : vector<4x512xf32>
      %dot_general3A_93 = tpu.matmul %slice3A_90, %get3A_89, %dot_general3A_92 {dimension_numbers = #tpu.dot_dimension_numbers<[1], [1], [0], [0], [0, 0, 1, 0], [], []>, precision = #tpu.contract_precision<fp32>, transpose_lhs_hint = false} : vector<4x128xf32>, vector<512x128xf32>, vector<4x512xf32> -> vector<4x512xf32>
      %dot_general3A_94 = arith.constant dense<0.000000e+00> : vector<4x512xf32>
      %dot_general3A_95 = tpu.matmul %slice3A_91, %get3A_84, %dot_general3A_94 {dimension_numbers = #tpu.dot_dimension_numbers<[1], [1], [0], [0], [0, 0, 1, 0], [], []>, precision = #tpu.contract_precision<fp32>, transpose_lhs_hint = false} : vector<4x128xf32>, vector<512x128xf32>, vector<4x512xf32> -> vector<4x512xf32>
      %add3A_96 = arith.addf %dot_general3A_93, %dot_general3A_95 : vector<4x512xf32>
      %get3A_97 = arith.constant 0 : index
      %get3A_98 = arith.constant 2 : index
      %get3A_99 = arith.constant 0 : index
      %get3A_100 = vector.load %arg6[%get3A_97, %get3A_98, %get3A_99] : memref<512x8x128xf32, #tpu.memory_space<vmem>>, vector<512x1x128xf32>
      %get3A_101 = vector.shape_cast %get3A_100 : vector<512x1x128xf32> to vector<512x128xf32>
      %get3A_102 = arith.constant 0 : index
      %get3A_103 = arith.constant 2 : index
      %get3A_104 = arith.constant 0 : index
      %get3A_105 = vector.load %arg7[%get3A_102, %get3A_103, %get3A_104] : memref<512x8x128xf32, #tpu.memory_space<vmem>>, vector<512x1x128xf32>
      %get3A_106 = vector.shape_cast %get3A_105 : vector<512x1x128xf32> to vector<512x128xf32>
      %slice3A_107 = vector.extract_strided_slice %max3A_61 {offsets = [8, 0], sizes = [4, 128], strides = [1, 1]} : vector<32x128xf32> to vector<4x128xf32>
      %slice3A_108 = vector.extract_strided_slice %min3A_64 {offsets = [8, 0], sizes = [4, 128], strides = [1, 1]} : vector<32x128xf32> to vector<4x128xf32>
      %dot_general3A_109 = arith.constant dense<0.000000e+00> : vector<4x512xf32>
      %dot_general3A_110 = tpu.matmul %slice3A_107, %get3A_106, %dot_general3A_109 {dimension_numbers = #tpu.dot_dimension_numbers<[1], [1], [0], [0], [0, 0, 1, 0], [], []>, precision = #tpu.contract_precision<fp32>, transpose_lhs_hint = false} : vector<4x128xf32>, vector<512x128xf32>, vector<4x512xf32> -> vector<4x512xf32>
      %dot_general3A_111 = arith.constant dense<0.000000e+00> : vector<4x512xf32>
      %dot_general3A_112 = tpu.matmul %slice3A_108, %get3A_101, %dot_general3A_111 {dimension_numbers = #tpu.dot_dimension_numbers<[1], [1], [0], [0], [0, 0, 1, 0], [], []>, precision = #tpu.contract_precision<fp32>, transpose_lhs_hint = false} : vector<4x128xf32>, vector<512x128xf32>, vector<4x512xf32> -> vector<4x512xf32>
      %add3A_113 = arith.addf %dot_general3A_110, %dot_general3A_112 : vector<4x512xf32>
      %get3A_114 = arith.constant 0 : index
      %get3A_115 = arith.constant 3 : index
      %get3A_116 = arith.constant 0 : index
      %get3A_117 = vector.load %arg6[%get3A_114, %get3A_115, %get3A_116] : memref<512x8x128xf32, #tpu.memory_space<vmem>>, vector<512x1x128xf32>
      %get3A_118 = vector.shape_cast %get3A_117 : vector<512x1x128xf32> to vector<512x128xf32>
      %get3A_119 = arith.constant 0 : index
      %get3A_120 = arith.constant 3 : index
      %get3A_121 = arith.constant 0 : index
      %get3A_122 = vector.load %arg7[%get3A_119, %get3A_120, %get3A_121] : memref<512x8x128xf32, #tpu.memory_space<vmem>>, vector<512x1x128xf32>
      %get3A_123 = vector.shape_cast %get3A_122 : vector<512x1x128xf32> to vector<512x128xf32>
      %slice3A_124 = vector.extract_strided_slice %max3A_61 {offsets = [12, 0], sizes = [4, 128], strides = [1, 1]} : vector<32x128xf32> to vector<4x128xf32>
      %slice3A_125 = vector.extract_strided_slice %min3A_64 {offsets = [12, 0], sizes = [4, 128], strides = [1, 1]} : vector<32x128xf32> to vector<4x128xf32>
      %dot_general3A_126 = arith.constant dense<0.000000e+00> : vector<4x512xf32>
      %dot_general3A_127 = tpu.matmul %slice3A_124, %get3A_123, %dot_general3A_126 {dimension_numbers = #tpu.dot_dimension_numbers<[1], [1], [0], [0], [0, 0, 1, 0], [], []>, precision = #tpu.contract_precision<fp32>, transpose_lhs_hint = false} : vector<4x128xf32>, vector<512x128xf32>, vector<4x512xf32> -> vector<4x512xf32>
      %dot_general3A_128 = arith.constant dense<0.000000e+00> : vector<4x512xf32>
      %dot_general3A_129 = tpu.matmul %slice3A_125, %get3A_118, %dot_general3A_128 {dimension_numbers = #tpu.dot_dimension_numbers<[1], [1], [0], [0], [0, 0, 1, 0], [], []>, precision = #tpu.contract_precision<fp32>, transpose_lhs_hint = false} : vector<4x128xf32>, vector<512x128xf32>, vector<4x512xf32> -> vector<4x512xf32>
      %add3A_130 = arith.addf %dot_general3A_127, %dot_general3A_129 : vector<4x512xf32>
      %get3A_131 = arith.constant 0 : index
      %get3A_132 = arith.constant 4 : index
      %get3A_133 = arith.constant 0 : index
      %get3A_134 = vector.load %arg6[%get3A_131, %get3A_132, %get3A_133] : memref<512x8x128xf32, #tpu.memory_space<vmem>>, vector<512x1x128xf32>
      %get3A_135 = vector.shape_cast %get3A_134 : vector<512x1x128xf32> to vector<512x128xf32>
      %get3A_136 = arith.constant 0 : index
      %get3A_137 = arith.constant 4 : index
      %get3A_138 = arith.constant 0 : index
      %get3A_139 = vector.load %arg7[%get3A_136, %get3A_137, %get3A_138] : memref<512x8x128xf32, #tpu.memory_space<vmem>>, vector<512x1x128xf32>
      %get3A_140 = vector.shape_cast %get3A_139 : vector<512x1x128xf32> to vector<512x128xf32>
      %slice3A_141 = vector.extract_strided_slice %max3A_61 {offsets = [16, 0], sizes = [4, 128], strides = [1, 1]} : vector<32x128xf32> to vector<4x128xf32>
      %slice3A_142 = vector.extract_strided_slice %min3A_64 {offsets = [16, 0], sizes = [4, 128], strides = [1, 1]} : vector<32x128xf32> to vector<4x128xf32>
      %dot_general3A_143 = arith.constant dense<0.000000e+00> : vector<4x512xf32>
      %dot_general3A_144 = tpu.matmul %slice3A_141, %get3A_140, %dot_general3A_143 {dimension_numbers = #tpu.dot_dimension_numbers<[1], [1], [0], [0], [0, 0, 1, 0], [], []>, precision = #tpu.contract_precision<fp32>, transpose_lhs_hint = false} : vector<4x128xf32>, vector<512x128xf32>, vector<4x512xf32> -> vector<4x512xf32>
      %dot_general3A_145 = arith.constant dense<0.000000e+00> : vector<4x512xf32>
      %dot_general3A_146 = tpu.matmul %slice3A_142, %get3A_135, %dot_general3A_145 {dimension_numbers = #tpu.dot_dimension_numbers<[1], [1], [0], [0], [0, 0, 1, 0], [], []>, precision = #tpu.contract_precision<fp32>, transpose_lhs_hint = false} : vector<4x128xf32>, vector<512x128xf32>, vector<4x512xf32> -> vector<4x512xf32>
      %add3A_147 = arith.addf %dot_general3A_144, %dot_general3A_146 : vector<4x512xf32>
      %get3A_148 = arith.constant 0 : index
      %get3A_149 = arith.constant 5 : index
      %get3A_150 = arith.constant 0 : index
      %get3A_151 = vector.load %arg6[%get3A_148, %get3A_149, %get3A_150] : memref<512x8x128xf32, #tpu.memory_space<vmem>>, vector<512x1x128xf32>
      %get3A_152 = vector.shape_cast %get3A_151 : vector<512x1x128xf32> to vector<512x128xf32>
      %get3A_153 = arith.constant 0 : index
      %get3A_154 = arith.constant 5 : index
      %get3A_155 = arith.constant 0 : index
      %get3A_156 = vector.load %arg7[%get3A_153, %get3A_154, %get3A_155] : memref<512x8x128xf32, #tpu.memory_space<vmem>>, vector<512x1x128xf32>
      %get3A_157 = vector.shape_cast %get3A_156 : vector<512x1x128xf32> to vector<512x128xf32>
      %slice3A_158 = vector.extract_strided_slice %max3A_61 {offsets = [20, 0], sizes = [4, 128], strides = [1, 1]} : vector<32x128xf32> to vector<4x128xf32>
      %slice3A_159 = vector.extract_strided_slice %min3A_64 {offsets = [20, 0], sizes = [4, 128], strides = [1, 1]} : vector<32x128xf32> to vector<4x128xf32>
      %dot_general3A_160 = arith.constant dense<0.000000e+00> : vector<4x512xf32>
      %dot_general3A_161 = tpu.matmul %slice3A_158, %get3A_157, %dot_general3A_160 {dimension_numbers = #tpu.dot_dimension_numbers<[1], [1], [0], [0], [0, 0, 1, 0], [], []>, precision = #tpu.contract_precision<fp32>, transpose_lhs_hint = false} : vector<4x128xf32>, vector<512x128xf32>, vector<4x512xf32> -> vector<4x512xf32>
      %dot_general3A_162 = arith.constant dense<0.000000e+00> : vector<4x512xf32>
      %dot_general3A_163 = tpu.matmul %slice3A_159, %get3A_152, %dot_general3A_162 {dimension_numbers = #tpu.dot_dimension_numbers<[1], [1], [0], [0], [0, 0, 1, 0], [], []>, precision = #tpu.contract_precision<fp32>, transpose_lhs_hint = false} : vector<4x128xf32>, vector<512x128xf32>, vector<4x512xf32> -> vector<4x512xf32>
      %add3A_164 = arith.addf %dot_general3A_161, %dot_general3A_163 : vector<4x512xf32>
      %get3A_165 = arith.constant 0 : index
      %get3A_166 = arith.constant 6 : index
      %get3A_167 = arith.constant 0 : index
      %get3A_168 = vector.load %arg6[%get3A_165, %get3A_166, %get3A_167] : memref<512x8x128xf32, #tpu.memory_space<vmem>>, vector<512x1x128xf32>
      %get3A_169 = vector.shape_cast %get3A_168 : vector<512x1x128xf32> to vector<512x128xf32>
      %get3A_170 = arith.constant 0 : index
      %get3A_171 = arith.constant 6 : index
      %get3A_172 = arith.constant 0 : index
      %get3A_173 = vector.load %arg7[%get3A_170, %get3A_171, %get3A_172] : memref<512x8x128xf32, #tpu.memory_space<vmem>>, vector<512x1x128xf32>
      %get3A_174 = vector.shape_cast %get3A_173 : vector<512x1x128xf32> to vector<512x128xf32>
      %slice3A_175 = vector.extract_strided_slice %max3A_61 {offsets = [24, 0], sizes = [4, 128], strides = [1, 1]} : vector<32x128xf32> to vector<4x128xf32>
      %slice3A_176 = vector.extract_strided_slice %min3A_64 {offsets = [24, 0], sizes = [4, 128], strides = [1, 1]} : vector<32x128xf32> to vector<4x128xf32>
      %dot_general3A_177 = arith.constant dense<0.000000e+00> : vector<4x512xf32>
      %dot_general3A_178 = tpu.matmul %slice3A_175, %get3A_174, %dot_general3A_177 {dimension_numbers = #tpu.dot_dimension_numbers<[1], [1], [0], [0], [0, 0, 1, 0], [], []>, precision = #tpu.contract_precision<fp32>, transpose_lhs_hint = false} : vector<4x128xf32>, vector<512x128xf32>, vector<4x512xf32> -> vector<4x512xf32>
      %dot_general3A_179 = arith.constant dense<0.000000e+00> : vector<4x512xf32>
      %dot_general3A_180 = tpu.matmul %slice3A_176, %get3A_169, %dot_general3A_179 {dimension_numbers = #tpu.dot_dimension_numbers<[1], [1], [0], [0], [0, 0, 1, 0], [], []>, precision = #tpu.contract_precision<fp32>, transpose_lhs_hint = false} : vector<4x128xf32>, vector<512x128xf32>, vector<4x512xf32> -> vector<4x512xf32>
      %add3A_181 = arith.addf %dot_general3A_178, %dot_general3A_180 : vector<4x512xf32>
      %get3A_182 = arith.constant 0 : index
      %get3A_183 = arith.constant 7 : index
      %get3A_184 = arith.constant 0 : index
      %get3A_185 = vector.load %arg6[%get3A_182, %get3A_183, %get3A_184] : memref<512x8x128xf32, #tpu.memory_space<vmem>>, vector<512x1x128xf32>
      %get3A_186 = vector.shape_cast %get3A_185 : vector<512x1x128xf32> to vector<512x128xf32>
      %get3A_187 = arith.constant 0 : index
      %get3A_188 = arith.constant 7 : index
      %get3A_189 = arith.constant 0 : index
      %get3A_190 = vector.load %arg7[%get3A_187, %get3A_188, %get3A_189] : memref<512x8x128xf32, #tpu.memory_space<vmem>>, vector<512x1x128xf32>
      %get3A_191 = vector.shape_cast %get3A_190 : vector<512x1x128xf32> to vector<512x128xf32>
      %slice3A_192 = vector.extract_strided_slice %max3A_61 {offsets = [28, 0], sizes = [4, 128], strides = [1, 1]} : vector<32x128xf32> to vector<4x128xf32>
      %slice3A_193 = vector.extract_strided_slice %min3A_64 {offsets = [28, 0], sizes = [4, 128], strides = [1, 1]} : vector<32x128xf32> to vector<4x128xf32>
      %dot_general3A_194 = arith.constant dense<0.000000e+00> : vector<4x512xf32>
      %dot_general3A_195 = tpu.matmul %slice3A_192, %get3A_191, %dot_general3A_194 {dimension_numbers = #tpu.dot_dimension_numbers<[1], [1], [0], [0], [0, 0, 1, 0], [], []>, precision = #tpu.contract_precision<fp32>, transpose_lhs_hint = false} : vector<4x128xf32>, vector<512x128xf32>, vector<4x512xf32> -> vector<4x512xf32>
      %dot_general3A_196 = arith.constant dense<0.000000e+00> : vector<4x512xf32>
      %dot_general3A_197 = tpu.matmul %slice3A_193, %get3A_186, %dot_general3A_196 {dimension_numbers = #tpu.dot_dimension_numbers<[1], [1], [0], [0], [0, 0, 1, 0], [], []>, precision = #tpu.contract_precision<fp32>, transpose_lhs_hint = false} : vector<4x128xf32>, vector<512x128xf32>, vector<4x512xf32> -> vector<4x512xf32>
      %add3A_198 = arith.addf %dot_general3A_195, %dot_general3A_197 : vector<4x512xf32>
      %concatenate3A = tpu.concatenate %add3A, %add3A_96, %add3A_113, %add3A_130, %add3A_147, %add3A_164, %add3A_181, %add3A_198 in 0 : vector<4x512xf32>, vector<4x512xf32>, vector<4x512xf32>, vector<4x512xf32>, vector<4x512xf32>, vector<4x512xf32>, vector<4x512xf32>, vector<4x512xf32> -> vector<32x512xf32>
      %iota3A = tpu.iota {dimensions = array<i32: 1>} : vector<32x512xi32>
      %reduce_max3A_199 = arith.constant dense<0xFF800000> : vector<32xf32>
      %reduce_max3A_200 = vector.multi_reduction <maximumf>, %concatenate3A, %reduce_max3A_199 [1] : vector<32x512xf32> to vector<32xf32>
      %broadcast_in_dim3A_201 = vector.shape_cast %reduce_max3A_200 : vector<32xf32> to vector<32x1xf32>
      %eq3A_202 = vector.broadcast %broadcast_in_dim3A_201 : vector<32x1xf32> to vector<32x512xf32>
      %eq3A_203 = arith.cmpf oeq, %concatenate3A, %eq3A_202 : vector<32x512xf32>
      %jit3A = arith.constant 512 : i32
      %broadcast_in_dim3A_204 = vector.broadcast %jit3A : i32 to vector<32x512xi32>
      %select_n3A = arith.select %eq3A_203, %iota3A, %broadcast_in_dim3A_204 : vector<32x512xi1>, vector<32x512xi32>
      %reduce_min3A_205 = arith.constant dense<2147483647> : vector<32xi32>
      %reduce_min3A_206 = vector.multi_reduction <minsi>, %select_n3A, %reduce_min3A_205 [1] : vector<32x512xi32> to vector<32xi32>
      %broadcast_in_dim3A_207 = vector.shape_cast %reduce_min3A_206 : vector<32xi32> to vector<32x1xi32>
      %eq3A_208 = vector.broadcast %broadcast_in_dim3A_207 : vector<32x1xi32> to vector<32x512xi32>
      %eq3A_209 = arith.cmpi eq, %iota3A, %eq3A_208 : vector<32x512xi32>
      %jit3A_210 = arith.constant 0xFF800000 : f32
      %broadcast_in_dim3A_211 = vector.broadcast %jit3A_210 : f32 to vector<32x512xf32>
      %select_n3A_212 = arith.select %eq3A_209, %broadcast_in_dim3A_211, %concatenate3A : vector<32x512xi1>, vector<32x512xf32>
      %reduce_max3A_213 = arith.constant dense<0xFF800000> : vector<32xf32>
      %reduce_max3A_214 = vector.multi_reduction <maximumf>, %select_n3A_212, %reduce_max3A_213 [1] : vector<32x512xf32> to vector<32xf32>
      %broadcast_in_dim3A_215 = vector.shape_cast %reduce_max3A_214 : vector<32xf32> to vector<32x1xf32>
      %eq3A_216 = vector.broadcast %broadcast_in_dim3A_215 : vector<32x1xf32> to vector<32x512xf32>
      %eq3A_217 = arith.cmpf oeq, %select_n3A_212, %eq3A_216 : vector<32x512xf32>
      %jit3A_218 = arith.constant 512 : i32
      %broadcast_in_dim3A_219 = vector.broadcast %jit3A_218 : i32 to vector<32x512xi32>
      %select_n3A_220 = arith.select %eq3A_217, %iota3A, %broadcast_in_dim3A_219 : vector<32x512xi1>, vector<32x512xi32>
      %reduce_min3A_221 = arith.constant dense<2147483647> : vector<32xi32>
      %reduce_min3A_222 = vector.multi_reduction <minsi>, %select_n3A_220, %reduce_min3A_221 [1] : vector<32x512xi32> to vector<32xi32>
      %broadcast_in_dim3A_223 = vector.shape_cast %reduce_min3A_222 : vector<32xi32> to vector<32x1xi32>
      %eq3A_224 = vector.broadcast %broadcast_in_dim3A_223 : vector<32x1xi32> to vector<32x512xi32>
      %eq3A_225 = arith.cmpi eq, %iota3A, %eq3A_224 : vector<32x512xi32>
      %jit3A_226 = arith.constant 0xFF800000 : f32
      %broadcast_in_dim3A_227 = vector.broadcast %jit3A_226 : f32 to vector<32x512xf32>
      %select_n3A_228 = arith.select %eq3A_225, %broadcast_in_dim3A_227, %select_n3A_212 : vector<32x512xi1>, vector<32x512xf32>
      %reduce_max3A_229 = arith.constant dense<0xFF800000> : vector<32xf32>
      %reduce_max3A_230 = vector.multi_reduction <maximumf>, %select_n3A_228, %reduce_max3A_229 [1] : vector<32x512xf32> to vector<32xf32>
      %broadcast_in_dim3A_231 = vector.shape_cast %reduce_max3A_230 : vector<32xf32> to vector<32x1xf32>
      %eq3A_232 = vector.broadcast %broadcast_in_dim3A_231 : vector<32x1xf32> to vector<32x512xf32>
      %eq3A_233 = arith.cmpf oeq, %select_n3A_228, %eq3A_232 : vector<32x512xf32>
      %jit3A_234 = arith.constant 512 : i32
      %broadcast_in_dim3A_235 = vector.broadcast %jit3A_234 : i32 to vector<32x512xi32>
      %select_n3A_236 = arith.select %eq3A_233, %iota3A, %broadcast_in_dim3A_235 : vector<32x512xi1>, vector<32x512xi32>
      %reduce_min3A_237 = arith.constant dense<2147483647> : vector<32xi32>
      %reduce_min3A_238 = vector.multi_reduction <minsi>, %select_n3A_236, %reduce_min3A_237 [1] : vector<32x512xi32> to vector<32xi32>
      %broadcast_in_dim3A_239 = vector.shape_cast %reduce_min3A_238 : vector<32xi32> to vector<32x1xi32>
      %eq3A_240 = vector.broadcast %broadcast_in_dim3A_239 : vector<32x1xi32> to vector<32x512xi32>
      %eq3A_241 = arith.cmpi eq, %iota3A, %eq3A_240 : vector<32x512xi32>
      %jit3A_242 = arith.constant 0xFF800000 : f32
      %broadcast_in_dim3A_243 = vector.broadcast %jit3A_242 : f32 to vector<32x512xf32>
      %select_n3A_244 = arith.select %eq3A_241, %broadcast_in_dim3A_243, %select_n3A_228 : vector<32x512xi1>, vector<32x512xf32>
      %reduce_max3A_245 = arith.constant dense<0xFF800000> : vector<32xf32>
      %reduce_max3A_246 = vector.multi_reduction <maximumf>, %select_n3A_244, %reduce_max3A_245 [1] : vector<32x512xf32> to vector<32xf32>
      %broadcast_in_dim3A_247 = vector.shape_cast %reduce_max3A_246 : vector<32xf32> to vector<32x1xf32>
      %eq3A_248 = vector.broadcast %broadcast_in_dim3A_247 : vector<32x1xf32> to vector<32x512xf32>
      %eq3A_249 = arith.cmpf oeq, %select_n3A_244, %eq3A_248 : vector<32x512xf32>
      %jit3A_250 = arith.constant 512 : i32
      %broadcast_in_dim3A_251 = vector.broadcast %jit3A_250 : i32 to vector<32x512xi32>
      %select_n3A_252 = arith.select %eq3A_249, %iota3A, %broadcast_in_dim3A_251 : vector<32x512xi1>, vector<32x512xi32>
      %reduce_min3A_253 = arith.constant dense<2147483647> : vector<32xi32>
      %reduce_min3A_254 = vector.multi_reduction <minsi>, %select_n3A_252, %reduce_min3A_253 [1] : vector<32x512xi32> to vector<32xi32>
      %broadcast_in_dim3A_255 = vector.shape_cast %reduce_min3A_254 : vector<32xi32> to vector<32x1xi32>
      %eq3A_256 = vector.broadcast %broadcast_in_dim3A_255 : vector<32x1xi32> to vector<32x512xi32>
      %eq3A_257 = arith.cmpi eq, %iota3A, %eq3A_256 : vector<32x512xi32>
      %jit3A_258 = arith.constant 0xFF800000 : f32
      %broadcast_in_dim3A_259 = vector.broadcast %jit3A_258 : f32 to vector<32x512xf32>
      %select_n3A_260 = arith.select %eq3A_257, %broadcast_in_dim3A_259, %select_n3A_244 : vector<32x512xi1>, vector<32x512xf32>
      %reduce_max3A_261 = arith.constant dense<0xFF800000> : vector<32xf32>
      %reduce_max3A_262 = vector.multi_reduction <maximumf>, %select_n3A_260, %reduce_max3A_261 [1] : vector<32x512xf32> to vector<32xf32>
      %broadcast_in_dim3A_263 = vector.shape_cast %reduce_max3A_262 : vector<32xf32> to vector<32x1xf32>
      %eq3A_264 = vector.broadcast %broadcast_in_dim3A_263 : vector<32x1xf32> to vector<32x512xf32>
      %eq3A_265 = arith.cmpf oeq, %select_n3A_260, %eq3A_264 : vector<32x512xf32>
      %jit3A_266 = arith.constant 512 : i32
      %broadcast_in_dim3A_267 = vector.broadcast %jit3A_266 : i32 to vector<32x512xi32>
      %select_n3A_268 = arith.select %eq3A_265, %iota3A, %broadcast_in_dim3A_267 : vector<32x512xi1>, vector<32x512xi32>
      %reduce_min3A_269 = arith.constant dense<2147483647> : vector<32xi32>
      %reduce_min3A_270 = vector.multi_reduction <minsi>, %select_n3A_268, %reduce_min3A_269 [1] : vector<32x512xi32> to vector<32xi32>
      %broadcast_in_dim3A_271 = vector.shape_cast %reduce_min3A_270 : vector<32xi32> to vector<32x1xi32>
      %eq3A_272 = vector.broadcast %broadcast_in_dim3A_271 : vector<32x1xi32> to vector<32x512xi32>
      %eq3A_273 = arith.cmpi eq, %iota3A, %eq3A_272 : vector<32x512xi32>
      %jit3A_274 = arith.constant 0xFF800000 : f32
      %broadcast_in_dim3A_275 = vector.broadcast %jit3A_274 : f32 to vector<32x512xf32>
      %select_n3A_276 = arith.select %eq3A_273, %broadcast_in_dim3A_275, %select_n3A_260 : vector<32x512xi1>, vector<32x512xf32>
      %reduce_max3A_277 = arith.constant dense<0xFF800000> : vector<32xf32>
      %reduce_max3A_278 = vector.multi_reduction <maximumf>, %select_n3A_276, %reduce_max3A_277 [1] : vector<32x512xf32> to vector<32xf32>
      %broadcast_in_dim3A_279 = vector.shape_cast %reduce_max3A_278 : vector<32xf32> to vector<32x1xf32>
      %eq3A_280 = vector.broadcast %broadcast_in_dim3A_279 : vector<32x1xf32> to vector<32x512xf32>
      %eq3A_281 = arith.cmpf oeq, %select_n3A_276, %eq3A_280 : vector<32x512xf32>
      %jit3A_282 = arith.constant 512 : i32
      %broadcast_in_dim3A_283 = vector.broadcast %jit3A_282 : i32 to vector<32x512xi32>
      %select_n3A_284 = arith.select %eq3A_281, %iota3A, %broadcast_in_dim3A_283 : vector<32x512xi1>, vector<32x512xi32>
      %reduce_min3A_285 = arith.constant dense<2147483647> : vector<32xi32>
      %reduce_min3A_286 = vector.multi_reduction <minsi>, %select_n3A_284, %reduce_min3A_285 [1] : vector<32x512xi32> to vector<32xi32>
      %broadcast_in_dim3A_287 = vector.shape_cast %reduce_min3A_286 : vector<32xi32> to vector<32x1xi32>
      %eq3A_288 = vector.broadcast %broadcast_in_dim3A_287 : vector<32x1xi32> to vector<32x512xi32>
      %eq3A_289 = arith.cmpi eq, %iota3A, %eq3A_288 : vector<32x512xi32>
      %jit3A_290 = arith.constant 0xFF800000 : f32
      %broadcast_in_dim3A_291 = vector.broadcast %jit3A_290 : f32 to vector<32x512xf32>
      %select_n3A_292 = arith.select %eq3A_289, %broadcast_in_dim3A_291, %select_n3A_276 : vector<32x512xi1>, vector<32x512xf32>
      %reduce_max3A_293 = arith.constant dense<0xFF800000> : vector<32xf32>
      %reduce_max3A_294 = vector.multi_reduction <maximumf>, %select_n3A_292, %reduce_max3A_293 [1] : vector<32x512xf32> to vector<32xf32>
      %broadcast_in_dim3A_295 = vector.shape_cast %reduce_max3A_294 : vector<32xf32> to vector<32x1xf32>
      %eq3A_296 = vector.broadcast %broadcast_in_dim3A_295 : vector<32x1xf32> to vector<32x512xf32>
      %eq3A_297 = arith.cmpf oeq, %select_n3A_292, %eq3A_296 : vector<32x512xf32>
      %jit3A_298 = arith.constant 512 : i32
      %broadcast_in_dim3A_299 = vector.broadcast %jit3A_298 : i32 to vector<32x512xi32>
      %select_n3A_300 = arith.select %eq3A_297, %iota3A, %broadcast_in_dim3A_299 : vector<32x512xi1>, vector<32x512xi32>
      %reduce_min3A_301 = arith.constant dense<2147483647> : vector<32xi32>
      %reduce_min3A_302 = vector.multi_reduction <minsi>, %select_n3A_300, %reduce_min3A_301 [1] : vector<32x512xi32> to vector<32xi32>
      %broadcast_in_dim3A_303 = vector.shape_cast %reduce_min3A_302 : vector<32xi32> to vector<32x1xi32>
      %eq3A_304 = vector.broadcast %broadcast_in_dim3A_303 : vector<32x1xi32> to vector<32x512xi32>
      %eq3A_305 = arith.cmpi eq, %iota3A, %eq3A_304 : vector<32x512xi32>
      %jit3A_306 = arith.constant 0xFF800000 : f32
      %broadcast_in_dim3A_307 = vector.broadcast %jit3A_306 : f32 to vector<32x512xf32>
      %select_n3A_308 = arith.select %eq3A_305, %broadcast_in_dim3A_307, %select_n3A_292 : vector<32x512xi1>, vector<32x512xf32>
      %reduce_max3A_309 = arith.constant dense<0xFF800000> : vector<32xf32>
      %reduce_max3A_310 = vector.multi_reduction <maximumf>, %select_n3A_308, %reduce_max3A_309 [1] : vector<32x512xf32> to vector<32xf32>
      %broadcast_in_dim3A_311 = vector.shape_cast %reduce_max3A_310 : vector<32xf32> to vector<32x1xf32>
      %eq3A_312 = vector.broadcast %broadcast_in_dim3A_311 : vector<32x1xf32> to vector<32x512xf32>
      %eq3A_313 = arith.cmpf oeq, %select_n3A_308, %eq3A_312 : vector<32x512xf32>
      %jit3A_314 = arith.constant 512 : i32
      %broadcast_in_dim3A_315 = vector.broadcast %jit3A_314 : i32 to vector<32x512xi32>
      %select_n3A_316 = arith.select %eq3A_313, %iota3A, %broadcast_in_dim3A_315 : vector<32x512xi1>, vector<32x512xi32>
      %reduce_min3A_317 = arith.constant dense<2147483647> : vector<32xi32>
      %reduce_min3A_318 = vector.multi_reduction <minsi>, %select_n3A_316, %reduce_min3A_317 [1] : vector<32x512xi32> to vector<32xi32>
      %broadcast_in_dim3A_319 = vector.shape_cast %reduce_min3A_318 : vector<32xi32> to vector<32x1xi32>
      %eq3A_320 = vector.broadcast %broadcast_in_dim3A_319 : vector<32x1xi32> to vector<32x512xi32>
      %eq3A_321 = arith.cmpi eq, %iota3A, %eq3A_320 : vector<32x512xi32>
      %jit3A_322 = arith.constant 0xFF800000 : f32
      %broadcast_in_dim3A_323 = vector.broadcast %jit3A_322 : f32 to vector<32x512xf32>
      %select_n3A_324 = arith.select %eq3A_321, %broadcast_in_dim3A_323, %select_n3A_308 : vector<32x512xi1>, vector<32x512xf32>
      %reduce_max3A_325 = arith.constant dense<0xFF800000> : vector<32xf32>
      %reduce_max3A_326 = vector.multi_reduction <maximumf>, %select_n3A_324, %reduce_max3A_325 [1] : vector<32x512xf32> to vector<32xf32>
      %broadcast_in_dim3A_327 = vector.shape_cast %reduce_max3A_326 : vector<32xf32> to vector<32x1xf32>
      %eq3A_328 = vector.broadcast %broadcast_in_dim3A_327 : vector<32x1xf32> to vector<32x512xf32>
      %eq3A_329 = arith.cmpf oeq, %select_n3A_324, %eq3A_328 : vector<32x512xf32>
      %jit3A_330 = arith.constant 512 : i32
      %broadcast_in_dim3A_331 = vector.broadcast %jit3A_330 : i32 to vector<32x512xi32>
      %select_n3A_332 = arith.select %eq3A_329, %iota3A, %broadcast_in_dim3A_331 : vector<32x512xi1>, vector<32x512xi32>
      %reduce_min3A_333 = arith.constant dense<2147483647> : vector<32xi32>
      %reduce_min3A_334 = vector.multi_reduction <minsi>, %select_n3A_332, %reduce_min3A_333 [1] : vector<32x512xi32> to vector<32xi32>
      %broadcast_in_dim3A_335 = vector.shape_cast %reduce_min3A_334 : vector<32xi32> to vector<32x1xi32>
      %eq3A_336 = vector.broadcast %broadcast_in_dim3A_335 : vector<32x1xi32> to vector<32x512xi32>
      %eq3A_337 = arith.cmpi eq, %iota3A, %eq3A_336 : vector<32x512xi32>
      %jit3A_338 = arith.constant 0xFF800000 : f32
      %broadcast_in_dim3A_339 = vector.broadcast %jit3A_338 : f32 to vector<32x512xf32>
      %select_n3A_340 = arith.select %eq3A_337, %broadcast_in_dim3A_339, %select_n3A_324 : vector<32x512xi1>, vector<32x512xf32>
      %reduce_max3A_341 = arith.constant dense<0xFF800000> : vector<32xf32>
      %reduce_max3A_342 = vector.multi_reduction <maximumf>, %select_n3A_340, %reduce_max3A_341 [1] : vector<32x512xf32> to vector<32xf32>
      %broadcast_in_dim3A_343 = vector.shape_cast %reduce_max3A_342 : vector<32xf32> to vector<32x1xf32>
      %eq3A_344 = vector.broadcast %broadcast_in_dim3A_343 : vector<32x1xf32> to vector<32x512xf32>
      %eq3A_345 = arith.cmpf oeq, %select_n3A_340, %eq3A_344 : vector<32x512xf32>
      %jit3A_346 = arith.constant 512 : i32
      %broadcast_in_dim3A_347 = vector.broadcast %jit3A_346 : i32 to vector<32x512xi32>
      %select_n3A_348 = arith.select %eq3A_345, %iota3A, %broadcast_in_dim3A_347 : vector<32x512xi1>, vector<32x512xi32>
      %reduce_min3A_349 = arith.constant dense<2147483647> : vector<32xi32>
      %reduce_min3A_350 = vector.multi_reduction <minsi>, %select_n3A_348, %reduce_min3A_349 [1] : vector<32x512xi32> to vector<32xi32>
      %broadcast_in_dim3A_351 = vector.shape_cast %reduce_min3A_350 : vector<32xi32> to vector<32x1xi32>
      %eq3A_352 = vector.broadcast %broadcast_in_dim3A_351 : vector<32x1xi32> to vector<32x512xi32>
      %eq3A_353 = arith.cmpi eq, %iota3A, %eq3A_352 : vector<32x512xi32>
      %jit3A_354 = arith.constant 0xFF800000 : f32
      %broadcast_in_dim3A_355 = vector.broadcast %jit3A_354 : f32 to vector<32x512xf32>
      %select_n3A_356 = arith.select %eq3A_353, %broadcast_in_dim3A_355, %select_n3A_340 : vector<32x512xi1>, vector<32x512xf32>
      %reduce_max3A_357 = arith.constant dense<0xFF800000> : vector<32xf32>
      %reduce_max3A_358 = vector.multi_reduction <maximumf>, %select_n3A_356, %reduce_max3A_357 [1] : vector<32x512xf32> to vector<32xf32>
      %broadcast_in_dim3A_359 = vector.shape_cast %reduce_max3A_358 : vector<32xf32> to vector<32x1xf32>
      %eq3A_360 = vector.broadcast %broadcast_in_dim3A_359 : vector<32x1xf32> to vector<32x512xf32>
      %eq3A_361 = arith.cmpf oeq, %select_n3A_356, %eq3A_360 : vector<32x512xf32>
      %jit3A_362 = arith.constant 512 : i32
      %broadcast_in_dim3A_363 = vector.broadcast %jit3A_362 : i32 to vector<32x512xi32>
      %select_n3A_364 = arith.select %eq3A_361, %iota3A, %broadcast_in_dim3A_363 : vector<32x512xi1>, vector<32x512xi32>
      %reduce_min3A_365 = arith.constant dense<2147483647> : vector<32xi32>
      %reduce_min3A_366 = vector.multi_reduction <minsi>, %select_n3A_364, %reduce_min3A_365 [1] : vector<32x512xi32> to vector<32xi32>
      %broadcast_in_dim3A_367 = vector.shape_cast %reduce_min3A_366 : vector<32xi32> to vector<32x1xi32>
      %eq3A_368 = vector.broadcast %broadcast_in_dim3A_367 : vector<32x1xi32> to vector<32x512xi32>
      %eq3A_369 = arith.cmpi eq, %iota3A, %eq3A_368 : vector<32x512xi32>
      %jit3A_370 = arith.constant 0xFF800000 : f32
      %broadcast_in_dim3A_371 = vector.broadcast %jit3A_370 : f32 to vector<32x512xf32>
      %select_n3A_372 = arith.select %eq3A_369, %broadcast_in_dim3A_371, %select_n3A_356 : vector<32x512xi1>, vector<32x512xf32>
      %reduce_max3A_373 = arith.constant dense<0xFF800000> : vector<32xf32>
      %reduce_max3A_374 = vector.multi_reduction <maximumf>, %select_n3A_372, %reduce_max3A_373 [1] : vector<32x512xf32> to vector<32xf32>
      %broadcast_in_dim3A_375 = vector.shape_cast %reduce_max3A_374 : vector<32xf32> to vector<32x1xf32>
      %eq3A_376 = vector.broadcast %broadcast_in_dim3A_375 : vector<32x1xf32> to vector<32x512xf32>
      %eq3A_377 = arith.cmpf oeq, %select_n3A_372, %eq3A_376 : vector<32x512xf32>
      %jit3A_378 = arith.constant 512 : i32
      %broadcast_in_dim3A_379 = vector.broadcast %jit3A_378 : i32 to vector<32x512xi32>
      %select_n3A_380 = arith.select %eq3A_377, %iota3A, %broadcast_in_dim3A_379 : vector<32x512xi1>, vector<32x512xi32>
      %reduce_min3A_381 = arith.constant dense<2147483647> : vector<32xi32>
      %reduce_min3A_382 = vector.multi_reduction <minsi>, %select_n3A_380, %reduce_min3A_381 [1] : vector<32x512xi32> to vector<32xi32>
      %broadcast_in_dim3A_383 = vector.shape_cast %reduce_min3A_382 : vector<32xi32> to vector<32x1xi32>
      %eq3A_384 = vector.broadcast %broadcast_in_dim3A_383 : vector<32x1xi32> to vector<32x512xi32>
      %eq3A_385 = arith.cmpi eq, %iota3A, %eq3A_384 : vector<32x512xi32>
      %jit3A_386 = arith.constant 0xFF800000 : f32
      %broadcast_in_dim3A_387 = vector.broadcast %jit3A_386 : f32 to vector<32x512xf32>
      %select_n3A_388 = arith.select %eq3A_385, %broadcast_in_dim3A_387, %select_n3A_372 : vector<32x512xi1>, vector<32x512xf32>
      %reduce_max3A_389 = arith.constant dense<0xFF800000> : vector<32xf32>
      %reduce_max3A_390 = vector.multi_reduction <maximumf>, %select_n3A_388, %reduce_max3A_389 [1] : vector<32x512xf32> to vector<32xf32>
      %broadcast_in_dim3A_391 = vector.shape_cast %reduce_max3A_390 : vector<32xf32> to vector<32x1xf32>
      %eq3A_392 = vector.broadcast %broadcast_in_dim3A_391 : vector<32x1xf32> to vector<32x512xf32>
      %eq3A_393 = arith.cmpf oeq, %select_n3A_388, %eq3A_392 : vector<32x512xf32>
      %jit3A_394 = arith.constant 512 : i32
      %broadcast_in_dim3A_395 = vector.broadcast %jit3A_394 : i32 to vector<32x512xi32>
      %select_n3A_396 = arith.select %eq3A_393, %iota3A, %broadcast_in_dim3A_395 : vector<32x512xi1>, vector<32x512xi32>
      %reduce_min3A_397 = arith.constant dense<2147483647> : vector<32xi32>
      %reduce_min3A_398 = vector.multi_reduction <minsi>, %select_n3A_396, %reduce_min3A_397 [1] : vector<32x512xi32> to vector<32xi32>
      %broadcast_in_dim3A_399 = vector.shape_cast %reduce_min3A_398 : vector<32xi32> to vector<32x1xi32>
      %eq3A_400 = vector.broadcast %broadcast_in_dim3A_399 : vector<32x1xi32> to vector<32x512xi32>
      %eq3A_401 = arith.cmpi eq, %iota3A, %eq3A_400 : vector<32x512xi32>
      %jit3A_402 = arith.constant 0xFF800000 : f32
      %broadcast_in_dim3A_403 = vector.broadcast %jit3A_402 : f32 to vector<32x512xf32>
      %select_n3A_404 = arith.select %eq3A_401, %broadcast_in_dim3A_403, %select_n3A_388 : vector<32x512xi1>, vector<32x512xf32>
      %reduce_max3A_405 = arith.constant dense<0xFF800000> : vector<32xf32>
      %reduce_max3A_406 = vector.multi_reduction <maximumf>, %select_n3A_404, %reduce_max3A_405 [1] : vector<32x512xf32> to vector<32xf32>
      %broadcast_in_dim3A_407 = vector.shape_cast %reduce_max3A_406 : vector<32xf32> to vector<32x1xf32>
      %eq3A_408 = vector.broadcast %broadcast_in_dim3A_407 : vector<32x1xf32> to vector<32x512xf32>
      %eq3A_409 = arith.cmpf oeq, %select_n3A_404, %eq3A_408 : vector<32x512xf32>
      %jit3A_410 = arith.constant 512 : i32
      %broadcast_in_dim3A_411 = vector.broadcast %jit3A_410 : i32 to vector<32x512xi32>
      %select_n3A_412 = arith.select %eq3A_409, %iota3A, %broadcast_in_dim3A_411 : vector<32x512xi1>, vector<32x512xi32>
      %reduce_min3A_413 = arith.constant dense<2147483647> : vector<32xi32>
      %reduce_min3A_414 = vector.multi_reduction <minsi>, %select_n3A_412, %reduce_min3A_413 [1] : vector<32x512xi32> to vector<32xi32>
      %broadcast_in_dim3A_415 = vector.shape_cast %reduce_min3A_414 : vector<32xi32> to vector<32x1xi32>
      %eq3A_416 = vector.broadcast %broadcast_in_dim3A_415 : vector<32x1xi32> to vector<32x512xi32>
      %eq3A_417 = arith.cmpi eq, %iota3A, %eq3A_416 : vector<32x512xi32>
      %jit3A_418 = arith.constant 0xFF800000 : f32
      %broadcast_in_dim3A_419 = vector.broadcast %jit3A_418 : f32 to vector<32x512xf32>
      %select_n3A_420 = arith.select %eq3A_417, %broadcast_in_dim3A_419, %select_n3A_404 : vector<32x512xi1>, vector<32x512xf32>
      %reduce_max3A_421 = arith.constant dense<0xFF800000> : vector<32xf32>
      %reduce_max3A_422 = vector.multi_reduction <maximumf>, %select_n3A_420, %reduce_max3A_421 [1] : vector<32x512xf32> to vector<32xf32>
      %broadcast_in_dim3A_423 = vector.shape_cast %reduce_max3A_422 : vector<32xf32> to vector<32x1xf32>
      %eq3A_424 = vector.broadcast %broadcast_in_dim3A_423 : vector<32x1xf32> to vector<32x512xf32>
      %eq3A_425 = arith.cmpf oeq, %select_n3A_420, %eq3A_424 : vector<32x512xf32>
      %jit3A_426 = arith.constant 512 : i32
      %broadcast_in_dim3A_427 = vector.broadcast %jit3A_426 : i32 to vector<32x512xi32>
      %select_n3A_428 = arith.select %eq3A_425, %iota3A, %broadcast_in_dim3A_427 : vector<32x512xi1>, vector<32x512xi32>
      %reduce_min3A_429 = arith.constant dense<2147483647> : vector<32xi32>
      %reduce_min3A_430 = vector.multi_reduction <minsi>, %select_n3A_428, %reduce_min3A_429 [1] : vector<32x512xi32> to vector<32xi32>
      %broadcast_in_dim3A_431 = vector.shape_cast %reduce_min3A_430 : vector<32xi32> to vector<32x1xi32>
      %eq3A_432 = vector.broadcast %broadcast_in_dim3A_431 : vector<32x1xi32> to vector<32x512xi32>
      %eq3A_433 = arith.cmpi eq, %iota3A, %eq3A_432 : vector<32x512xi32>
      %jit3A_434 = arith.constant 0xFF800000 : f32
      %broadcast_in_dim3A_435 = vector.broadcast %jit3A_434 : f32 to vector<32x512xf32>
      %select_n3A_436 = arith.select %eq3A_433, %broadcast_in_dim3A_435, %select_n3A_420 : vector<32x512xi1>, vector<32x512xf32>
      %reduce_max3A_437 = arith.constant dense<0xFF800000> : vector<32xf32>
      %reduce_max3A_438 = vector.multi_reduction <maximumf>, %select_n3A_436, %reduce_max3A_437 [1] : vector<32x512xf32> to vector<32xf32>
      %broadcast_in_dim3A_439 = vector.shape_cast %reduce_max3A_438 : vector<32xf32> to vector<32x1xf32>
      %eq3A_440 = vector.broadcast %broadcast_in_dim3A_439 : vector<32x1xf32> to vector<32x512xf32>
      %eq3A_441 = arith.cmpf oeq, %select_n3A_436, %eq3A_440 : vector<32x512xf32>
      %jit3A_442 = arith.constant 512 : i32
      %broadcast_in_dim3A_443 = vector.broadcast %jit3A_442 : i32 to vector<32x512xi32>
      %select_n3A_444 = arith.select %eq3A_441, %iota3A, %broadcast_in_dim3A_443 : vector<32x512xi1>, vector<32x512xi32>
      %reduce_min3A_445 = arith.constant dense<2147483647> : vector<32xi32>
      %reduce_min3A_446 = vector.multi_reduction <minsi>, %select_n3A_444, %reduce_min3A_445 [1] : vector<32x512xi32> to vector<32xi32>
      %broadcast_in_dim3A_447 = vector.shape_cast %reduce_min3A_446 : vector<32xi32> to vector<32x1xi32>
      %eq3A_448 = vector.broadcast %broadcast_in_dim3A_447 : vector<32x1xi32> to vector<32x512xi32>
      %eq3A_449 = arith.cmpi eq, %iota3A, %eq3A_448 : vector<32x512xi32>
      %jit3A_450 = arith.constant 0xFF800000 : f32
      %broadcast_in_dim3A_451 = vector.broadcast %jit3A_450 : f32 to vector<32x512xf32>
      %select_n3A_452 = arith.select %eq3A_449, %broadcast_in_dim3A_451, %select_n3A_436 : vector<32x512xi1>, vector<32x512xf32>
      %reduce_max3A_453 = arith.constant dense<0xFF800000> : vector<32xf32>
      %reduce_max3A_454 = vector.multi_reduction <maximumf>, %select_n3A_452, %reduce_max3A_453 [1] : vector<32x512xf32> to vector<32xf32>
      %broadcast_in_dim3A_455 = vector.shape_cast %reduce_max3A_454 : vector<32xf32> to vector<32x1xf32>
      %eq3A_456 = vector.broadcast %broadcast_in_dim3A_455 : vector<32x1xf32> to vector<32x512xf32>
      %eq3A_457 = arith.cmpf oeq, %select_n3A_452, %eq3A_456 : vector<32x512xf32>
      %jit3A_458 = arith.constant 512 : i32
      %broadcast_in_dim3A_459 = vector.broadcast %jit3A_458 : i32 to vector<32x512xi32>
      %select_n3A_460 = arith.select %eq3A_457, %iota3A, %broadcast_in_dim3A_459 : vector<32x512xi1>, vector<32x512xi32>
      %reduce_min3A_461 = arith.constant dense<2147483647> : vector<32xi32>
      %reduce_min3A_462 = vector.multi_reduction <minsi>, %select_n3A_460, %reduce_min3A_461 [1] : vector<32x512xi32> to vector<32xi32>
      %broadcast_in_dim3A_463 = vector.shape_cast %reduce_min3A_462 : vector<32xi32> to vector<32x1xi32>
      %eq3A_464 = vector.broadcast %broadcast_in_dim3A_463 : vector<32x1xi32> to vector<32x512xi32>
      %eq3A_465 = arith.cmpi eq, %iota3A, %eq3A_464 : vector<32x512xi32>
      %jit3A_466 = arith.constant 0xFF800000 : f32
      %broadcast_in_dim3A_467 = vector.broadcast %jit3A_466 : f32 to vector<32x512xf32>
      %select_n3A_468 = arith.select %eq3A_465, %broadcast_in_dim3A_467, %select_n3A_452 : vector<32x512xi1>, vector<32x512xf32>
      %reduce_max3A_469 = arith.constant dense<0xFF800000> : vector<32xf32>
      %reduce_max3A_470 = vector.multi_reduction <maximumf>, %select_n3A_468, %reduce_max3A_469 [1] : vector<32x512xf32> to vector<32xf32>
      %broadcast_in_dim3A_471 = vector.shape_cast %reduce_max3A_470 : vector<32xf32> to vector<32x1xf32>
      %eq3A_472 = vector.broadcast %broadcast_in_dim3A_471 : vector<32x1xf32> to vector<32x512xf32>
      %eq3A_473 = arith.cmpf oeq, %select_n3A_468, %eq3A_472 : vector<32x512xf32>
      %jit3A_474 = arith.constant 512 : i32
      %broadcast_in_dim3A_475 = vector.broadcast %jit3A_474 : i32 to vector<32x512xi32>
      %select_n3A_476 = arith.select %eq3A_473, %iota3A, %broadcast_in_dim3A_475 : vector<32x512xi1>, vector<32x512xi32>
      %reduce_min3A_477 = arith.constant dense<2147483647> : vector<32xi32>
      %reduce_min3A_478 = vector.multi_reduction <minsi>, %select_n3A_476, %reduce_min3A_477 [1] : vector<32x512xi32> to vector<32xi32>
      %broadcast_in_dim3A_479 = vector.shape_cast %reduce_min3A_478 : vector<32xi32> to vector<32x1xi32>
      %eq3A_480 = vector.broadcast %broadcast_in_dim3A_479 : vector<32x1xi32> to vector<32x512xi32>
      %eq3A_481 = arith.cmpi eq, %iota3A, %eq3A_480 : vector<32x512xi32>
      %jit3A_482 = arith.constant 0xFF800000 : f32
      %broadcast_in_dim3A_483 = vector.broadcast %jit3A_482 : f32 to vector<32x512xf32>
      %select_n3A_484 = arith.select %eq3A_481, %broadcast_in_dim3A_483, %select_n3A_468 : vector<32x512xi1>, vector<32x512xf32>
      %reduce_max3A_485 = arith.constant dense<0xFF800000> : vector<32xf32>
      %reduce_max3A_486 = vector.multi_reduction <maximumf>, %select_n3A_484, %reduce_max3A_485 [1] : vector<32x512xf32> to vector<32xf32>
      %broadcast_in_dim3A_487 = vector.shape_cast %reduce_max3A_486 : vector<32xf32> to vector<32x1xf32>
      %eq3A_488 = vector.broadcast %broadcast_in_dim3A_487 : vector<32x1xf32> to vector<32x512xf32>
      %eq3A_489 = arith.cmpf oeq, %select_n3A_484, %eq3A_488 : vector<32x512xf32>
      %jit3A_490 = arith.constant 512 : i32
      %broadcast_in_dim3A_491 = vector.broadcast %jit3A_490 : i32 to vector<32x512xi32>
      %select_n3A_492 = arith.select %eq3A_489, %iota3A, %broadcast_in_dim3A_491 : vector<32x512xi1>, vector<32x512xi32>
      %reduce_min3A_493 = arith.constant dense<2147483647> : vector<32xi32>
      %reduce_min3A_494 = vector.multi_reduction <minsi>, %select_n3A_492, %reduce_min3A_493 [1] : vector<32x512xi32> to vector<32xi32>
      %broadcast_in_dim3A_495 = vector.shape_cast %reduce_min3A_494 : vector<32xi32> to vector<32x1xi32>
      %eq3A_496 = vector.broadcast %broadcast_in_dim3A_495 : vector<32x1xi32> to vector<32x512xi32>
      %eq3A_497 = arith.cmpi eq, %iota3A, %eq3A_496 : vector<32x512xi32>
      %jit3A_498 = arith.constant 0xFF800000 : f32
      %broadcast_in_dim3A_499 = vector.broadcast %jit3A_498 : f32 to vector<32x512xf32>
      %select_n3A_500 = arith.select %eq3A_497, %broadcast_in_dim3A_499, %select_n3A_484 : vector<32x512xi1>, vector<32x512xf32>
      %reduce_max3A_501 = arith.constant dense<0xFF800000> : vector<32xf32>
      %reduce_max3A_502 = vector.multi_reduction <maximumf>, %select_n3A_500, %reduce_max3A_501 [1] : vector<32x512xf32> to vector<32xf32>
      %broadcast_in_dim3A_503 = vector.shape_cast %reduce_max3A_502 : vector<32xf32> to vector<32x1xf32>
      %eq3A_504 = vector.broadcast %broadcast_in_dim3A_503 : vector<32x1xf32> to vector<32x512xf32>
      %eq3A_505 = arith.cmpf oeq, %select_n3A_500, %eq3A_504 : vector<32x512xf32>
      %jit3A_506 = arith.constant 512 : i32
      %broadcast_in_dim3A_507 = vector.broadcast %jit3A_506 : i32 to vector<32x512xi32>
      %select_n3A_508 = arith.select %eq3A_505, %iota3A, %broadcast_in_dim3A_507 : vector<32x512xi1>, vector<32x512xi32>
      %reduce_min3A_509 = arith.constant dense<2147483647> : vector<32xi32>
      %reduce_min3A_510 = vector.multi_reduction <minsi>, %select_n3A_508, %reduce_min3A_509 [1] : vector<32x512xi32> to vector<32xi32>
      %broadcast_in_dim3A_511 = vector.shape_cast %reduce_min3A_510 : vector<32xi32> to vector<32x1xi32>
      %eq3A_512 = vector.broadcast %broadcast_in_dim3A_511 : vector<32x1xi32> to vector<32x512xi32>
      %eq3A_513 = arith.cmpi eq, %iota3A, %eq3A_512 : vector<32x512xi32>
      %jit3A_514 = arith.constant 0xFF800000 : f32
      %broadcast_in_dim3A_515 = vector.broadcast %jit3A_514 : f32 to vector<32x512xf32>
      %select_n3A_516 = arith.select %eq3A_513, %broadcast_in_dim3A_515, %select_n3A_500 : vector<32x512xi1>, vector<32x512xf32>
      %reduce_max3A_517 = arith.constant dense<0xFF800000> : vector<32xf32>
      %reduce_max3A_518 = vector.multi_reduction <maximumf>, %select_n3A_516, %reduce_max3A_517 [1] : vector<32x512xf32> to vector<32xf32>
      %broadcast_in_dim3A_519 = vector.shape_cast %reduce_max3A_518 : vector<32xf32> to vector<32x1xf32>
      %eq3A_520 = vector.broadcast %broadcast_in_dim3A_519 : vector<32x1xf32> to vector<32x512xf32>
      %eq3A_521 = arith.cmpf oeq, %select_n3A_516, %eq3A_520 : vector<32x512xf32>
      %jit3A_522 = arith.constant 512 : i32
      %broadcast_in_dim3A_523 = vector.broadcast %jit3A_522 : i32 to vector<32x512xi32>
      %select_n3A_524 = arith.select %eq3A_521, %iota3A, %broadcast_in_dim3A_523 : vector<32x512xi1>, vector<32x512xi32>
      %reduce_min3A_525 = arith.constant dense<2147483647> : vector<32xi32>
      %reduce_min3A_526 = vector.multi_reduction <minsi>, %select_n3A_524, %reduce_min3A_525 [1] : vector<32x512xi32> to vector<32xi32>
      %broadcast_in_dim3A_527 = vector.shape_cast %reduce_min3A_526 : vector<32xi32> to vector<32x1xi32>
      %eq3A_528 = vector.broadcast %broadcast_in_dim3A_527 : vector<32x1xi32> to vector<32x512xi32>
      %eq3A_529 = arith.cmpi eq, %iota3A, %eq3A_528 : vector<32x512xi32>
      %jit3A_530 = arith.constant 0xFF800000 : f32
      %broadcast_in_dim3A_531 = vector.broadcast %jit3A_530 : f32 to vector<32x512xf32>
      %select_n3A_532 = arith.select %eq3A_529, %broadcast_in_dim3A_531, %select_n3A_516 : vector<32x512xi1>, vector<32x512xf32>
      %reduce_max3A_533 = arith.constant dense<0xFF800000> : vector<32xf32>
      %reduce_max3A_534 = vector.multi_reduction <maximumf>, %select_n3A_532, %reduce_max3A_533 [1] : vector<32x512xf32> to vector<32xf32>
      %broadcast_in_dim3A_535 = vector.shape_cast %reduce_max3A_534 : vector<32xf32> to vector<32x1xf32>
      %eq3A_536 = vector.broadcast %broadcast_in_dim3A_535 : vector<32x1xf32> to vector<32x512xf32>
      %eq3A_537 = arith.cmpf oeq, %select_n3A_532, %eq3A_536 : vector<32x512xf32>
      %jit3A_538 = arith.constant 512 : i32
      %broadcast_in_dim3A_539 = vector.broadcast %jit3A_538 : i32 to vector<32x512xi32>
      %select_n3A_540 = arith.select %eq3A_537, %iota3A, %broadcast_in_dim3A_539 : vector<32x512xi1>, vector<32x512xi32>
      %reduce_min3A_541 = arith.constant dense<2147483647> : vector<32xi32>
      %reduce_min3A_542 = vector.multi_reduction <minsi>, %select_n3A_540, %reduce_min3A_541 [1] : vector<32x512xi32> to vector<32xi32>
      %broadcast_in_dim3A_543 = vector.shape_cast %reduce_min3A_542 : vector<32xi32> to vector<32x1xi32>
      %eq3A_544 = vector.broadcast %broadcast_in_dim3A_543 : vector<32x1xi32> to vector<32x512xi32>
      %eq3A_545 = arith.cmpi eq, %iota3A, %eq3A_544 : vector<32x512xi32>
      %jit3A_546 = arith.constant 0xFF800000 : f32
      %broadcast_in_dim3A_547 = vector.broadcast %jit3A_546 : f32 to vector<32x512xf32>
      %select_n3A_548 = arith.select %eq3A_545, %broadcast_in_dim3A_547, %select_n3A_532 : vector<32x512xi1>, vector<32x512xf32>
      %reduce_max3A_549 = arith.constant dense<0xFF800000> : vector<32xf32>
      %reduce_max3A_550 = vector.multi_reduction <maximumf>, %select_n3A_548, %reduce_max3A_549 [1] : vector<32x512xf32> to vector<32xf32>
      %broadcast_in_dim3A_551 = vector.shape_cast %reduce_max3A_550 : vector<32xf32> to vector<32x1xf32>
      %eq3A_552 = vector.broadcast %broadcast_in_dim3A_551 : vector<32x1xf32> to vector<32x512xf32>
      %eq3A_553 = arith.cmpf oeq, %select_n3A_548, %eq3A_552 : vector<32x512xf32>
      %jit3A_554 = arith.constant 512 : i32
      %broadcast_in_dim3A_555 = vector.broadcast %jit3A_554 : i32 to vector<32x512xi32>
      %select_n3A_556 = arith.select %eq3A_553, %iota3A, %broadcast_in_dim3A_555 : vector<32x512xi1>, vector<32x512xi32>
      %reduce_min3A_557 = arith.constant dense<2147483647> : vector<32xi32>
      %reduce_min3A_558 = vector.multi_reduction <minsi>, %select_n3A_556, %reduce_min3A_557 [1] : vector<32x512xi32> to vector<32xi32>
      %broadcast_in_dim3A_559 = vector.shape_cast %reduce_min3A_558 : vector<32xi32> to vector<32x1xi32>
      %eq3A_560 = vector.broadcast %broadcast_in_dim3A_559 : vector<32x1xi32> to vector<32x512xi32>
      %eq3A_561 = arith.cmpi eq, %iota3A, %eq3A_560 : vector<32x512xi32>
      %jit3A_562 = arith.constant 0xFF800000 : f32
      %broadcast_in_dim3A_563 = vector.broadcast %jit3A_562 : f32 to vector<32x512xf32>
      %select_n3A_564 = arith.select %eq3A_561, %broadcast_in_dim3A_563, %select_n3A_548 : vector<32x512xi1>, vector<32x512xf32>
      %reduce_max3A_565 = arith.constant dense<0xFF800000> : vector<32xf32>
      %reduce_max3A_566 = vector.multi_reduction <maximumf>, %select_n3A_564, %reduce_max3A_565 [1] : vector<32x512xf32> to vector<32xf32>
      %broadcast_in_dim3A_567 = vector.shape_cast %reduce_max3A_566 : vector<32xf32> to vector<32x1xf32>
      %eq3A_568 = vector.broadcast %broadcast_in_dim3A_567 : vector<32x1xf32> to vector<32x512xf32>
      %eq3A_569 = arith.cmpf oeq, %select_n3A_564, %eq3A_568 : vector<32x512xf32>
      %jit3A_570 = arith.constant 512 : i32
      %broadcast_in_dim3A_571 = vector.broadcast %jit3A_570 : i32 to vector<32x512xi32>
      %select_n3A_572 = arith.select %eq3A_569, %iota3A, %broadcast_in_dim3A_571 : vector<32x512xi1>, vector<32x512xi32>
      %reduce_min3A_573 = arith.constant dense<2147483647> : vector<32xi32>
      %reduce_min3A_574 = vector.multi_reduction <minsi>, %select_n3A_572, %reduce_min3A_573 [1] : vector<32x512xi32> to vector<32xi32>
      %broadcast_in_dim3A_575 = vector.shape_cast %reduce_min3A_574 : vector<32xi32> to vector<32x1xi32>
      %eq3A_576 = vector.broadcast %broadcast_in_dim3A_575 : vector<32x1xi32> to vector<32x512xi32>
      %eq3A_577 = arith.cmpi eq, %iota3A, %eq3A_576 : vector<32x512xi32>
      %jit3A_578 = arith.constant 0xFF800000 : f32
      %broadcast_in_dim3A_579 = vector.broadcast %jit3A_578 : f32 to vector<32x512xf32>
      %select_n3A_580 = arith.select %eq3A_577, %broadcast_in_dim3A_579, %select_n3A_564 : vector<32x512xi1>, vector<32x512xf32>
      %reduce_max3A_581 = arith.constant dense<0xFF800000> : vector<32xf32>
      %reduce_max3A_582 = vector.multi_reduction <maximumf>, %select_n3A_580, %reduce_max3A_581 [1] : vector<32x512xf32> to vector<32xf32>
      %broadcast_in_dim3A_583 = vector.shape_cast %reduce_max3A_582 : vector<32xf32> to vector<32x1xf32>
      %eq3A_584 = vector.broadcast %broadcast_in_dim3A_583 : vector<32x1xf32> to vector<32x512xf32>
      %eq3A_585 = arith.cmpf oeq, %select_n3A_580, %eq3A_584 : vector<32x512xf32>
      %jit3A_586 = arith.constant 512 : i32
      %broadcast_in_dim3A_587 = vector.broadcast %jit3A_586 : i32 to vector<32x512xi32>
      %select_n3A_588 = arith.select %eq3A_585, %iota3A, %broadcast_in_dim3A_587 : vector<32x512xi1>, vector<32x512xi32>
      %reduce_min3A_589 = arith.constant dense<2147483647> : vector<32xi32>
      %reduce_min3A_590 = vector.multi_reduction <minsi>, %select_n3A_588, %reduce_min3A_589 [1] : vector<32x512xi32> to vector<32xi32>
      %broadcast_in_dim3A_591 = vector.shape_cast %reduce_min3A_590 : vector<32xi32> to vector<32x1xi32>
      %eq3A_592 = vector.broadcast %broadcast_in_dim3A_591 : vector<32x1xi32> to vector<32x512xi32>
      %eq3A_593 = arith.cmpi eq, %iota3A, %eq3A_592 : vector<32x512xi32>
      %jit3A_594 = arith.constant 0xFF800000 : f32
      %broadcast_in_dim3A_595 = vector.broadcast %jit3A_594 : f32 to vector<32x512xf32>
      %select_n3A_596 = arith.select %eq3A_593, %broadcast_in_dim3A_595, %select_n3A_580 : vector<32x512xi1>, vector<32x512xf32>
      %reduce_max3A_597 = arith.constant dense<0xFF800000> : vector<32xf32>
      %reduce_max3A_598 = vector.multi_reduction <maximumf>, %select_n3A_596, %reduce_max3A_597 [1] : vector<32x512xf32> to vector<32xf32>
      %broadcast_in_dim3A_599 = vector.shape_cast %reduce_max3A_598 : vector<32xf32> to vector<32x1xf32>
      %eq3A_600 = vector.broadcast %broadcast_in_dim3A_599 : vector<32x1xf32> to vector<32x512xf32>
      %eq3A_601 = arith.cmpf oeq, %select_n3A_596, %eq3A_600 : vector<32x512xf32>
      %jit3A_602 = arith.constant 512 : i32
      %broadcast_in_dim3A_603 = vector.broadcast %jit3A_602 : i32 to vector<32x512xi32>
      %select_n3A_604 = arith.select %eq3A_601, %iota3A, %broadcast_in_dim3A_603 : vector<32x512xi1>, vector<32x512xi32>
      %reduce_min3A_605 = arith.constant dense<2147483647> : vector<32xi32>
      %reduce_min3A_606 = vector.multi_reduction <minsi>, %select_n3A_604, %reduce_min3A_605 [1] : vector<32x512xi32> to vector<32xi32>
      %broadcast_in_dim3A_607 = vector.shape_cast %reduce_min3A_606 : vector<32xi32> to vector<32x1xi32>
      %eq3A_608 = vector.broadcast %broadcast_in_dim3A_607 : vector<32x1xi32> to vector<32x512xi32>
      %eq3A_609 = arith.cmpi eq, %iota3A, %eq3A_608 : vector<32x512xi32>
      %jit3A_610 = arith.constant 0xFF800000 : f32
      %broadcast_in_dim3A_611 = vector.broadcast %jit3A_610 : f32 to vector<32x512xf32>
      %select_n3A_612 = arith.select %eq3A_609, %broadcast_in_dim3A_611, %select_n3A_596 : vector<32x512xi1>, vector<32x512xf32>
      %reduce_max3A_613 = arith.constant dense<0xFF800000> : vector<32xf32>
      %reduce_max3A_614 = vector.multi_reduction <maximumf>, %select_n3A_612, %reduce_max3A_613 [1] : vector<32x512xf32> to vector<32xf32>
      %broadcast_in_dim3A_615 = vector.shape_cast %reduce_max3A_614 : vector<32xf32> to vector<32x1xf32>
      %eq3A_616 = vector.broadcast %broadcast_in_dim3A_615 : vector<32x1xf32> to vector<32x512xf32>
      %eq3A_617 = arith.cmpf oeq, %select_n3A_612, %eq3A_616 : vector<32x512xf32>
      %jit3A_618 = arith.constant 512 : i32
      %broadcast_in_dim3A_619 = vector.broadcast %jit3A_618 : i32 to vector<32x512xi32>
      %select_n3A_620 = arith.select %eq3A_617, %iota3A, %broadcast_in_dim3A_619 : vector<32x512xi1>, vector<32x512xi32>
      %reduce_min3A_621 = arith.constant dense<2147483647> : vector<32xi32>
      %reduce_min3A_622 = vector.multi_reduction <minsi>, %select_n3A_620, %reduce_min3A_621 [1] : vector<32x512xi32> to vector<32xi32>
      %broadcast_in_dim3A_623 = vector.shape_cast %reduce_min3A_622 : vector<32xi32> to vector<32x1xi32>
      %eq3A_624 = vector.broadcast %broadcast_in_dim3A_623 : vector<32x1xi32> to vector<32x512xi32>
      %eq3A_625 = arith.cmpi eq, %iota3A, %eq3A_624 : vector<32x512xi32>
      %jit3A_626 = arith.constant 0xFF800000 : f32
      %broadcast_in_dim3A_627 = vector.broadcast %jit3A_626 : f32 to vector<32x512xf32>
      %select_n3A_628 = arith.select %eq3A_625, %broadcast_in_dim3A_627, %select_n3A_612 : vector<32x512xi1>, vector<32x512xf32>
      %reduce_max3A_629 = arith.constant dense<0xFF800000> : vector<32xf32>
      %reduce_max3A_630 = vector.multi_reduction <maximumf>, %select_n3A_628, %reduce_max3A_629 [1] : vector<32x512xf32> to vector<32xf32>
      %broadcast_in_dim3A_631 = vector.shape_cast %reduce_max3A_630 : vector<32xf32> to vector<32x1xf32>
      %eq3A_632 = vector.broadcast %broadcast_in_dim3A_631 : vector<32x1xf32> to vector<32x512xf32>
      %eq3A_633 = arith.cmpf oeq, %select_n3A_628, %eq3A_632 : vector<32x512xf32>
      %jit3A_634 = arith.constant 512 : i32
      %broadcast_in_dim3A_635 = vector.broadcast %jit3A_634 : i32 to vector<32x512xi32>
      %select_n3A_636 = arith.select %eq3A_633, %iota3A, %broadcast_in_dim3A_635 : vector<32x512xi1>, vector<32x512xi32>
      %reduce_min3A_637 = arith.constant dense<2147483647> : vector<32xi32>
      %reduce_min3A_638 = vector.multi_reduction <minsi>, %select_n3A_636, %reduce_min3A_637 [1] : vector<32x512xi32> to vector<32xi32>
      %broadcast_in_dim3A_639 = vector.shape_cast %reduce_min3A_638 : vector<32xi32> to vector<32x1xi32>
      %eq3A_640 = vector.broadcast %broadcast_in_dim3A_639 : vector<32x1xi32> to vector<32x512xi32>
      %eq3A_641 = arith.cmpi eq, %iota3A, %eq3A_640 : vector<32x512xi32>
      %jit3A_642 = arith.constant 0xFF800000 : f32
      %broadcast_in_dim3A_643 = vector.broadcast %jit3A_642 : f32 to vector<32x512xf32>
      %select_n3A_644 = arith.select %eq3A_641, %broadcast_in_dim3A_643, %select_n3A_628 : vector<32x512xi1>, vector<32x512xf32>
      %reduce_max3A_645 = arith.constant dense<0xFF800000> : vector<32xf32>
      %reduce_max3A_646 = vector.multi_reduction <maximumf>, %select_n3A_644, %reduce_max3A_645 [1] : vector<32x512xf32> to vector<32xf32>
      %broadcast_in_dim3A_647 = vector.shape_cast %reduce_max3A_646 : vector<32xf32> to vector<32x1xf32>
      %eq3A_648 = vector.broadcast %broadcast_in_dim3A_647 : vector<32x1xf32> to vector<32x512xf32>
      %eq3A_649 = arith.cmpf oeq, %select_n3A_644, %eq3A_648 : vector<32x512xf32>
      %jit3A_650 = arith.constant 512 : i32
      %broadcast_in_dim3A_651 = vector.broadcast %jit3A_650 : i32 to vector<32x512xi32>
      %select_n3A_652 = arith.select %eq3A_649, %iota3A, %broadcast_in_dim3A_651 : vector<32x512xi1>, vector<32x512xi32>
      %reduce_min3A_653 = arith.constant dense<2147483647> : vector<32xi32>
      %reduce_min3A_654 = vector.multi_reduction <minsi>, %select_n3A_652, %reduce_min3A_653 [1] : vector<32x512xi32> to vector<32xi32>
      %broadcast_in_dim3A_655 = vector.shape_cast %reduce_min3A_654 : vector<32xi32> to vector<32x1xi32>
      %eq3A_656 = vector.broadcast %broadcast_in_dim3A_655 : vector<32x1xi32> to vector<32x512xi32>
      %eq3A_657 = arith.cmpi eq, %iota3A, %eq3A_656 : vector<32x512xi32>
      %jit3A_658 = arith.constant 0xFF800000 : f32
      %broadcast_in_dim3A_659 = vector.broadcast %jit3A_658 : f32 to vector<32x512xf32>
      %select_n3A_660 = arith.select %eq3A_657, %broadcast_in_dim3A_659, %select_n3A_644 : vector<32x512xi1>, vector<32x512xf32>
      %reduce_max3A_661 = arith.constant dense<0xFF800000> : vector<32xf32>
      %reduce_max3A_662 = vector.multi_reduction <maximumf>, %select_n3A_660, %reduce_max3A_661 [1] : vector<32x512xf32> to vector<32xf32>
      %broadcast_in_dim3A_663 = vector.shape_cast %reduce_max3A_662 : vector<32xf32> to vector<32x1xf32>
      %eq3A_664 = vector.broadcast %broadcast_in_dim3A_663 : vector<32x1xf32> to vector<32x512xf32>
      %eq3A_665 = arith.cmpf oeq, %select_n3A_660, %eq3A_664 : vector<32x512xf32>
      %jit3A_666 = arith.constant 512 : i32
      %broadcast_in_dim3A_667 = vector.broadcast %jit3A_666 : i32 to vector<32x512xi32>
      %select_n3A_668 = arith.select %eq3A_665, %iota3A, %broadcast_in_dim3A_667 : vector<32x512xi1>, vector<32x512xi32>
      %reduce_min3A_669 = arith.constant dense<2147483647> : vector<32xi32>
      %reduce_min3A_670 = vector.multi_reduction <minsi>, %select_n3A_668, %reduce_min3A_669 [1] : vector<32x512xi32> to vector<32xi32>
      %broadcast_in_dim3A_671 = vector.shape_cast %reduce_min3A_670 : vector<32xi32> to vector<32x1xi32>
      %eq3A_672 = vector.broadcast %broadcast_in_dim3A_671 : vector<32x1xi32> to vector<32x512xi32>
      %eq3A_673 = arith.cmpi eq, %iota3A, %eq3A_672 : vector<32x512xi32>
      %jit3A_674 = arith.constant 0xFF800000 : f32
      %broadcast_in_dim3A_675 = vector.broadcast %jit3A_674 : f32 to vector<32x512xf32>
      %select_n3A_676 = arith.select %eq3A_673, %broadcast_in_dim3A_675, %select_n3A_660 : vector<32x512xi1>, vector<32x512xf32>
      %reduce_max3A_677 = arith.constant dense<0xFF800000> : vector<32xf32>
      %reduce_max3A_678 = vector.multi_reduction <maximumf>, %select_n3A_676, %reduce_max3A_677 [1] : vector<32x512xf32> to vector<32xf32>
      %broadcast_in_dim3A_679 = vector.shape_cast %reduce_max3A_678 : vector<32xf32> to vector<32x1xf32>
      %eq3A_680 = vector.broadcast %broadcast_in_dim3A_679 : vector<32x1xf32> to vector<32x512xf32>
      %eq3A_681 = arith.cmpf oeq, %select_n3A_676, %eq3A_680 : vector<32x512xf32>
      %jit3A_682 = arith.constant 512 : i32
      %broadcast_in_dim3A_683 = vector.broadcast %jit3A_682 : i32 to vector<32x512xi32>
      %select_n3A_684 = arith.select %eq3A_681, %iota3A, %broadcast_in_dim3A_683 : vector<32x512xi1>, vector<32x512xi32>
      %reduce_min3A_685 = arith.constant dense<2147483647> : vector<32xi32>
      %reduce_min3A_686 = vector.multi_reduction <minsi>, %select_n3A_684, %reduce_min3A_685 [1] : vector<32x512xi32> to vector<32xi32>
      %broadcast_in_dim3A_687 = vector.shape_cast %reduce_min3A_686 : vector<32xi32> to vector<32x1xi32>
      %eq3A_688 = vector.broadcast %broadcast_in_dim3A_687 : vector<32x1xi32> to vector<32x512xi32>
      %eq3A_689 = arith.cmpi eq, %iota3A, %eq3A_688 : vector<32x512xi32>
      %jit3A_690 = arith.constant 0xFF800000 : f32
      %broadcast_in_dim3A_691 = vector.broadcast %jit3A_690 : f32 to vector<32x512xf32>
      %select_n3A_692 = arith.select %eq3A_689, %broadcast_in_dim3A_691, %select_n3A_676 : vector<32x512xi1>, vector<32x512xf32>
      %reduce_max3A_693 = arith.constant dense<0xFF800000> : vector<32xf32>
      %reduce_max3A_694 = vector.multi_reduction <maximumf>, %select_n3A_692, %reduce_max3A_693 [1] : vector<32x512xf32> to vector<32xf32>
      %broadcast_in_dim3A_695 = vector.shape_cast %reduce_max3A_694 : vector<32xf32> to vector<32x1xf32>
      %eq3A_696 = vector.broadcast %broadcast_in_dim3A_695 : vector<32x1xf32> to vector<32x512xf32>
      %eq3A_697 = arith.cmpf oeq, %select_n3A_692, %eq3A_696 : vector<32x512xf32>
      %jit3A_698 = arith.constant 512 : i32
      %broadcast_in_dim3A_699 = vector.broadcast %jit3A_698 : i32 to vector<32x512xi32>
      %select_n3A_700 = arith.select %eq3A_697, %iota3A, %broadcast_in_dim3A_699 : vector<32x512xi1>, vector<32x512xi32>
      %reduce_min3A_701 = arith.constant dense<2147483647> : vector<32xi32>
      %reduce_min3A_702 = vector.multi_reduction <minsi>, %select_n3A_700, %reduce_min3A_701 [1] : vector<32x512xi32> to vector<32xi32>
      %broadcast_in_dim3A_703 = vector.shape_cast %reduce_min3A_702 : vector<32xi32> to vector<32x1xi32>
      %eq3A_704 = vector.broadcast %broadcast_in_dim3A_703 : vector<32x1xi32> to vector<32x512xi32>
      %eq3A_705 = arith.cmpi eq, %iota3A, %eq3A_704 : vector<32x512xi32>
      %jit3A_706 = arith.constant 0xFF800000 : f32
      %broadcast_in_dim3A_707 = vector.broadcast %jit3A_706 : f32 to vector<32x512xf32>
      %select_n3A_708 = arith.select %eq3A_705, %broadcast_in_dim3A_707, %select_n3A_692 : vector<32x512xi1>, vector<32x512xf32>
      %reduce_max3A_709 = arith.constant dense<0xFF800000> : vector<32xf32>
      %reduce_max3A_710 = vector.multi_reduction <maximumf>, %select_n3A_708, %reduce_max3A_709 [1] : vector<32x512xf32> to vector<32xf32>
      %broadcast_in_dim3A_711 = vector.shape_cast %reduce_max3A_710 : vector<32xf32> to vector<32x1xf32>
      %eq3A_712 = vector.broadcast %broadcast_in_dim3A_711 : vector<32x1xf32> to vector<32x512xf32>
      %eq3A_713 = arith.cmpf oeq, %select_n3A_708, %eq3A_712 : vector<32x512xf32>
      %jit3A_714 = arith.constant 512 : i32
      %broadcast_in_dim3A_715 = vector.broadcast %jit3A_714 : i32 to vector<32x512xi32>
      %select_n3A_716 = arith.select %eq3A_713, %iota3A, %broadcast_in_dim3A_715 : vector<32x512xi1>, vector<32x512xi32>
      %reduce_min3A_717 = arith.constant dense<2147483647> : vector<32xi32>
      %reduce_min3A_718 = vector.multi_reduction <minsi>, %select_n3A_716, %reduce_min3A_717 [1] : vector<32x512xi32> to vector<32xi32>
      %broadcast_in_dim3A_719 = vector.shape_cast %reduce_min3A_718 : vector<32xi32> to vector<32x1xi32>
      %eq3A_720 = vector.broadcast %broadcast_in_dim3A_719 : vector<32x1xi32> to vector<32x512xi32>
      %eq3A_721 = arith.cmpi eq, %iota3A, %eq3A_720 : vector<32x512xi32>
      %jit3A_722 = arith.constant 0xFF800000 : f32
      %broadcast_in_dim3A_723 = vector.broadcast %jit3A_722 : f32 to vector<32x512xf32>
      %select_n3A_724 = arith.select %eq3A_721, %broadcast_in_dim3A_723, %select_n3A_708 : vector<32x512xi1>, vector<32x512xf32>
      %reduce_max3A_725 = arith.constant dense<0xFF800000> : vector<32xf32>
      %reduce_max3A_726 = vector.multi_reduction <maximumf>, %select_n3A_724, %reduce_max3A_725 [1] : vector<32x512xf32> to vector<32xf32>
      %broadcast_in_dim3A_727 = vector.shape_cast %reduce_max3A_726 : vector<32xf32> to vector<32x1xf32>
      %eq3A_728 = vector.broadcast %broadcast_in_dim3A_727 : vector<32x1xf32> to vector<32x512xf32>
      %eq3A_729 = arith.cmpf oeq, %select_n3A_724, %eq3A_728 : vector<32x512xf32>
      %jit3A_730 = arith.constant 512 : i32
      %broadcast_in_dim3A_731 = vector.broadcast %jit3A_730 : i32 to vector<32x512xi32>
      %select_n3A_732 = arith.select %eq3A_729, %iota3A, %broadcast_in_dim3A_731 : vector<32x512xi1>, vector<32x512xi32>
      %reduce_min3A_733 = arith.constant dense<2147483647> : vector<32xi32>
      %reduce_min3A_734 = vector.multi_reduction <minsi>, %select_n3A_732, %reduce_min3A_733 [1] : vector<32x512xi32> to vector<32xi32>
      %broadcast_in_dim3A_735 = vector.shape_cast %reduce_min3A_734 : vector<32xi32> to vector<32x1xi32>
      %eq3A_736 = vector.broadcast %broadcast_in_dim3A_735 : vector<32x1xi32> to vector<32x512xi32>
      %eq3A_737 = arith.cmpi eq, %iota3A, %eq3A_736 : vector<32x512xi32>
      %jit3A_738 = arith.constant 0xFF800000 : f32
      %broadcast_in_dim3A_739 = vector.broadcast %jit3A_738 : f32 to vector<32x512xf32>
      %select_n3A_740 = arith.select %eq3A_737, %broadcast_in_dim3A_739, %select_n3A_724 : vector<32x512xi1>, vector<32x512xf32>
      %reduce_max3A_741 = arith.constant dense<0xFF800000> : vector<32xf32>
      %reduce_max3A_742 = vector.multi_reduction <maximumf>, %select_n3A_740, %reduce_max3A_741 [1] : vector<32x512xf32> to vector<32xf32>
      %broadcast_in_dim3A_743 = vector.shape_cast %reduce_max3A_742 : vector<32xf32> to vector<32x1xf32>
      %eq3A_744 = vector.broadcast %broadcast_in_dim3A_743 : vector<32x1xf32> to vector<32x512xf32>
      %eq3A_745 = arith.cmpf oeq, %select_n3A_740, %eq3A_744 : vector<32x512xf32>
      %jit3A_746 = arith.constant 512 : i32
      %broadcast_in_dim3A_747 = vector.broadcast %jit3A_746 : i32 to vector<32x512xi32>
      %select_n3A_748 = arith.select %eq3A_745, %iota3A, %broadcast_in_dim3A_747 : vector<32x512xi1>, vector<32x512xi32>
      %reduce_min3A_749 = arith.constant dense<2147483647> : vector<32xi32>
      %reduce_min3A_750 = vector.multi_reduction <minsi>, %select_n3A_748, %reduce_min3A_749 [1] : vector<32x512xi32> to vector<32xi32>
      %broadcast_in_dim3A_751 = vector.shape_cast %reduce_min3A_750 : vector<32xi32> to vector<32x1xi32>
      %eq3A_752 = vector.broadcast %broadcast_in_dim3A_751 : vector<32x1xi32> to vector<32x512xi32>
      %eq3A_753 = arith.cmpi eq, %iota3A, %eq3A_752 : vector<32x512xi32>
      %jit3A_754 = arith.constant 0xFF800000 : f32
      %broadcast_in_dim3A_755 = vector.broadcast %jit3A_754 : f32 to vector<32x512xf32>
      %select_n3A_756 = arith.select %eq3A_753, %broadcast_in_dim3A_755, %select_n3A_740 : vector<32x512xi1>, vector<32x512xf32>
      %reduce_max3A_757 = arith.constant dense<0xFF800000> : vector<32xf32>
      %reduce_max3A_758 = vector.multi_reduction <maximumf>, %select_n3A_756, %reduce_max3A_757 [1] : vector<32x512xf32> to vector<32xf32>
      %broadcast_in_dim3A_759 = vector.shape_cast %reduce_max3A_758 : vector<32xf32> to vector<32x1xf32>
      %eq3A_760 = vector.broadcast %broadcast_in_dim3A_759 : vector<32x1xf32> to vector<32x512xf32>
      %eq3A_761 = arith.cmpf oeq, %select_n3A_756, %eq3A_760 : vector<32x512xf32>
      %jit3A_762 = arith.constant 512 : i32
      %broadcast_in_dim3A_763 = vector.broadcast %jit3A_762 : i32 to vector<32x512xi32>
      %select_n3A_764 = arith.select %eq3A_761, %iota3A, %broadcast_in_dim3A_763 : vector<32x512xi1>, vector<32x512xi32>
      %reduce_min3A_765 = arith.constant dense<2147483647> : vector<32xi32>
      %reduce_min3A_766 = vector.multi_reduction <minsi>, %select_n3A_764, %reduce_min3A_765 [1] : vector<32x512xi32> to vector<32xi32>
      %broadcast_in_dim3A_767 = vector.shape_cast %reduce_min3A_766 : vector<32xi32> to vector<32x1xi32>
      %eq3A_768 = vector.broadcast %broadcast_in_dim3A_767 : vector<32x1xi32> to vector<32x512xi32>
      %eq3A_769 = arith.cmpi eq, %iota3A, %eq3A_768 : vector<32x512xi32>
      %jit3A_770 = arith.constant 0xFF800000 : f32
      %broadcast_in_dim3A_771 = vector.broadcast %jit3A_770 : f32 to vector<32x512xf32>
      %select_n3A_772 = arith.select %eq3A_769, %broadcast_in_dim3A_771, %select_n3A_756 : vector<32x512xi1>, vector<32x512xf32>
      %reduce_max3A_773 = arith.constant dense<0xFF800000> : vector<32xf32>
      %reduce_max3A_774 = vector.multi_reduction <maximumf>, %select_n3A_772, %reduce_max3A_773 [1] : vector<32x512xf32> to vector<32xf32>
      %broadcast_in_dim3A_775 = vector.shape_cast %reduce_max3A_774 : vector<32xf32> to vector<32x1xf32>
      %eq3A_776 = vector.broadcast %broadcast_in_dim3A_775 : vector<32x1xf32> to vector<32x512xf32>
      %eq3A_777 = arith.cmpf oeq, %select_n3A_772, %eq3A_776 : vector<32x512xf32>
      %jit3A_778 = arith.constant 512 : i32
      %broadcast_in_dim3A_779 = vector.broadcast %jit3A_778 : i32 to vector<32x512xi32>
      %select_n3A_780 = arith.select %eq3A_777, %iota3A, %broadcast_in_dim3A_779 : vector<32x512xi1>, vector<32x512xi32>
      %reduce_min3A_781 = arith.constant dense<2147483647> : vector<32xi32>
      %reduce_min3A_782 = vector.multi_reduction <minsi>, %select_n3A_780, %reduce_min3A_781 [1] : vector<32x512xi32> to vector<32xi32>
      %broadcast_in_dim3A_783 = vector.shape_cast %reduce_min3A_782 : vector<32xi32> to vector<32x1xi32>
      %eq3A_784 = vector.broadcast %broadcast_in_dim3A_783 : vector<32x1xi32> to vector<32x512xi32>
      %eq3A_785 = arith.cmpi eq, %iota3A, %eq3A_784 : vector<32x512xi32>
      %jit3A_786 = arith.constant 0xFF800000 : f32
      %broadcast_in_dim3A_787 = vector.broadcast %jit3A_786 : f32 to vector<32x512xf32>
      %select_n3A_788 = arith.select %eq3A_785, %broadcast_in_dim3A_787, %select_n3A_772 : vector<32x512xi1>, vector<32x512xf32>
      %reduce_max3A_789 = arith.constant dense<0xFF800000> : vector<32xf32>
      %reduce_max3A_790 = vector.multi_reduction <maximumf>, %select_n3A_788, %reduce_max3A_789 [1] : vector<32x512xf32> to vector<32xf32>
      %broadcast_in_dim3A_791 = vector.shape_cast %reduce_max3A_790 : vector<32xf32> to vector<32x1xf32>
      %eq3A_792 = vector.broadcast %broadcast_in_dim3A_791 : vector<32x1xf32> to vector<32x512xf32>
      %eq3A_793 = arith.cmpf oeq, %select_n3A_788, %eq3A_792 : vector<32x512xf32>
      %jit3A_794 = arith.constant 512 : i32
      %broadcast_in_dim3A_795 = vector.broadcast %jit3A_794 : i32 to vector<32x512xi32>
      %select_n3A_796 = arith.select %eq3A_793, %iota3A, %broadcast_in_dim3A_795 : vector<32x512xi1>, vector<32x512xi32>
      %reduce_min3A_797 = arith.constant dense<2147483647> : vector<32xi32>
      %reduce_min3A_798 = vector.multi_reduction <minsi>, %select_n3A_796, %reduce_min3A_797 [1] : vector<32x512xi32> to vector<32xi32>
      %broadcast_in_dim3A_799 = vector.shape_cast %reduce_min3A_798 : vector<32xi32> to vector<32x1xi32>
      %eq3A_800 = vector.broadcast %broadcast_in_dim3A_799 : vector<32x1xi32> to vector<32x512xi32>
      %eq3A_801 = arith.cmpi eq, %iota3A, %eq3A_800 : vector<32x512xi32>
      %jit3A_802 = arith.constant 0xFF800000 : f32
      %broadcast_in_dim3A_803 = vector.broadcast %jit3A_802 : f32 to vector<32x512xf32>
      %select_n3A_804 = arith.select %eq3A_801, %broadcast_in_dim3A_803, %select_n3A_788 : vector<32x512xi1>, vector<32x512xf32>
      %reduce_max3A_805 = arith.constant dense<0xFF800000> : vector<32xf32>
      %reduce_max3A_806 = vector.multi_reduction <maximumf>, %select_n3A_804, %reduce_max3A_805 [1] : vector<32x512xf32> to vector<32xf32>
      %broadcast_in_dim3A_807 = vector.shape_cast %reduce_max3A_806 : vector<32xf32> to vector<32x1xf32>
      %eq3A_808 = vector.broadcast %broadcast_in_dim3A_807 : vector<32x1xf32> to vector<32x512xf32>
      %eq3A_809 = arith.cmpf oeq, %select_n3A_804, %eq3A_808 : vector<32x512xf32>
      %jit3A_810 = arith.constant 512 : i32
      %broadcast_in_dim3A_811 = vector.broadcast %jit3A_810 : i32 to vector<32x512xi32>
      %select_n3A_812 = arith.select %eq3A_809, %iota3A, %broadcast_in_dim3A_811 : vector<32x512xi1>, vector<32x512xi32>
      %reduce_min3A_813 = arith.constant dense<2147483647> : vector<32xi32>
      %reduce_min3A_814 = vector.multi_reduction <minsi>, %select_n3A_812, %reduce_min3A_813 [1] : vector<32x512xi32> to vector<32xi32>
      %broadcast_in_dim3A_815 = vector.shape_cast %reduce_min3A_814 : vector<32xi32> to vector<32x1xi32>
      %eq3A_816 = vector.broadcast %broadcast_in_dim3A_815 : vector<32x1xi32> to vector<32x512xi32>
      %eq3A_817 = arith.cmpi eq, %iota3A, %eq3A_816 : vector<32x512xi32>
      %jit3A_818 = arith.constant 0xFF800000 : f32
      %broadcast_in_dim3A_819 = vector.broadcast %jit3A_818 : f32 to vector<32x512xf32>
      %select_n3A_820 = arith.select %eq3A_817, %broadcast_in_dim3A_819, %select_n3A_804 : vector<32x512xi1>, vector<32x512xf32>
      %reduce_max3A_821 = arith.constant dense<0xFF800000> : vector<32xf32>
      %reduce_max3A_822 = vector.multi_reduction <maximumf>, %select_n3A_820, %reduce_max3A_821 [1] : vector<32x512xf32> to vector<32xf32>
      %broadcast_in_dim3A_823 = vector.shape_cast %reduce_max3A_822 : vector<32xf32> to vector<32x1xf32>
      %eq3A_824 = vector.broadcast %broadcast_in_dim3A_823 : vector<32x1xf32> to vector<32x512xf32>
      %eq3A_825 = arith.cmpf oeq, %select_n3A_820, %eq3A_824 : vector<32x512xf32>
      %jit3A_826 = arith.constant 512 : i32
      %broadcast_in_dim3A_827 = vector.broadcast %jit3A_826 : i32 to vector<32x512xi32>
      %select_n3A_828 = arith.select %eq3A_825, %iota3A, %broadcast_in_dim3A_827 : vector<32x512xi1>, vector<32x512xi32>
      %reduce_min3A_829 = arith.constant dense<2147483647> : vector<32xi32>
      %reduce_min3A_830 = vector.multi_reduction <minsi>, %select_n3A_828, %reduce_min3A_829 [1] : vector<32x512xi32> to vector<32xi32>
      %broadcast_in_dim3A_831 = vector.shape_cast %reduce_min3A_830 : vector<32xi32> to vector<32x1xi32>
      %eq3A_832 = vector.broadcast %broadcast_in_dim3A_831 : vector<32x1xi32> to vector<32x512xi32>
      %eq3A_833 = arith.cmpi eq, %iota3A, %eq3A_832 : vector<32x512xi32>
      %jit3A_834 = arith.constant 0xFF800000 : f32
      %broadcast_in_dim3A_835 = vector.broadcast %jit3A_834 : f32 to vector<32x512xf32>
      %select_n3A_836 = arith.select %eq3A_833, %broadcast_in_dim3A_835, %select_n3A_820 : vector<32x512xi1>, vector<32x512xf32>
      %reduce_max3A_837 = arith.constant dense<0xFF800000> : vector<32xf32>
      %reduce_max3A_838 = vector.multi_reduction <maximumf>, %select_n3A_836, %reduce_max3A_837 [1] : vector<32x512xf32> to vector<32xf32>
      %broadcast_in_dim3A_839 = vector.shape_cast %reduce_max3A_838 : vector<32xf32> to vector<32x1xf32>
      %eq3A_840 = vector.broadcast %broadcast_in_dim3A_839 : vector<32x1xf32> to vector<32x512xf32>
      %eq3A_841 = arith.cmpf oeq, %select_n3A_836, %eq3A_840 : vector<32x512xf32>
      %jit3A_842 = arith.constant 512 : i32
      %broadcast_in_dim3A_843 = vector.broadcast %jit3A_842 : i32 to vector<32x512xi32>
      %select_n3A_844 = arith.select %eq3A_841, %iota3A, %broadcast_in_dim3A_843 : vector<32x512xi1>, vector<32x512xi32>
      %reduce_min3A_845 = arith.constant dense<2147483647> : vector<32xi32>
      %reduce_min3A_846 = vector.multi_reduction <minsi>, %select_n3A_844, %reduce_min3A_845 [1] : vector<32x512xi32> to vector<32xi32>
      %broadcast_in_dim3A_847 = vector.shape_cast %reduce_min3A_846 : vector<32xi32> to vector<32x1xi32>
      %eq3A_848 = vector.broadcast %broadcast_in_dim3A_847 : vector<32x1xi32> to vector<32x512xi32>
      %eq3A_849 = arith.cmpi eq, %iota3A, %eq3A_848 : vector<32x512xi32>
      %jit3A_850 = arith.constant 0xFF800000 : f32
      %broadcast_in_dim3A_851 = vector.broadcast %jit3A_850 : f32 to vector<32x512xf32>
      %select_n3A_852 = arith.select %eq3A_849, %broadcast_in_dim3A_851, %select_n3A_836 : vector<32x512xi1>, vector<32x512xf32>
      %reduce_max3A_853 = arith.constant dense<0xFF800000> : vector<32xf32>
      %reduce_max3A_854 = vector.multi_reduction <maximumf>, %select_n3A_852, %reduce_max3A_853 [1] : vector<32x512xf32> to vector<32xf32>
      %broadcast_in_dim3A_855 = vector.shape_cast %reduce_max3A_854 : vector<32xf32> to vector<32x1xf32>
      %eq3A_856 = vector.broadcast %broadcast_in_dim3A_855 : vector<32x1xf32> to vector<32x512xf32>
      %eq3A_857 = arith.cmpf oeq, %select_n3A_852, %eq3A_856 : vector<32x512xf32>
      %jit3A_858 = arith.constant 512 : i32
      %broadcast_in_dim3A_859 = vector.broadcast %jit3A_858 : i32 to vector<32x512xi32>
      %select_n3A_860 = arith.select %eq3A_857, %iota3A, %broadcast_in_dim3A_859 : vector<32x512xi1>, vector<32x512xi32>
      %reduce_min3A_861 = arith.constant dense<2147483647> : vector<32xi32>
      %reduce_min3A_862 = vector.multi_reduction <minsi>, %select_n3A_860, %reduce_min3A_861 [1] : vector<32x512xi32> to vector<32xi32>
      %broadcast_in_dim3A_863 = vector.shape_cast %reduce_min3A_862 : vector<32xi32> to vector<32x1xi32>
      %eq3A_864 = vector.broadcast %broadcast_in_dim3A_863 : vector<32x1xi32> to vector<32x512xi32>
      %eq3A_865 = arith.cmpi eq, %iota3A, %eq3A_864 : vector<32x512xi32>
      %jit3A_866 = arith.constant 0xFF800000 : f32
      %broadcast_in_dim3A_867 = vector.broadcast %jit3A_866 : f32 to vector<32x512xf32>
      %select_n3A_868 = arith.select %eq3A_865, %broadcast_in_dim3A_867, %select_n3A_852 : vector<32x512xi1>, vector<32x512xf32>
      %reduce_max3A_869 = arith.constant dense<0xFF800000> : vector<32xf32>
      %reduce_max3A_870 = vector.multi_reduction <maximumf>, %select_n3A_868, %reduce_max3A_869 [1] : vector<32x512xf32> to vector<32xf32>
      %broadcast_in_dim3A_871 = vector.shape_cast %reduce_max3A_870 : vector<32xf32> to vector<32x1xf32>
      %eq3A_872 = vector.broadcast %broadcast_in_dim3A_871 : vector<32x1xf32> to vector<32x512xf32>
      %eq3A_873 = arith.cmpf oeq, %select_n3A_868, %eq3A_872 : vector<32x512xf32>
      %jit3A_874 = arith.constant 512 : i32
      %broadcast_in_dim3A_875 = vector.broadcast %jit3A_874 : i32 to vector<32x512xi32>
      %select_n3A_876 = arith.select %eq3A_873, %iota3A, %broadcast_in_dim3A_875 : vector<32x512xi1>, vector<32x512xi32>
      %reduce_min3A_877 = arith.constant dense<2147483647> : vector<32xi32>
      %reduce_min3A_878 = vector.multi_reduction <minsi>, %select_n3A_876, %reduce_min3A_877 [1] : vector<32x512xi32> to vector<32xi32>
      %broadcast_in_dim3A_879 = vector.shape_cast %reduce_min3A_878 : vector<32xi32> to vector<32x1xi32>
      %eq3A_880 = vector.broadcast %broadcast_in_dim3A_879 : vector<32x1xi32> to vector<32x512xi32>
      %eq3A_881 = arith.cmpi eq, %iota3A, %eq3A_880 : vector<32x512xi32>
      %jit3A_882 = arith.constant 0xFF800000 : f32
      %broadcast_in_dim3A_883 = vector.broadcast %jit3A_882 : f32 to vector<32x512xf32>
      %select_n3A_884 = arith.select %eq3A_881, %broadcast_in_dim3A_883, %select_n3A_868 : vector<32x512xi1>, vector<32x512xf32>
      %reduce_max3A_885 = arith.constant dense<0xFF800000> : vector<32xf32>
      %reduce_max3A_886 = vector.multi_reduction <maximumf>, %select_n3A_884, %reduce_max3A_885 [1] : vector<32x512xf32> to vector<32xf32>
      %broadcast_in_dim3A_887 = vector.shape_cast %reduce_max3A_886 : vector<32xf32> to vector<32x1xf32>
      %eq3A_888 = vector.broadcast %broadcast_in_dim3A_887 : vector<32x1xf32> to vector<32x512xf32>
      %eq3A_889 = arith.cmpf oeq, %select_n3A_884, %eq3A_888 : vector<32x512xf32>
      %jit3A_890 = arith.constant 512 : i32
      %broadcast_in_dim3A_891 = vector.broadcast %jit3A_890 : i32 to vector<32x512xi32>
      %select_n3A_892 = arith.select %eq3A_889, %iota3A, %broadcast_in_dim3A_891 : vector<32x512xi1>, vector<32x512xi32>
      %reduce_min3A_893 = arith.constant dense<2147483647> : vector<32xi32>
      %reduce_min3A_894 = vector.multi_reduction <minsi>, %select_n3A_892, %reduce_min3A_893 [1] : vector<32x512xi32> to vector<32xi32>
      %broadcast_in_dim3A_895 = vector.shape_cast %reduce_min3A_894 : vector<32xi32> to vector<32x1xi32>
      %eq3A_896 = vector.broadcast %broadcast_in_dim3A_895 : vector<32x1xi32> to vector<32x512xi32>
      %eq3A_897 = arith.cmpi eq, %iota3A, %eq3A_896 : vector<32x512xi32>
      %jit3A_898 = arith.constant 0xFF800000 : f32
      %broadcast_in_dim3A_899 = vector.broadcast %jit3A_898 : f32 to vector<32x512xf32>
      %select_n3A_900 = arith.select %eq3A_897, %broadcast_in_dim3A_899, %select_n3A_884 : vector<32x512xi1>, vector<32x512xf32>
      %reduce_max3A_901 = arith.constant dense<0xFF800000> : vector<32xf32>
      %reduce_max3A_902 = vector.multi_reduction <maximumf>, %select_n3A_900, %reduce_max3A_901 [1] : vector<32x512xf32> to vector<32xf32>
      %broadcast_in_dim3A_903 = vector.shape_cast %reduce_max3A_902 : vector<32xf32> to vector<32x1xf32>
      %eq3A_904 = vector.broadcast %broadcast_in_dim3A_903 : vector<32x1xf32> to vector<32x512xf32>
      %eq3A_905 = arith.cmpf oeq, %select_n3A_900, %eq3A_904 : vector<32x512xf32>
      %jit3A_906 = arith.constant 512 : i32
      %broadcast_in_dim3A_907 = vector.broadcast %jit3A_906 : i32 to vector<32x512xi32>
      %select_n3A_908 = arith.select %eq3A_905, %iota3A, %broadcast_in_dim3A_907 : vector<32x512xi1>, vector<32x512xi32>
      %reduce_min3A_909 = arith.constant dense<2147483647> : vector<32xi32>
      %reduce_min3A_910 = vector.multi_reduction <minsi>, %select_n3A_908, %reduce_min3A_909 [1] : vector<32x512xi32> to vector<32xi32>
      %broadcast_in_dim3A_911 = vector.shape_cast %reduce_min3A_910 : vector<32xi32> to vector<32x1xi32>
      %eq3A_912 = vector.broadcast %broadcast_in_dim3A_911 : vector<32x1xi32> to vector<32x512xi32>
      %eq3A_913 = arith.cmpi eq, %iota3A, %eq3A_912 : vector<32x512xi32>
      %jit3A_914 = arith.constant 0xFF800000 : f32
      %broadcast_in_dim3A_915 = vector.broadcast %jit3A_914 : f32 to vector<32x512xf32>
      %select_n3A_916 = arith.select %eq3A_913, %broadcast_in_dim3A_915, %select_n3A_900 : vector<32x512xi1>, vector<32x512xf32>
      %reduce_max3A_917 = arith.constant dense<0xFF800000> : vector<32xf32>
      %reduce_max3A_918 = vector.multi_reduction <maximumf>, %select_n3A_916, %reduce_max3A_917 [1] : vector<32x512xf32> to vector<32xf32>
      %broadcast_in_dim3A_919 = vector.shape_cast %reduce_max3A_918 : vector<32xf32> to vector<32x1xf32>
      %eq3A_920 = vector.broadcast %broadcast_in_dim3A_919 : vector<32x1xf32> to vector<32x512xf32>
      %eq3A_921 = arith.cmpf oeq, %select_n3A_916, %eq3A_920 : vector<32x512xf32>
      %jit3A_922 = arith.constant 512 : i32
      %broadcast_in_dim3A_923 = vector.broadcast %jit3A_922 : i32 to vector<32x512xi32>
      %select_n3A_924 = arith.select %eq3A_921, %iota3A, %broadcast_in_dim3A_923 : vector<32x512xi1>, vector<32x512xi32>
      %reduce_min3A_925 = arith.constant dense<2147483647> : vector<32xi32>
      %reduce_min3A_926 = vector.multi_reduction <minsi>, %select_n3A_924, %reduce_min3A_925 [1] : vector<32x512xi32> to vector<32xi32>
      %broadcast_in_dim3A_927 = vector.shape_cast %reduce_min3A_926 : vector<32xi32> to vector<32x1xi32>
      %eq3A_928 = vector.broadcast %broadcast_in_dim3A_927 : vector<32x1xi32> to vector<32x512xi32>
      %eq3A_929 = arith.cmpi eq, %iota3A, %eq3A_928 : vector<32x512xi32>
      %jit3A_930 = arith.constant 0xFF800000 : f32
      %broadcast_in_dim3A_931 = vector.broadcast %jit3A_930 : f32 to vector<32x512xf32>
      %select_n3A_932 = arith.select %eq3A_929, %broadcast_in_dim3A_931, %select_n3A_916 : vector<32x512xi1>, vector<32x512xf32>
      %reduce_max3A_933 = arith.constant dense<0xFF800000> : vector<32xf32>
      %reduce_max3A_934 = vector.multi_reduction <maximumf>, %select_n3A_932, %reduce_max3A_933 [1] : vector<32x512xf32> to vector<32xf32>
      %broadcast_in_dim3A_935 = vector.shape_cast %reduce_max3A_934 : vector<32xf32> to vector<32x1xf32>
      %eq3A_936 = vector.broadcast %broadcast_in_dim3A_935 : vector<32x1xf32> to vector<32x512xf32>
      %eq3A_937 = arith.cmpf oeq, %select_n3A_932, %eq3A_936 : vector<32x512xf32>
      %jit3A_938 = arith.constant 512 : i32
      %broadcast_in_dim3A_939 = vector.broadcast %jit3A_938 : i32 to vector<32x512xi32>
      %select_n3A_940 = arith.select %eq3A_937, %iota3A, %broadcast_in_dim3A_939 : vector<32x512xi1>, vector<32x512xi32>
      %reduce_min3A_941 = arith.constant dense<2147483647> : vector<32xi32>
      %reduce_min3A_942 = vector.multi_reduction <minsi>, %select_n3A_940, %reduce_min3A_941 [1] : vector<32x512xi32> to vector<32xi32>
      %broadcast_in_dim3A_943 = vector.shape_cast %reduce_min3A_942 : vector<32xi32> to vector<32x1xi32>
      %eq3A_944 = vector.broadcast %broadcast_in_dim3A_943 : vector<32x1xi32> to vector<32x512xi32>
      %eq3A_945 = arith.cmpi eq, %iota3A, %eq3A_944 : vector<32x512xi32>
      %jit3A_946 = arith.constant 0xFF800000 : f32
      %broadcast_in_dim3A_947 = vector.broadcast %jit3A_946 : f32 to vector<32x512xf32>
      %select_n3A_948 = arith.select %eq3A_945, %broadcast_in_dim3A_947, %select_n3A_932 : vector<32x512xi1>, vector<32x512xf32>
      %reduce_max3A_949 = arith.constant dense<0xFF800000> : vector<32xf32>
      %reduce_max3A_950 = vector.multi_reduction <maximumf>, %select_n3A_948, %reduce_max3A_949 [1] : vector<32x512xf32> to vector<32xf32>
      %broadcast_in_dim3A_951 = vector.shape_cast %reduce_max3A_950 : vector<32xf32> to vector<32x1xf32>
      %eq3A_952 = vector.broadcast %broadcast_in_dim3A_951 : vector<32x1xf32> to vector<32x512xf32>
      %eq3A_953 = arith.cmpf oeq, %select_n3A_948, %eq3A_952 : vector<32x512xf32>
      %jit3A_954 = arith.constant 512 : i32
      %broadcast_in_dim3A_955 = vector.broadcast %jit3A_954 : i32 to vector<32x512xi32>
      %select_n3A_956 = arith.select %eq3A_953, %iota3A, %broadcast_in_dim3A_955 : vector<32x512xi1>, vector<32x512xi32>
      %reduce_min3A_957 = arith.constant dense<2147483647> : vector<32xi32>
      %reduce_min3A_958 = vector.multi_reduction <minsi>, %select_n3A_956, %reduce_min3A_957 [1] : vector<32x512xi32> to vector<32xi32>
      %broadcast_in_dim3A_959 = vector.shape_cast %reduce_min3A_958 : vector<32xi32> to vector<32x1xi32>
      %eq3A_960 = vector.broadcast %broadcast_in_dim3A_959 : vector<32x1xi32> to vector<32x512xi32>
      %eq3A_961 = arith.cmpi eq, %iota3A, %eq3A_960 : vector<32x512xi32>
      %jit3A_962 = arith.constant 0xFF800000 : f32
      %broadcast_in_dim3A_963 = vector.broadcast %jit3A_962 : f32 to vector<32x512xf32>
      %select_n3A_964 = arith.select %eq3A_961, %broadcast_in_dim3A_963, %select_n3A_948 : vector<32x512xi1>, vector<32x512xf32>
      %reduce_max3A_965 = arith.constant dense<0xFF800000> : vector<32xf32>
      %reduce_max3A_966 = vector.multi_reduction <maximumf>, %select_n3A_964, %reduce_max3A_965 [1] : vector<32x512xf32> to vector<32xf32>
      %broadcast_in_dim3A_967 = vector.shape_cast %reduce_max3A_966 : vector<32xf32> to vector<32x1xf32>
      %eq3A_968 = vector.broadcast %broadcast_in_dim3A_967 : vector<32x1xf32> to vector<32x512xf32>
      %eq3A_969 = arith.cmpf oeq, %select_n3A_964, %eq3A_968 : vector<32x512xf32>
      %jit3A_970 = arith.constant 512 : i32
      %broadcast_in_dim3A_971 = vector.broadcast %jit3A_970 : i32 to vector<32x512xi32>
      %select_n3A_972 = arith.select %eq3A_969, %iota3A, %broadcast_in_dim3A_971 : vector<32x512xi1>, vector<32x512xi32>
      %reduce_min3A_973 = arith.constant dense<2147483647> : vector<32xi32>
      %reduce_min3A_974 = vector.multi_reduction <minsi>, %select_n3A_972, %reduce_min3A_973 [1] : vector<32x512xi32> to vector<32xi32>
      %broadcast_in_dim3A_975 = vector.shape_cast %reduce_min3A_974 : vector<32xi32> to vector<32x1xi32>
      %eq3A_976 = vector.broadcast %broadcast_in_dim3A_975 : vector<32x1xi32> to vector<32x512xi32>
      %eq3A_977 = arith.cmpi eq, %iota3A, %eq3A_976 : vector<32x512xi32>
      %jit3A_978 = arith.constant 0xFF800000 : f32
      %broadcast_in_dim3A_979 = vector.broadcast %jit3A_978 : f32 to vector<32x512xf32>
      %select_n3A_980 = arith.select %eq3A_977, %broadcast_in_dim3A_979, %select_n3A_964 : vector<32x512xi1>, vector<32x512xf32>
      %reduce_max3A_981 = arith.constant dense<0xFF800000> : vector<32xf32>
      %reduce_max3A_982 = vector.multi_reduction <maximumf>, %select_n3A_980, %reduce_max3A_981 [1] : vector<32x512xf32> to vector<32xf32>
      %broadcast_in_dim3A_983 = vector.shape_cast %reduce_max3A_982 : vector<32xf32> to vector<32x1xf32>
      %eq3A_984 = vector.broadcast %broadcast_in_dim3A_983 : vector<32x1xf32> to vector<32x512xf32>
      %eq3A_985 = arith.cmpf oeq, %select_n3A_980, %eq3A_984 : vector<32x512xf32>
      %jit3A_986 = arith.constant 512 : i32
      %broadcast_in_dim3A_987 = vector.broadcast %jit3A_986 : i32 to vector<32x512xi32>
      %select_n3A_988 = arith.select %eq3A_985, %iota3A, %broadcast_in_dim3A_987 : vector<32x512xi1>, vector<32x512xi32>
      %reduce_min3A_989 = arith.constant dense<2147483647> : vector<32xi32>
      %reduce_min3A_990 = vector.multi_reduction <minsi>, %select_n3A_988, %reduce_min3A_989 [1] : vector<32x512xi32> to vector<32xi32>
      %broadcast_in_dim3A_991 = vector.shape_cast %reduce_min3A_990 : vector<32xi32> to vector<32x1xi32>
      %eq3A_992 = vector.broadcast %broadcast_in_dim3A_991 : vector<32x1xi32> to vector<32x512xi32>
      %eq3A_993 = arith.cmpi eq, %iota3A, %eq3A_992 : vector<32x512xi32>
      %jit3A_994 = arith.constant 0xFF800000 : f32
      %broadcast_in_dim3A_995 = vector.broadcast %jit3A_994 : f32 to vector<32x512xf32>
      %select_n3A_996 = arith.select %eq3A_993, %broadcast_in_dim3A_995, %select_n3A_980 : vector<32x512xi1>, vector<32x512xf32>
      %reduce_max3A_997 = arith.constant dense<0xFF800000> : vector<32xf32>
      %reduce_max3A_998 = vector.multi_reduction <maximumf>, %select_n3A_996, %reduce_max3A_997 [1] : vector<32x512xf32> to vector<32xf32>
      %broadcast_in_dim3A_999 = vector.shape_cast %reduce_max3A_998 : vector<32xf32> to vector<32x1xf32>
      %eq3A_1000 = vector.broadcast %broadcast_in_dim3A_999 : vector<32x1xf32> to vector<32x512xf32>
      %eq3A_1001 = arith.cmpf oeq, %select_n3A_996, %eq3A_1000 : vector<32x512xf32>
      %jit3A_1002 = arith.constant 512 : i32
      %broadcast_in_dim3A_1003 = vector.broadcast %jit3A_1002 : i32 to vector<32x512xi32>
      %select_n3A_1004 = arith.select %eq3A_1001, %iota3A, %broadcast_in_dim3A_1003 : vector<32x512xi1>, vector<32x512xi32>
      %reduce_min3A_1005 = arith.constant dense<2147483647> : vector<32xi32>
      %reduce_min3A_1006 = vector.multi_reduction <minsi>, %select_n3A_1004, %reduce_min3A_1005 [1] : vector<32x512xi32> to vector<32xi32>
      %broadcast_in_dim3A_1007 = vector.shape_cast %reduce_min3A_1006 : vector<32xi32> to vector<32x1xi32>
      %eq3A_1008 = vector.broadcast %broadcast_in_dim3A_1007 : vector<32x1xi32> to vector<32x512xi32>
      %eq3A_1009 = arith.cmpi eq, %iota3A, %eq3A_1008 : vector<32x512xi32>
      %jit3A_1010 = arith.constant 0xFF800000 : f32
      %broadcast_in_dim3A_1011 = vector.broadcast %jit3A_1010 : f32 to vector<32x512xf32>
      %select_n3A_1012 = arith.select %eq3A_1009, %broadcast_in_dim3A_1011, %select_n3A_996 : vector<32x512xi1>, vector<32x512xf32>
      %reduce_max3A_1013 = arith.constant dense<0xFF800000> : vector<32xf32>
      %reduce_max3A_1014 = vector.multi_reduction <maximumf>, %select_n3A_1012, %reduce_max3A_1013 [1] : vector<32x512xf32> to vector<32xf32>
      %broadcast_in_dim3A_1015 = vector.shape_cast %reduce_max3A_1014 : vector<32xf32> to vector<32x1xf32>
      %eq3A_1016 = vector.broadcast %broadcast_in_dim3A_1015 : vector<32x1xf32> to vector<32x512xf32>
      %eq3A_1017 = arith.cmpf oeq, %select_n3A_1012, %eq3A_1016 : vector<32x512xf32>
      %jit3A_1018 = arith.constant 512 : i32
      %broadcast_in_dim3A_1019 = vector.broadcast %jit3A_1018 : i32 to vector<32x512xi32>
      %select_n3A_1020 = arith.select %eq3A_1017, %iota3A, %broadcast_in_dim3A_1019 : vector<32x512xi1>, vector<32x512xi32>
      %reduce_min3A_1021 = arith.constant dense<2147483647> : vector<32xi32>
      %reduce_min3A_1022 = vector.multi_reduction <minsi>, %select_n3A_1020, %reduce_min3A_1021 [1] : vector<32x512xi32> to vector<32xi32>
      %broadcast_in_dim3A_1023 = vector.shape_cast %reduce_min3A_1022 : vector<32xi32> to vector<32x1xi32>
      %eq3A_1024 = vector.broadcast %broadcast_in_dim3A_1023 : vector<32x1xi32> to vector<32x512xi32>
      %eq3A_1025 = arith.cmpi eq, %iota3A, %eq3A_1024 : vector<32x512xi32>
      %jit3A_1026 = arith.constant 0xFF800000 : f32
      %broadcast_in_dim3A_1027 = vector.broadcast %jit3A_1026 : f32 to vector<32x512xf32>
      %select_n3A_1028 = arith.select %eq3A_1025, %broadcast_in_dim3A_1027, %select_n3A_1012 : vector<32x512xi1>, vector<32x512xf32>
      %reduce_max3A_1029 = arith.constant dense<0xFF800000> : vector<32xf32>
      %reduce_max3A_1030 = vector.multi_reduction <maximumf>, %select_n3A_1028, %reduce_max3A_1029 [1] : vector<32x512xf32> to vector<32xf32>
      %broadcast_in_dim3A_1031 = vector.shape_cast %reduce_max3A_1030 : vector<32xf32> to vector<32x1xf32>
      %eq3A_1032 = vector.broadcast %broadcast_in_dim3A_1031 : vector<32x1xf32> to vector<32x512xf32>
      %eq3A_1033 = arith.cmpf oeq, %select_n3A_1028, %eq3A_1032 : vector<32x512xf32>
      %jit3A_1034 = arith.constant 512 : i32
      %broadcast_in_dim3A_1035 = vector.broadcast %jit3A_1034 : i32 to vector<32x512xi32>
      %select_n3A_1036 = arith.select %eq3A_1033, %iota3A, %broadcast_in_dim3A_1035 : vector<32x512xi1>, vector<32x512xi32>
      %reduce_min3A_1037 = arith.constant dense<2147483647> : vector<32xi32>
      %reduce_min3A_1038 = vector.multi_reduction <minsi>, %select_n3A_1036, %reduce_min3A_1037 [1] : vector<32x512xi32> to vector<32xi32>
      %broadcast_in_dim3A_1039 = vector.shape_cast %reduce_min3A_1038 : vector<32xi32> to vector<32x1xi32>
      %eq3A_1040 = vector.broadcast %broadcast_in_dim3A_1039 : vector<32x1xi32> to vector<32x512xi32>
      %eq3A_1041 = arith.cmpi eq, %iota3A, %eq3A_1040 : vector<32x512xi32>
      %jit3A_1042 = arith.constant 0xFF800000 : f32
      %broadcast_in_dim3A_1043 = vector.broadcast %jit3A_1042 : f32 to vector<32x512xf32>
      %select_n3A_1044 = arith.select %eq3A_1041, %broadcast_in_dim3A_1043, %select_n3A_1028 : vector<32x512xi1>, vector<32x512xf32>
      %reduce_max3A_1045 = arith.constant dense<0xFF800000> : vector<32xf32>
      %reduce_max3A_1046 = vector.multi_reduction <maximumf>, %select_n3A_1044, %reduce_max3A_1045 [1] : vector<32x512xf32> to vector<32xf32>
      %broadcast_in_dim3A_1047 = vector.shape_cast %reduce_max3A_1046 : vector<32xf32> to vector<32x1xf32>
      %eq3A_1048 = vector.broadcast %broadcast_in_dim3A_1047 : vector<32x1xf32> to vector<32x512xf32>
      %eq3A_1049 = arith.cmpf oeq, %select_n3A_1044, %eq3A_1048 : vector<32x512xf32>
      %jit3A_1050 = arith.constant 512 : i32
      %broadcast_in_dim3A_1051 = vector.broadcast %jit3A_1050 : i32 to vector<32x512xi32>
      %select_n3A_1052 = arith.select %eq3A_1049, %iota3A, %broadcast_in_dim3A_1051 : vector<32x512xi1>, vector<32x512xi32>
      %reduce_min3A_1053 = arith.constant dense<2147483647> : vector<32xi32>
      %reduce_min3A_1054 = vector.multi_reduction <minsi>, %select_n3A_1052, %reduce_min3A_1053 [1] : vector<32x512xi32> to vector<32xi32>
      %broadcast_in_dim3A_1055 = vector.shape_cast %reduce_min3A_1054 : vector<32xi32> to vector<32x1xi32>
      %eq3A_1056 = vector.broadcast %broadcast_in_dim3A_1055 : vector<32x1xi32> to vector<32x512xi32>
      %eq3A_1057 = arith.cmpi eq, %iota3A, %eq3A_1056 : vector<32x512xi32>
      %jit3A_1058 = arith.constant 0xFF800000 : f32
      %broadcast_in_dim3A_1059 = vector.broadcast %jit3A_1058 : f32 to vector<32x512xf32>
      %select_n3A_1060 = arith.select %eq3A_1057, %broadcast_in_dim3A_1059, %select_n3A_1044 : vector<32x512xi1>, vector<32x512xf32>
      %reduce_max3A_1061 = arith.constant dense<0xFF800000> : vector<32xf32>
      %reduce_max3A_1062 = vector.multi_reduction <maximumf>, %select_n3A_1060, %reduce_max3A_1061 [1] : vector<32x512xf32> to vector<32xf32>
      %broadcast_in_dim3A_1063 = vector.shape_cast %reduce_max3A_1062 : vector<32xf32> to vector<32x1xf32>
      %eq3A_1064 = vector.broadcast %broadcast_in_dim3A_1063 : vector<32x1xf32> to vector<32x512xf32>
      %eq3A_1065 = arith.cmpf oeq, %select_n3A_1060, %eq3A_1064 : vector<32x512xf32>
      %jit3A_1066 = arith.constant 512 : i32
      %broadcast_in_dim3A_1067 = vector.broadcast %jit3A_1066 : i32 to vector<32x512xi32>
      %select_n3A_1068 = arith.select %eq3A_1065, %iota3A, %broadcast_in_dim3A_1067 : vector<32x512xi1>, vector<32x512xi32>
      %reduce_min3A_1069 = arith.constant dense<2147483647> : vector<32xi32>
      %reduce_min3A_1070 = vector.multi_reduction <minsi>, %select_n3A_1068, %reduce_min3A_1069 [1] : vector<32x512xi32> to vector<32xi32>
      %broadcast_in_dim3A_1071 = vector.shape_cast %reduce_min3A_1070 : vector<32xi32> to vector<32x1xi32>
      %eq3A_1072 = vector.broadcast %broadcast_in_dim3A_1071 : vector<32x1xi32> to vector<32x512xi32>
      %eq3A_1073 = arith.cmpi eq, %iota3A, %eq3A_1072 : vector<32x512xi32>
      %jit3A_1074 = arith.constant 0xFF800000 : f32
      %broadcast_in_dim3A_1075 = vector.broadcast %jit3A_1074 : f32 to vector<32x512xf32>
      %select_n3A_1076 = arith.select %eq3A_1073, %broadcast_in_dim3A_1075, %select_n3A_1060 : vector<32x512xi1>, vector<32x512xf32>
      %reduce_max3A_1077 = arith.constant dense<0xFF800000> : vector<32xf32>
      %reduce_max3A_1078 = vector.multi_reduction <maximumf>, %select_n3A_1076, %reduce_max3A_1077 [1] : vector<32x512xf32> to vector<32xf32>
      %broadcast_in_dim3A_1079 = vector.shape_cast %reduce_max3A_1078 : vector<32xf32> to vector<32x1xf32>
      %eq3A_1080 = vector.broadcast %broadcast_in_dim3A_1079 : vector<32x1xf32> to vector<32x512xf32>
      %eq3A_1081 = arith.cmpf oeq, %select_n3A_1076, %eq3A_1080 : vector<32x512xf32>
      %jit3A_1082 = arith.constant 512 : i32
      %broadcast_in_dim3A_1083 = vector.broadcast %jit3A_1082 : i32 to vector<32x512xi32>
      %select_n3A_1084 = arith.select %eq3A_1081, %iota3A, %broadcast_in_dim3A_1083 : vector<32x512xi1>, vector<32x512xi32>
      %reduce_min3A_1085 = arith.constant dense<2147483647> : vector<32xi32>
      %reduce_min3A_1086 = vector.multi_reduction <minsi>, %select_n3A_1084, %reduce_min3A_1085 [1] : vector<32x512xi32> to vector<32xi32>
      %broadcast_in_dim3A_1087 = vector.shape_cast %reduce_min3A_1086 : vector<32xi32> to vector<32x1xi32>
      %eq3A_1088 = vector.broadcast %broadcast_in_dim3A_1087 : vector<32x1xi32> to vector<32x512xi32>
      %eq3A_1089 = arith.cmpi eq, %iota3A, %eq3A_1088 : vector<32x512xi32>
      %jit3A_1090 = arith.constant 0xFF800000 : f32
      %broadcast_in_dim3A_1091 = vector.broadcast %jit3A_1090 : f32 to vector<32x512xf32>
      %select_n3A_1092 = arith.select %eq3A_1089, %broadcast_in_dim3A_1091, %select_n3A_1076 : vector<32x512xi1>, vector<32x512xf32>
      %reduce_max3A_1093 = arith.constant dense<0xFF800000> : vector<32xf32>
      %reduce_max3A_1094 = vector.multi_reduction <maximumf>, %select_n3A_1092, %reduce_max3A_1093 [1] : vector<32x512xf32> to vector<32xf32>
      %broadcast_in_dim3A_1095 = vector.shape_cast %reduce_max3A_1094 : vector<32xf32> to vector<32x1xf32>
      %eq3A_1096 = vector.broadcast %broadcast_in_dim3A_1095 : vector<32x1xf32> to vector<32x512xf32>
      %eq3A_1097 = arith.cmpf oeq, %select_n3A_1092, %eq3A_1096 : vector<32x512xf32>
      %jit3A_1098 = arith.constant 512 : i32
      %broadcast_in_dim3A_1099 = vector.broadcast %jit3A_1098 : i32 to vector<32x512xi32>
      %select_n3A_1100 = arith.select %eq3A_1097, %iota3A, %broadcast_in_dim3A_1099 : vector<32x512xi1>, vector<32x512xi32>
      %reduce_min3A_1101 = arith.constant dense<2147483647> : vector<32xi32>
      %reduce_min3A_1102 = vector.multi_reduction <minsi>, %select_n3A_1100, %reduce_min3A_1101 [1] : vector<32x512xi32> to vector<32xi32>
      %broadcast_in_dim3A_1103 = vector.shape_cast %reduce_min3A_1102 : vector<32xi32> to vector<32x1xi32>
      %eq3A_1104 = vector.broadcast %broadcast_in_dim3A_1103 : vector<32x1xi32> to vector<32x512xi32>
      %eq3A_1105 = arith.cmpi eq, %iota3A, %eq3A_1104 : vector<32x512xi32>
      %jit3A_1106 = arith.constant 0xFF800000 : f32
      %broadcast_in_dim3A_1107 = vector.broadcast %jit3A_1106 : f32 to vector<32x512xf32>
      %select_n3A_1108 = arith.select %eq3A_1105, %broadcast_in_dim3A_1107, %select_n3A_1092 : vector<32x512xi1>, vector<32x512xf32>
      %reduce_max3A_1109 = arith.constant dense<0xFF800000> : vector<32xf32>
      %reduce_max3A_1110 = vector.multi_reduction <maximumf>, %select_n3A_1108, %reduce_max3A_1109 [1] : vector<32x512xf32> to vector<32xf32>
      %broadcast_in_dim3A_1111 = vector.shape_cast %reduce_max3A_1110 : vector<32xf32> to vector<32x1xf32>
      %eq3A_1112 = vector.broadcast %broadcast_in_dim3A_1111 : vector<32x1xf32> to vector<32x512xf32>
      %eq3A_1113 = arith.cmpf oeq, %select_n3A_1108, %eq3A_1112 : vector<32x512xf32>
      %jit3A_1114 = arith.constant 512 : i32
      %broadcast_in_dim3A_1115 = vector.broadcast %jit3A_1114 : i32 to vector<32x512xi32>
      %select_n3A_1116 = arith.select %eq3A_1113, %iota3A, %broadcast_in_dim3A_1115 : vector<32x512xi1>, vector<32x512xi32>
      %reduce_min3A_1117 = arith.constant dense<2147483647> : vector<32xi32>
      %reduce_min3A_1118 = vector.multi_reduction <minsi>, %select_n3A_1116, %reduce_min3A_1117 [1] : vector<32x512xi32> to vector<32xi32>
      %broadcast_in_dim3A_1119 = vector.shape_cast %reduce_min3A_1118 : vector<32xi32> to vector<32x1xi32>
      %eq3A_1120 = vector.broadcast %broadcast_in_dim3A_1119 : vector<32x1xi32> to vector<32x512xi32>
      %eq3A_1121 = arith.cmpi eq, %iota3A, %eq3A_1120 : vector<32x512xi32>
      %jit3A_1122 = arith.constant 0xFF800000 : f32
      %broadcast_in_dim3A_1123 = vector.broadcast %jit3A_1122 : f32 to vector<32x512xf32>
      %select_n3A_1124 = arith.select %eq3A_1121, %broadcast_in_dim3A_1123, %select_n3A_1108 : vector<32x512xi1>, vector<32x512xf32>
      %reduce_max3A_1125 = arith.constant dense<0xFF800000> : vector<32xf32>
      %reduce_max3A_1126 = vector.multi_reduction <maximumf>, %select_n3A_1124, %reduce_max3A_1125 [1] : vector<32x512xf32> to vector<32xf32>
      %broadcast_in_dim3A_1127 = vector.shape_cast %reduce_max3A_1126 : vector<32xf32> to vector<32x1xf32>
      %eq3A_1128 = vector.broadcast %broadcast_in_dim3A_1127 : vector<32x1xf32> to vector<32x512xf32>
      %eq3A_1129 = arith.cmpf oeq, %select_n3A_1124, %eq3A_1128 : vector<32x512xf32>
      %jit3A_1130 = arith.constant 512 : i32
      %broadcast_in_dim3A_1131 = vector.broadcast %jit3A_1130 : i32 to vector<32x512xi32>
      %select_n3A_1132 = arith.select %eq3A_1129, %iota3A, %broadcast_in_dim3A_1131 : vector<32x512xi1>, vector<32x512xi32>
      %reduce_min3A_1133 = arith.constant dense<2147483647> : vector<32xi32>
      %reduce_min3A_1134 = vector.multi_reduction <minsi>, %select_n3A_1132, %reduce_min3A_1133 [1] : vector<32x512xi32> to vector<32xi32>
      %broadcast_in_dim3A_1135 = vector.shape_cast %reduce_min3A_1134 : vector<32xi32> to vector<32x1xi32>
      %eq3A_1136 = vector.broadcast %broadcast_in_dim3A_1135 : vector<32x1xi32> to vector<32x512xi32>
      %eq3A_1137 = arith.cmpi eq, %iota3A, %eq3A_1136 : vector<32x512xi32>
      %jit3A_1138 = arith.constant 0xFF800000 : f32
      %broadcast_in_dim3A_1139 = vector.broadcast %jit3A_1138 : f32 to vector<32x512xf32>
      %select_n3A_1140 = arith.select %eq3A_1137, %broadcast_in_dim3A_1139, %select_n3A_1124 : vector<32x512xi1>, vector<32x512xf32>
      %reduce_max3A_1141 = arith.constant dense<0xFF800000> : vector<32xf32>
      %reduce_max3A_1142 = vector.multi_reduction <maximumf>, %select_n3A_1140, %reduce_max3A_1141 [1] : vector<32x512xf32> to vector<32xf32>
      %broadcast_in_dim3A_1143 = vector.shape_cast %reduce_max3A_1142 : vector<32xf32> to vector<32x1xf32>
      %eq3A_1144 = vector.broadcast %broadcast_in_dim3A_1143 : vector<32x1xf32> to vector<32x512xf32>
      %eq3A_1145 = arith.cmpf oeq, %select_n3A_1140, %eq3A_1144 : vector<32x512xf32>
      %jit3A_1146 = arith.constant 512 : i32
      %broadcast_in_dim3A_1147 = vector.broadcast %jit3A_1146 : i32 to vector<32x512xi32>
      %select_n3A_1148 = arith.select %eq3A_1145, %iota3A, %broadcast_in_dim3A_1147 : vector<32x512xi1>, vector<32x512xi32>
      %reduce_min3A_1149 = arith.constant dense<2147483647> : vector<32xi32>
      %reduce_min3A_1150 = vector.multi_reduction <minsi>, %select_n3A_1148, %reduce_min3A_1149 [1] : vector<32x512xi32> to vector<32xi32>
      %broadcast_in_dim3A_1151 = vector.shape_cast %reduce_min3A_1150 : vector<32xi32> to vector<32x1xi32>
      %eq3A_1152 = vector.broadcast %broadcast_in_dim3A_1151 : vector<32x1xi32> to vector<32x512xi32>
      %eq3A_1153 = arith.cmpi eq, %iota3A, %eq3A_1152 : vector<32x512xi32>
      %jit3A_1154 = arith.constant 0xFF800000 : f32
      %broadcast_in_dim3A_1155 = vector.broadcast %jit3A_1154 : f32 to vector<32x512xf32>
      %select_n3A_1156 = arith.select %eq3A_1153, %broadcast_in_dim3A_1155, %select_n3A_1140 : vector<32x512xi1>, vector<32x512xf32>
      %reduce_max3A_1157 = arith.constant dense<0xFF800000> : vector<32xf32>
      %reduce_max3A_1158 = vector.multi_reduction <maximumf>, %select_n3A_1156, %reduce_max3A_1157 [1] : vector<32x512xf32> to vector<32xf32>
      %broadcast_in_dim3A_1159 = vector.shape_cast %reduce_max3A_1158 : vector<32xf32> to vector<32x1xf32>
      %eq3A_1160 = vector.broadcast %broadcast_in_dim3A_1159 : vector<32x1xf32> to vector<32x512xf32>
      %eq3A_1161 = arith.cmpf oeq, %select_n3A_1156, %eq3A_1160 : vector<32x512xf32>
      %jit3A_1162 = arith.constant 512 : i32
      %broadcast_in_dim3A_1163 = vector.broadcast %jit3A_1162 : i32 to vector<32x512xi32>
      %select_n3A_1164 = arith.select %eq3A_1161, %iota3A, %broadcast_in_dim3A_1163 : vector<32x512xi1>, vector<32x512xi32>
      %reduce_min3A_1165 = arith.constant dense<2147483647> : vector<32xi32>
      %reduce_min3A_1166 = vector.multi_reduction <minsi>, %select_n3A_1164, %reduce_min3A_1165 [1] : vector<32x512xi32> to vector<32xi32>
      %broadcast_in_dim3A_1167 = vector.shape_cast %reduce_min3A_1166 : vector<32xi32> to vector<32x1xi32>
      %eq3A_1168 = vector.broadcast %broadcast_in_dim3A_1167 : vector<32x1xi32> to vector<32x512xi32>
      %eq3A_1169 = arith.cmpi eq, %iota3A, %eq3A_1168 : vector<32x512xi32>
      %jit3A_1170 = arith.constant 0xFF800000 : f32
      %broadcast_in_dim3A_1171 = vector.broadcast %jit3A_1170 : f32 to vector<32x512xf32>
      %select_n3A_1172 = arith.select %eq3A_1169, %broadcast_in_dim3A_1171, %select_n3A_1156 : vector<32x512xi1>, vector<32x512xf32>
      %reduce_max3A_1173 = arith.constant dense<0xFF800000> : vector<32xf32>
      %reduce_max3A_1174 = vector.multi_reduction <maximumf>, %select_n3A_1172, %reduce_max3A_1173 [1] : vector<32x512xf32> to vector<32xf32>
      %broadcast_in_dim3A_1175 = vector.shape_cast %reduce_max3A_1174 : vector<32xf32> to vector<32x1xf32>
      %eq3A_1176 = vector.broadcast %broadcast_in_dim3A_1175 : vector<32x1xf32> to vector<32x512xf32>
      %eq3A_1177 = arith.cmpf oeq, %select_n3A_1172, %eq3A_1176 : vector<32x512xf32>
      %jit3A_1178 = arith.constant 512 : i32
      %broadcast_in_dim3A_1179 = vector.broadcast %jit3A_1178 : i32 to vector<32x512xi32>
      %select_n3A_1180 = arith.select %eq3A_1177, %iota3A, %broadcast_in_dim3A_1179 : vector<32x512xi1>, vector<32x512xi32>
      %reduce_min3A_1181 = arith.constant dense<2147483647> : vector<32xi32>
      %reduce_min3A_1182 = vector.multi_reduction <minsi>, %select_n3A_1180, %reduce_min3A_1181 [1] : vector<32x512xi32> to vector<32xi32>
      %broadcast_in_dim3A_1183 = vector.shape_cast %reduce_min3A_1182 : vector<32xi32> to vector<32x1xi32>
      %eq3A_1184 = vector.broadcast %broadcast_in_dim3A_1183 : vector<32x1xi32> to vector<32x512xi32>
      %eq3A_1185 = arith.cmpi eq, %iota3A, %eq3A_1184 : vector<32x512xi32>
      %jit3A_1186 = arith.constant 0xFF800000 : f32
      %broadcast_in_dim3A_1187 = vector.broadcast %jit3A_1186 : f32 to vector<32x512xf32>
      %select_n3A_1188 = arith.select %eq3A_1185, %broadcast_in_dim3A_1187, %select_n3A_1172 : vector<32x512xi1>, vector<32x512xf32>
      %reduce_max3A_1189 = arith.constant dense<0xFF800000> : vector<32xf32>
      %reduce_max3A_1190 = vector.multi_reduction <maximumf>, %select_n3A_1188, %reduce_max3A_1189 [1] : vector<32x512xf32> to vector<32xf32>
      %broadcast_in_dim3A_1191 = vector.shape_cast %reduce_max3A_1190 : vector<32xf32> to vector<32x1xf32>
      %eq3A_1192 = vector.broadcast %broadcast_in_dim3A_1191 : vector<32x1xf32> to vector<32x512xf32>
      %eq3A_1193 = arith.cmpf oeq, %select_n3A_1188, %eq3A_1192 : vector<32x512xf32>
      %jit3A_1194 = arith.constant 512 : i32
      %broadcast_in_dim3A_1195 = vector.broadcast %jit3A_1194 : i32 to vector<32x512xi32>
      %select_n3A_1196 = arith.select %eq3A_1193, %iota3A, %broadcast_in_dim3A_1195 : vector<32x512xi1>, vector<32x512xi32>
      %reduce_min3A_1197 = arith.constant dense<2147483647> : vector<32xi32>
      %reduce_min3A_1198 = vector.multi_reduction <minsi>, %select_n3A_1196, %reduce_min3A_1197 [1] : vector<32x512xi32> to vector<32xi32>
      %broadcast_in_dim3A_1199 = vector.shape_cast %reduce_min3A_1198 : vector<32xi32> to vector<32x1xi32>
      %eq3A_1200 = vector.broadcast %broadcast_in_dim3A_1199 : vector<32x1xi32> to vector<32x512xi32>
      %eq3A_1201 = arith.cmpi eq, %iota3A, %eq3A_1200 : vector<32x512xi32>
      %jit3A_1202 = arith.constant 0xFF800000 : f32
      %broadcast_in_dim3A_1203 = vector.broadcast %jit3A_1202 : f32 to vector<32x512xf32>
      %select_n3A_1204 = arith.select %eq3A_1201, %broadcast_in_dim3A_1203, %select_n3A_1188 : vector<32x512xi1>, vector<32x512xf32>
      %reduce_max3A_1205 = arith.constant dense<0xFF800000> : vector<32xf32>
      %reduce_max3A_1206 = vector.multi_reduction <maximumf>, %select_n3A_1204, %reduce_max3A_1205 [1] : vector<32x512xf32> to vector<32xf32>
      %broadcast_in_dim3A_1207 = vector.shape_cast %reduce_max3A_1206 : vector<32xf32> to vector<32x1xf32>
      %eq3A_1208 = vector.broadcast %broadcast_in_dim3A_1207 : vector<32x1xf32> to vector<32x512xf32>
      %eq3A_1209 = arith.cmpf oeq, %select_n3A_1204, %eq3A_1208 : vector<32x512xf32>
      %jit3A_1210 = arith.constant 512 : i32
      %broadcast_in_dim3A_1211 = vector.broadcast %jit3A_1210 : i32 to vector<32x512xi32>
      %select_n3A_1212 = arith.select %eq3A_1209, %iota3A, %broadcast_in_dim3A_1211 : vector<32x512xi1>, vector<32x512xi32>
      %reduce_min3A_1213 = arith.constant dense<2147483647> : vector<32xi32>
      %reduce_min3A_1214 = vector.multi_reduction <minsi>, %select_n3A_1212, %reduce_min3A_1213 [1] : vector<32x512xi32> to vector<32xi32>
      %broadcast_in_dim3A_1215 = vector.shape_cast %reduce_min3A_1214 : vector<32xi32> to vector<32x1xi32>
      %concatenate3A_1216 = tpu.concatenate %broadcast_in_dim3A_207, %broadcast_in_dim3A_223, %broadcast_in_dim3A_239, %broadcast_in_dim3A_255, %broadcast_in_dim3A_271, %broadcast_in_dim3A_287, %broadcast_in_dim3A_303, %broadcast_in_dim3A_319, %broadcast_in_dim3A_335, %broadcast_in_dim3A_351, %broadcast_in_dim3A_367, %broadcast_in_dim3A_383, %broadcast_in_dim3A_399, %broadcast_in_dim3A_415, %broadcast_in_dim3A_431, %broadcast_in_dim3A_447, %broadcast_in_dim3A_463, %broadcast_in_dim3A_479, %broadcast_in_dim3A_495, %broadcast_in_dim3A_511, %broadcast_in_dim3A_527, %broadcast_in_dim3A_543, %broadcast_in_dim3A_559, %broadcast_in_dim3A_575, %broadcast_in_dim3A_591, %broadcast_in_dim3A_607, %broadcast_in_dim3A_623, %broadcast_in_dim3A_639, %broadcast_in_dim3A_655, %broadcast_in_dim3A_671, %broadcast_in_dim3A_687, %broadcast_in_dim3A_703, %broadcast_in_dim3A_719, %broadcast_in_dim3A_735, %broadcast_in_dim3A_751, %broadcast_in_dim3A_767, %broadcast_in_dim3A_783, %broadcast_in_dim3A_799, %broadcast_in_dim3A_815, %broadcast_in_dim3A_831, %broadcast_in_dim3A_847, %broadcast_in_dim3A_863, %broadcast_in_dim3A_879, %broadcast_in_dim3A_895, %broadcast_in_dim3A_911, %broadcast_in_dim3A_927, %broadcast_in_dim3A_943, %broadcast_in_dim3A_959, %broadcast_in_dim3A_975, %broadcast_in_dim3A_991, %broadcast_in_dim3A_1007, %broadcast_in_dim3A_1023, %broadcast_in_dim3A_1039, %broadcast_in_dim3A_1055, %broadcast_in_dim3A_1071, %broadcast_in_dim3A_1087, %broadcast_in_dim3A_1103, %broadcast_in_dim3A_1119, %broadcast_in_dim3A_1135, %broadcast_in_dim3A_1151, %broadcast_in_dim3A_1167, %broadcast_in_dim3A_1183, %broadcast_in_dim3A_1199, %broadcast_in_dim3A_1215 in 1 : vector<32x1xi32>, vector<32x1xi32>, vector<32x1xi32>, vector<32x1xi32>, vector<32x1xi32>, vector<32x1xi32>, vector<32x1xi32>, vector<32x1xi32>, vector<32x1xi32>, vector<32x1xi32>, vector<32x1xi32>, vector<32x1xi32>, vector<32x1xi32>, vector<32x1xi32>, vector<32x1xi32>, vector<32x1xi32>, vector<32x1xi32>, vector<32x1xi32>, vector<32x1xi32>, vector<32x1xi32>, vector<32x1xi32>, vector<32x1xi32>, vector<32x1xi32>, vector<32x1xi32>, vector<32x1xi32>, vector<32x1xi32>, vector<32x1xi32>, vector<32x1xi32>, vector<32x1xi32>, vector<32x1xi32>, vector<32x1xi32>, vector<32x1xi32>, vector<32x1xi32>, vector<32x1xi32>, vector<32x1xi32>, vector<32x1xi32>, vector<32x1xi32>, vector<32x1xi32>, vector<32x1xi32>, vector<32x1xi32>, vector<32x1xi32>, vector<32x1xi32>, vector<32x1xi32>, vector<32x1xi32>, vector<32x1xi32>, vector<32x1xi32>, vector<32x1xi32>, vector<32x1xi32>, vector<32x1xi32>, vector<32x1xi32>, vector<32x1xi32>, vector<32x1xi32>, vector<32x1xi32>, vector<32x1xi32>, vector<32x1xi32>, vector<32x1xi32>, vector<32x1xi32>, vector<32x1xi32>, vector<32x1xi32>, vector<32x1xi32>, vector<32x1xi32>, vector<32x1xi32>, vector<32x1xi32>, vector<32x1xi32> -> vector<32x64xi32>
      %swap3A_1217 = arith.constant 0 : index
      %swap3A_1218 = arith.constant 0 : index
      %swap3A_1219 = vector.load %arg4[%swap3A_1217, %swap3A_1218] : memref<32x64xi32, #tpu.memory_space<vmem>>, vector<32x64xi32>
      tpu.vector_store %arg4[%swap3A_1217, %swap3A_1218], %concatenate3A_1216 {strides = array<i32>} : memref<32x64xi32, #tpu.memory_space<vmem>>, vector<32x64xi32>,
      %iota3A_1220 = tpu.iota {dimensions = array<i32: 0>} : vector<32x1xi32>
      %jit3A_1221 = arith.constant 4 : i32
      %div3A = vector.broadcast %jit3A_1221 : i32 to vector<32x1xi32>
      %div3A_1222 = arith.divsi %iota3A_1220, %div3A : vector<32x1xi32>
      %sign3A = arith.constant 0 : i32
      %sign3A_1223 = vector.broadcast %sign3A : i32 to vector<32x1xi32>
      %sign3A_1224 = arith.cmpi sgt, %iota3A_1220, %sign3A_1223 : vector<32x1xi32>
      %sign3A_1225 = arith.extui %sign3A_1224 : vector<32x1xi1> to vector<32x1xi32>
      %sign3A_1226 = arith.constant 0 : i32
      %sign3A_1227 = vector.broadcast %sign3A_1226 : i32 to vector<32x1xi32>
      %sign3A_1228 = arith.cmpi slt, %iota3A_1220, %sign3A_1227 : vector<32x1xi32>
      %sign3A_1229 = arith.extui %sign3A_1228 : vector<32x1xi1> to vector<32x1xi32>
      %sign3A_1230 = arith.subi %sign3A_1225, %sign3A_1229 : vector<32x1xi32>
      %sign3A_1231 = arith.constant 0 : i32
      %sign3A_1232 = arith.cmpi sgt, %jit3A_1221, %sign3A_1231 : i32
      %sign3A_1233 = arith.extui %sign3A_1232 : i1 to i32
      %sign3A_1234 = arith.constant 0 : i32
      %sign3A_1235 = arith.cmpi slt, %jit3A_1221, %sign3A_1234 : i32
      %sign3A_1236 = arith.extui %sign3A_1235 : i1 to i32
      %sign3A_1237 = arith.subi %sign3A_1233, %sign3A_1236 : i32
      %ne3A = vector.broadcast %sign3A_1237 : i32 to vector<32x1xi32>
      %ne3A_1238 = arith.cmpi ne, %sign3A_1230, %ne3A : vector<32x1xi32>
      %rem3A = vector.broadcast %jit3A_1221 : i32 to vector<32x1xi32>
      %rem3A_1239 = arith.remsi %iota3A_1220, %rem3A : vector<32x1xi32>
      %ne3A_1240 = arith.constant 0 : i32
      %ne3A_1241 = vector.broadcast %ne3A_1240 : i32 to vector<32x1xi32>
      %ne3A_1242 = arith.cmpi ne, %rem3A_1239, %ne3A_1241 : vector<32x1xi32>
      %and3A = arith.andi %ne3A_1238, %ne3A_1242 : vector<32x1xi1>
      %sub3A = arith.constant 1 : i32
      %sub3A_1243 = vector.broadcast %sub3A : i32 to vector<32x1xi32>
      %sub3A_1244 = arith.subi %div3A_1222, %sub3A_1243 : vector<32x1xi32>
      %select_n3A_1245 = arith.select %and3A, %sub3A_1244, %div3A_1222 : vector<32x1xi1>, vector<32x1xi32>
      %iota3A_1246 = tpu.iota {dimensions = array<i32: 1>} : vector<1x16xi32>
      %mul3A_1247 = arith.constant 8 : i32
      %mul3A_1248 = vector.broadcast %mul3A_1247 : i32 to vector<1x16xi32>
      %mul3A_1249 = arith.muli %iota3A_1246, %mul3A_1248 : vector<1x16xi32>
      %mul3A_1250 = arith.constant 128 : i32
      %mul3A_1251 = vector.broadcast %mul3A_1250 : i32 to vector<32x1xi32>
      %mul3A_1252 = arith.muli %broadcast_in_dim3A_207, %mul3A_1251 : vector<32x1xi32>
      %add3A_1253 = arith.addi %mul3A_1252, %select_n3A_1245 : vector<32x1xi32>
      %add3A_1254 = vector.broadcast %add3A_1253 : vector<32x1xi32> to vector<32x16xi32>
      %add3A_1255 = vector.broadcast %mul3A_1249 : vector<1x16xi32> to vector<32x16xi32>
      %add3A_1256 = arith.addi %add3A_1254, %add3A_1255 : vector<32x16xi32>
      %mul3A_1257 = arith.constant 128 : i32
      %mul3A_1258 = vector.broadcast %mul3A_1257 : i32 to vector<32x1xi32>
      %mul3A_1259 = arith.muli %broadcast_in_dim3A_223, %mul3A_1258 : vector<32x1xi32>
      %add3A_1260 = arith.addi %mul3A_1259, %select_n3A_1245 : vector<32x1xi32>
      %add3A_1261 = vector.broadcast %add3A_1260 : vector<32x1xi32> to vector<32x16xi32>
      %add3A_1262 = vector.broadcast %mul3A_1249 : vector<1x16xi32> to vector<32x16xi32>
      %add3A_1263 = arith.addi %add3A_1261, %add3A_1262 : vector<32x16xi32>
      %mul3A_1264 = arith.constant 128 : i32
      %mul3A_1265 = vector.broadcast %mul3A_1264 : i32 to vector<32x1xi32>
      %mul3A_1266 = arith.muli %broadcast_in_dim3A_239, %mul3A_1265 : vector<32x1xi32>
      %add3A_1267 = arith.addi %mul3A_1266, %select_n3A_1245 : vector<32x1xi32>
      %add3A_1268 = vector.broadcast %add3A_1267 : vector<32x1xi32> to vector<32x16xi32>
      %add3A_1269 = vector.broadcast %mul3A_1249 : vector<1x16xi32> to vector<32x16xi32>
      %add3A_1270 = arith.addi %add3A_1268, %add3A_1269 : vector<32x16xi32>
      %mul3A_1271 = arith.constant 128 : i32
      %mul3A_1272 = vector.broadcast %mul3A_1271 : i32 to vector<32x1xi32>
      %mul3A_1273 = arith.muli %broadcast_in_dim3A_255, %mul3A_1272 : vector<32x1xi32>
      %add3A_1274 = arith.addi %mul3A_1273, %select_n3A_1245 : vector<32x1xi32>
      %add3A_1275 = vector.broadcast %add3A_1274 : vector<32x1xi32> to vector<32x16xi32>
      %add3A_1276 = vector.broadcast %mul3A_1249 : vector<1x16xi32> to vector<32x16xi32>
      %add3A_1277 = arith.addi %add3A_1275, %add3A_1276 : vector<32x16xi32>
      %mul3A_1278 = arith.constant 128 : i32
      %mul3A_1279 = vector.broadcast %mul3A_1278 : i32 to vector<32x1xi32>
      %mul3A_1280 = arith.muli %broadcast_in_dim3A_271, %mul3A_1279 : vector<32x1xi32>
      %add3A_1281 = arith.addi %mul3A_1280, %select_n3A_1245 : vector<32x1xi32>
      %add3A_1282 = vector.broadcast %add3A_1281 : vector<32x1xi32> to vector<32x16xi32>
      %add3A_1283 = vector.broadcast %mul3A_1249 : vector<1x16xi32> to vector<32x16xi32>
      %add3A_1284 = arith.addi %add3A_1282, %add3A_1283 : vector<32x16xi32>
      %mul3A_1285 = arith.constant 128 : i32
      %mul3A_1286 = vector.broadcast %mul3A_1285 : i32 to vector<32x1xi32>
      %mul3A_1287 = arith.muli %broadcast_in_dim3A_287, %mul3A_1286 : vector<32x1xi32>
      %add3A_1288 = arith.addi %mul3A_1287, %select_n3A_1245 : vector<32x1xi32>
      %add3A_1289 = vector.broadcast %add3A_1288 : vector<32x1xi32> to vector<32x16xi32>
      %add3A_1290 = vector.broadcast %mul3A_1249 : vector<1x16xi32> to vector<32x16xi32>
      %add3A_1291 = arith.addi %add3A_1289, %add3A_1290 : vector<32x16xi32>
      %mul3A_1292 = arith.constant 128 : i32
      %mul3A_1293 = vector.broadcast %mul3A_1292 : i32 to vector<32x1xi32>
      %mul3A_1294 = arith.muli %broadcast_in_dim3A_303, %mul3A_1293 : vector<32x1xi32>
      %add3A_1295 = arith.addi %mul3A_1294, %select_n3A_1245 : vector<32x1xi32>
      %add3A_1296 = vector.broadcast %add3A_1295 : vector<32x1xi32> to vector<32x16xi32>
      %add3A_1297 = vector.broadcast %mul3A_1249 : vector<1x16xi32> to vector<32x16xi32>
      %add3A_1298 = arith.addi %add3A_1296, %add3A_1297 : vector<32x16xi32>
      %mul3A_1299 = arith.constant 128 : i32
      %mul3A_1300 = vector.broadcast %mul3A_1299 : i32 to vector<32x1xi32>
      %mul3A_1301 = arith.muli %broadcast_in_dim3A_319, %mul3A_1300 : vector<32x1xi32>
      %add3A_1302 = arith.addi %mul3A_1301, %select_n3A_1245 : vector<32x1xi32>
      %add3A_1303 = vector.broadcast %add3A_1302 : vector<32x1xi32> to vector<32x16xi32>
      %add3A_1304 = vector.broadcast %mul3A_1249 : vector<1x16xi32> to vector<32x16xi32>
      %add3A_1305 = arith.addi %add3A_1303, %add3A_1304 : vector<32x16xi32>
      %concatenate3A_1306 = tpu.concatenate %add3A_1256, %add3A_1263, %add3A_1270, %add3A_1277, %add3A_1284, %add3A_1291, %add3A_1298, %add3A_1305 in 1 : vector<32x16xi32>, vector<32x16xi32>, vector<32x16xi32>, vector<32x16xi32>, vector<32x16xi32>, vector<32x16xi32>, vector<32x16xi32>, vector<32x16xi32> -> vector<32x128xi32>
      %min3A_1307 = arith.constant 65527 : i32
      %min3A_1308 = vector.broadcast %min3A_1307 : i32 to vector<32x128xi32>
      %min3A_1309 = arith.minsi %concatenate3A_1306, %min3A_1308 : vector<32x128xi32>
      %swap3A_1310 = arith.constant 0 : index
      %swap3A_1311 = arith.constant 0 : index
      %swap3A_1312 = arith.constant 0 : index
      %swap3A_1313 = vector.load %arg5[%swap3A_1310, %swap3A_1311, %swap3A_1312] : memref<32x8x128xi32, #tpu.memory_space<vmem>>, vector<32x1x128xi32>
      %swap3A_1314 = vector.shape_cast %swap3A_1313 : vector<32x1x128xi32> to vector<32x128xi32>
      %swap3A_1315 = vector.shape_cast %min3A_1309 : vector<32x128xi32> to vector<32x1x128xi32>
      tpu.vector_store %arg5[%swap3A_1310, %swap3A_1311, %swap3A_1312], %swap3A_1315 {strides = array<i32>} : memref<32x8x128xi32, #tpu.memory_space<vmem>>, vector<32x1x128xi32>,
      %mul3A_1316 = arith.constant 128 : i32
      %mul3A_1317 = vector.broadcast %mul3A_1316 : i32 to vector<32x1xi32>
      %mul3A_1318 = arith.muli %broadcast_in_dim3A_335, %mul3A_1317 : vector<32x1xi32>
      %add3A_1319 = arith.addi %mul3A_1318, %select_n3A_1245 : vector<32x1xi32>
      %add3A_1320 = vector.broadcast %add3A_1319 : vector<32x1xi32> to vector<32x16xi32>
      %add3A_1321 = vector.broadcast %mul3A_1249 : vector<1x16xi32> to vector<32x16xi32>
      %add3A_1322 = arith.addi %add3A_1320, %add3A_1321 : vector<32x16xi32>
      %mul3A_1323 = arith.constant 128 : i32
      %mul3A_1324 = vector.broadcast %mul3A_1323 : i32 to vector<32x1xi32>
      %mul3A_1325 = arith.muli %broadcast_in_dim3A_351, %mul3A_1324 : vector<32x1xi32>
      %add3A_1326 = arith.addi %mul3A_1325, %select_n3A_1245 : vector<32x1xi32>
      %add3A_1327 = vector.broadcast %add3A_1326 : vector<32x1xi32> to vector<32x16xi32>
      %add3A_1328 = vector.broadcast %mul3A_1249 : vector<1x16xi32> to vector<32x16xi32>
      %add3A_1329 = arith.addi %add3A_1327, %add3A_1328 : vector<32x16xi32>
      %mul3A_1330 = arith.constant 128 : i32
      %mul3A_1331 = vector.broadcast %mul3A_1330 : i32 to vector<32x1xi32>
      %mul3A_1332 = arith.muli %broadcast_in_dim3A_367, %mul3A_1331 : vector<32x1xi32>
      %add3A_1333 = arith.addi %mul3A_1332, %select_n3A_1245 : vector<32x1xi32>
      %add3A_1334 = vector.broadcast %add3A_1333 : vector<32x1xi32> to vector<32x16xi32>
      %add3A_1335 = vector.broadcast %mul3A_1249 : vector<1x16xi32> to vector<32x16xi32>
      %add3A_1336 = arith.addi %add3A_1334, %add3A_1335 : vector<32x16xi32>
      %mul3A_1337 = arith.constant 128 : i32
      %mul3A_1338 = vector.broadcast %mul3A_1337 : i32 to vector<32x1xi32>
      %mul3A_1339 = arith.muli %broadcast_in_dim3A_383, %mul3A_1338 : vector<32x1xi32>
      %add3A_1340 = arith.addi %mul3A_1339, %select_n3A_1245 : vector<32x1xi32>
      %add3A_1341 = vector.broadcast %add3A_1340 : vector<32x1xi32> to vector<32x16xi32>
      %add3A_1342 = vector.broadcast %mul3A_1249 : vector<1x16xi32> to vector<32x16xi32>
      %add3A_1343 = arith.addi %add3A_1341, %add3A_1342 : vector<32x16xi32>
      %mul3A_1344 = arith.constant 128 : i32
      %mul3A_1345 = vector.broadcast %mul3A_1344 : i32 to vector<32x1xi32>
      %mul3A_1346 = arith.muli %broadcast_in_dim3A_399, %mul3A_1345 : vector<32x1xi32>
      %add3A_1347 = arith.addi %mul3A_1346, %select_n3A_1245 : vector<32x1xi32>
      %add3A_1348 = vector.broadcast %add3A_1347 : vector<32x1xi32> to vector<32x16xi32>
      %add3A_1349 = vector.broadcast %mul3A_1249 : vector<1x16xi32> to vector<32x16xi32>
      %add3A_1350 = arith.addi %add3A_1348, %add3A_1349 : vector<32x16xi32>
      %mul3A_1351 = arith.constant 128 : i32
      %mul3A_1352 = vector.broadcast %mul3A_1351 : i32 to vector<32x1xi32>
      %mul3A_1353 = arith.muli %broadcast_in_dim3A_415, %mul3A_1352 : vector<32x1xi32>
      %add3A_1354 = arith.addi %mul3A_1353, %select_n3A_1245 : vector<32x1xi32>
      %add3A_1355 = vector.broadcast %add3A_1354 : vector<32x1xi32> to vector<32x16xi32>
      %add3A_1356 = vector.broadcast %mul3A_1249 : vector<1x16xi32> to vector<32x16xi32>
      %add3A_1357 = arith.addi %add3A_1355, %add3A_1356 : vector<32x16xi32>
      %mul3A_1358 = arith.constant 128 : i32
      %mul3A_1359 = vector.broadcast %mul3A_1358 : i32 to vector<32x1xi32>
      %mul3A_1360 = arith.muli %broadcast_in_dim3A_431, %mul3A_1359 : vector<32x1xi32>
      %add3A_1361 = arith.addi %mul3A_1360, %select_n3A_1245 : vector<32x1xi32>
      %add3A_1362 = vector.broadcast %add3A_1361 : vector<32x1xi32> to vector<32x16xi32>
      %add3A_1363 = vector.broadcast %mul3A_1249 : vector<1x16xi32> to vector<32x16xi32>
      %add3A_1364 = arith.addi %add3A_1362, %add3A_1363 : vector<32x16xi32>
      %mul3A_1365 = arith.constant 128 : i32
      %mul3A_1366 = vector.broadcast %mul3A_1365 : i32 to vector<32x1xi32>
      %mul3A_1367 = arith.muli %broadcast_in_dim3A_447, %mul3A_1366 : vector<32x1xi32>
      %add3A_1368 = arith.addi %mul3A_1367, %select_n3A_1245 : vector<32x1xi32>
      %add3A_1369 = vector.broadcast %add3A_1368 : vector<32x1xi32> to vector<32x16xi32>
      %add3A_1370 = vector.broadcast %mul3A_1249 : vector<1x16xi32> to vector<32x16xi32>
      %add3A_1371 = arith.addi %add3A_1369, %add3A_1370 : vector<32x16xi32>
      %concatenate3A_1372 = tpu.concatenate %add3A_1322, %add3A_1329, %add3A_1336, %add3A_1343, %add3A_1350, %add3A_1357, %add3A_1364, %add3A_1371 in 1 : vector<32x16xi32>, vector<32x16xi32>, vector<32x16xi32>, vector<32x16xi32>, vector<32x16xi32>, vector<32x16xi32>, vector<32x16xi32>, vector<32x16xi32> -> vector<32x128xi32>
      %min3A_1373 = arith.constant 65527 : i32
      %min3A_1374 = vector.broadcast %min3A_1373 : i32 to vector<32x128xi32>
      %min3A_1375 = arith.minsi %concatenate3A_1372, %min3A_1374 : vector<32x128xi32>
      %swap3A_1376 = arith.constant 0 : index
      %swap3A_1377 = arith.constant 1 : index
      %swap3A_1378 = arith.constant 0 : index
      %swap3A_1379 = vector.load %arg5[%swap3A_1376, %swap3A_1377, %swap3A_1378] : memref<32x8x128xi32, #tpu.memory_space<vmem>>, vector<32x1x128xi32>
      %swap3A_1380 = vector.shape_cast %swap3A_1379 : vector<32x1x128xi32> to vector<32x128xi32>
      %swap3A_1381 = vector.shape_cast %min3A_1375 : vector<32x128xi32> to vector<32x1x128xi32>
      tpu.vector_store %arg5[%swap3A_1376, %swap3A_1377, %swap3A_1378], %swap3A_1381 {strides = array<i32>} : memref<32x8x128xi32, #tpu.memory_space<vmem>>, vector<32x1x128xi32>,
      %mul3A_1382 = arith.constant 128 : i32
      %mul3A_1383 = vector.broadcast %mul3A_1382 : i32 to vector<32x1xi32>
      %mul3A_1384 = arith.muli %broadcast_in_dim3A_463, %mul3A_1383 : vector<32x1xi32>
      %add3A_1385 = arith.addi %mul3A_1384, %select_n3A_1245 : vector<32x1xi32>
      %add3A_1386 = vector.broadcast %add3A_1385 : vector<32x1xi32> to vector<32x16xi32>
      %add3A_1387 = vector.broadcast %mul3A_1249 : vector<1x16xi32> to vector<32x16xi32>
      %add3A_1388 = arith.addi %add3A_1386, %add3A_1387 : vector<32x16xi32>
      %mul3A_1389 = arith.constant 128 : i32
      %mul3A_1390 = vector.broadcast %mul3A_1389 : i32 to vector<32x1xi32>
      %mul3A_1391 = arith.muli %broadcast_in_dim3A_479, %mul3A_1390 : vector<32x1xi32>
      %add3A_1392 = arith.addi %mul3A_1391, %select_n3A_1245 : vector<32x1xi32>
      %add3A_1393 = vector.broadcast %add3A_1392 : vector<32x1xi32> to vector<32x16xi32>
      %add3A_1394 = vector.broadcast %mul3A_1249 : vector<1x16xi32> to vector<32x16xi32>
      %add3A_1395 = arith.addi %add3A_1393, %add3A_1394 : vector<32x16xi32>
      %mul3A_1396 = arith.constant 128 : i32
      %mul3A_1397 = vector.broadcast %mul3A_1396 : i32 to vector<32x1xi32>
      %mul3A_1398 = arith.muli %broadcast_in_dim3A_495, %mul3A_1397 : vector<32x1xi32>
      %add3A_1399 = arith.addi %mul3A_1398, %select_n3A_1245 : vector<32x1xi32>
      %add3A_1400 = vector.broadcast %add3A_1399 : vector<32x1xi32> to vector<32x16xi32>
      %add3A_1401 = vector.broadcast %mul3A_1249 : vector<1x16xi32> to vector<32x16xi32>
      %add3A_1402 = arith.addi %add3A_1400, %add3A_1401 : vector<32x16xi32>
      %mul3A_1403 = arith.constant 128 : i32
      %mul3A_1404 = vector.broadcast %mul3A_1403 : i32 to vector<32x1xi32>
      %mul3A_1405 = arith.muli %broadcast_in_dim3A_511, %mul3A_1404 : vector<32x1xi32>
      %add3A_1406 = arith.addi %mul3A_1405, %select_n3A_1245 : vector<32x1xi32>
      %add3A_1407 = vector.broadcast %add3A_1406 : vector<32x1xi32> to vector<32x16xi32>
      %add3A_1408 = vector.broadcast %mul3A_1249 : vector<1x16xi32> to vector<32x16xi32>
      %add3A_1409 = arith.addi %add3A_1407, %add3A_1408 : vector<32x16xi32>
      %mul3A_1410 = arith.constant 128 : i32
      %mul3A_1411 = vector.broadcast %mul3A_1410 : i32 to vector<32x1xi32>
      %mul3A_1412 = arith.muli %broadcast_in_dim3A_527, %mul3A_1411 : vector<32x1xi32>
      %add3A_1413 = arith.addi %mul3A_1412, %select_n3A_1245 : vector<32x1xi32>
      %add3A_1414 = vector.broadcast %add3A_1413 : vector<32x1xi32> to vector<32x16xi32>
      %add3A_1415 = vector.broadcast %mul3A_1249 : vector<1x16xi32> to vector<32x16xi32>
      %add3A_1416 = arith.addi %add3A_1414, %add3A_1415 : vector<32x16xi32>
      %mul3A_1417 = arith.constant 128 : i32
      %mul3A_1418 = vector.broadcast %mul3A_1417 : i32 to vector<32x1xi32>
      %mul3A_1419 = arith.muli %broadcast_in_dim3A_543, %mul3A_1418 : vector<32x1xi32>
      %add3A_1420 = arith.addi %mul3A_1419, %select_n3A_1245 : vector<32x1xi32>
      %add3A_1421 = vector.broadcast %add3A_1420 : vector<32x1xi32> to vector<32x16xi32>
      %add3A_1422 = vector.broadcast %mul3A_1249 : vector<1x16xi32> to vector<32x16xi32>
      %add3A_1423 = arith.addi %add3A_1421, %add3A_1422 : vector<32x16xi32>
      %mul3A_1424 = arith.constant 128 : i32
      %mul3A_1425 = vector.broadcast %mul3A_1424 : i32 to vector<32x1xi32>
      %mul3A_1426 = arith.muli %broadcast_in_dim3A_559, %mul3A_1425 : vector<32x1xi32>
      %add3A_1427 = arith.addi %mul3A_1426, %select_n3A_1245 : vector<32x1xi32>
      %add3A_1428 = vector.broadcast %add3A_1427 : vector<32x1xi32> to vector<32x16xi32>
      %add3A_1429 = vector.broadcast %mul3A_1249 : vector<1x16xi32> to vector<32x16xi32>
      %add3A_1430 = arith.addi %add3A_1428, %add3A_1429 : vector<32x16xi32>
      %mul3A_1431 = arith.constant 128 : i32
      %mul3A_1432 = vector.broadcast %mul3A_1431 : i32 to vector<32x1xi32>
      %mul3A_1433 = arith.muli %broadcast_in_dim3A_575, %mul3A_1432 : vector<32x1xi32>
      %add3A_1434 = arith.addi %mul3A_1433, %select_n3A_1245 : vector<32x1xi32>
      %add3A_1435 = vector.broadcast %add3A_1434 : vector<32x1xi32> to vector<32x16xi32>
      %add3A_1436 = vector.broadcast %mul3A_1249 : vector<1x16xi32> to vector<32x16xi32>
      %add3A_1437 = arith.addi %add3A_1435, %add3A_1436 : vector<32x16xi32>
      %concatenate3A_1438 = tpu.concatenate %add3A_1388, %add3A_1395, %add3A_1402, %add3A_1409, %add3A_1416, %add3A_1423, %add3A_1430, %add3A_1437 in 1 : vector<32x16xi32>, vector<32x16xi32>, vector<32x16xi32>, vector<32x16xi32>, vector<32x16xi32>, vector<32x16xi32>, vector<32x16xi32>, vector<32x16xi32> -> vector<32x128xi32>
      %min3A_1439 = arith.constant 65527 : i32
      %min3A_1440 = vector.broadcast %min3A_1439 : i32 to vector<32x128xi32>
      %min3A_1441 = arith.minsi %concatenate3A_1438, %min3A_1440 : vector<32x128xi32>
      %swap3A_1442 = arith.constant 0 : index
      %swap3A_1443 = arith.constant 2 : index
      %swap3A_1444 = arith.constant 0 : index
      %swap3A_1445 = vector.load %arg5[%swap3A_1442, %swap3A_1443, %swap3A_1444] : memref<32x8x128xi32, #tpu.memory_space<vmem>>, vector<32x1x128xi32>
      %swap3A_1446 = vector.shape_cast %swap3A_1445 : vector<32x1x128xi32> to vector<32x128xi32>
      %swap3A_1447 = vector.shape_cast %min3A_1441 : vector<32x128xi32> to vector<32x1x128xi32>
      tpu.vector_store %arg5[%swap3A_1442, %swap3A_1443, %swap3A_1444], %swap3A_1447 {strides = array<i32>} : memref<32x8x128xi32, #tpu.memory_space<vmem>>, vector<32x1x128xi32>,
      %mul3A_1448 = arith.constant 128 : i32
      %mul3A_1449 = vector.broadcast %mul3A_1448 : i32 to vector<32x1xi32>
      %mul3A_1450 = arith.muli %broadcast_in_dim3A_591, %mul3A_1449 : vector<32x1xi32>
      %add3A_1451 = arith.addi %mul3A_1450, %select_n3A_1245 : vector<32x1xi32>
      %add3A_1452 = vector.broadcast %add3A_1451 : vector<32x1xi32> to vector<32x16xi32>
      %add3A_1453 = vector.broadcast %mul3A_1249 : vector<1x16xi32> to vector<32x16xi32>
      %add3A_1454 = arith.addi %add3A_1452, %add3A_1453 : vector<32x16xi32>
      %mul3A_1455 = arith.constant 128 : i32
      %mul3A_1456 = vector.broadcast %mul3A_1455 : i32 to vector<32x1xi32>
      %mul3A_1457 = arith.muli %broadcast_in_dim3A_607, %mul3A_1456 : vector<32x1xi32>
      %add3A_1458 = arith.addi %mul3A_1457, %select_n3A_1245 : vector<32x1xi32>
      %add3A_1459 = vector.broadcast %add3A_1458 : vector<32x1xi32> to vector<32x16xi32>
      %add3A_1460 = vector.broadcast %mul3A_1249 : vector<1x16xi32> to vector<32x16xi32>
      %add3A_1461 = arith.addi %add3A_1459, %add3A_1460 : vector<32x16xi32>
      %mul3A_1462 = arith.constant 128 : i32
      %mul3A_1463 = vector.broadcast %mul3A_1462 : i32 to vector<32x1xi32>
      %mul3A_1464 = arith.muli %broadcast_in_dim3A_623, %mul3A_1463 : vector<32x1xi32>
      %add3A_1465 = arith.addi %mul3A_1464, %select_n3A_1245 : vector<32x1xi32>
      %add3A_1466 = vector.broadcast %add3A_1465 : vector<32x1xi32> to vector<32x16xi32>
      %add3A_1467 = vector.broadcast %mul3A_1249 : vector<1x16xi32> to vector<32x16xi32>
      %add3A_1468 = arith.addi %add3A_1466, %add3A_1467 : vector<32x16xi32>
      %mul3A_1469 = arith.constant 128 : i32
      %mul3A_1470 = vector.broadcast %mul3A_1469 : i32 to vector<32x1xi32>
      %mul3A_1471 = arith.muli %broadcast_in_dim3A_639, %mul3A_1470 : vector<32x1xi32>
      %add3A_1472 = arith.addi %mul3A_1471, %select_n3A_1245 : vector<32x1xi32>
      %add3A_1473 = vector.broadcast %add3A_1472 : vector<32x1xi32> to vector<32x16xi32>
      %add3A_1474 = vector.broadcast %mul3A_1249 : vector<1x16xi32> to vector<32x16xi32>
      %add3A_1475 = arith.addi %add3A_1473, %add3A_1474 : vector<32x16xi32>
      %mul3A_1476 = arith.constant 128 : i32
      %mul3A_1477 = vector.broadcast %mul3A_1476 : i32 to vector<32x1xi32>
      %mul3A_1478 = arith.muli %broadcast_in_dim3A_655, %mul3A_1477 : vector<32x1xi32>
      %add3A_1479 = arith.addi %mul3A_1478, %select_n3A_1245 : vector<32x1xi32>
      %add3A_1480 = vector.broadcast %add3A_1479 : vector<32x1xi32> to vector<32x16xi32>
      %add3A_1481 = vector.broadcast %mul3A_1249 : vector<1x16xi32> to vector<32x16xi32>
      %add3A_1482 = arith.addi %add3A_1480, %add3A_1481 : vector<32x16xi32>
      %mul3A_1483 = arith.constant 128 : i32
      %mul3A_1484 = vector.broadcast %mul3A_1483 : i32 to vector<32x1xi32>
      %mul3A_1485 = arith.muli %broadcast_in_dim3A_671, %mul3A_1484 : vector<32x1xi32>
      %add3A_1486 = arith.addi %mul3A_1485, %select_n3A_1245 : vector<32x1xi32>
      %add3A_1487 = vector.broadcast %add3A_1486 : vector<32x1xi32> to vector<32x16xi32>
      %add3A_1488 = vector.broadcast %mul3A_1249 : vector<1x16xi32> to vector<32x16xi32>
      %add3A_1489 = arith.addi %add3A_1487, %add3A_1488 : vector<32x16xi32>
      %mul3A_1490 = arith.constant 128 : i32
      %mul3A_1491 = vector.broadcast %mul3A_1490 : i32 to vector<32x1xi32>
      %mul3A_1492 = arith.muli %broadcast_in_dim3A_687, %mul3A_1491 : vector<32x1xi32>
      %add3A_1493 = arith.addi %mul3A_1492, %select_n3A_1245 : vector<32x1xi32>
      %add3A_1494 = vector.broadcast %add3A_1493 : vector<32x1xi32> to vector<32x16xi32>
      %add3A_1495 = vector.broadcast %mul3A_1249 : vector<1x16xi32> to vector<32x16xi32>
      %add3A_1496 = arith.addi %add3A_1494, %add3A_1495 : vector<32x16xi32>
      %mul3A_1497 = arith.constant 128 : i32
      %mul3A_1498 = vector.broadcast %mul3A_1497 : i32 to vector<32x1xi32>
      %mul3A_1499 = arith.muli %broadcast_in_dim3A_703, %mul3A_1498 : vector<32x1xi32>
      %add3A_1500 = arith.addi %mul3A_1499, %select_n3A_1245 : vector<32x1xi32>
      %add3A_1501 = vector.broadcast %add3A_1500 : vector<32x1xi32> to vector<32x16xi32>
      %add3A_1502 = vector.broadcast %mul3A_1249 : vector<1x16xi32> to vector<32x16xi32>
      %add3A_1503 = arith.addi %add3A_1501, %add3A_1502 : vector<32x16xi32>
      %concatenate3A_1504 = tpu.concatenate %add3A_1454, %add3A_1461, %add3A_1468, %add3A_1475, %add3A_1482, %add3A_1489, %add3A_1496, %add3A_1503 in 1 : vector<32x16xi32>, vector<32x16xi32>, vector<32x16xi32>, vector<32x16xi32>, vector<32x16xi32>, vector<32x16xi32>, vector<32x16xi32>, vector<32x16xi32> -> vector<32x128xi32>
      %min3A_1505 = arith.constant 65527 : i32
      %min3A_1506 = vector.broadcast %min3A_1505 : i32 to vector<32x128xi32>
      %min3A_1507 = arith.minsi %concatenate3A_1504, %min3A_1506 : vector<32x128xi32>
      %swap3A_1508 = arith.constant 0 : index
      %swap3A_1509 = arith.constant 3 : index
      %swap3A_1510 = arith.constant 0 : index
      %swap3A_1511 = vector.load %arg5[%swap3A_1508, %swap3A_1509, %swap3A_1510] : memref<32x8x128xi32, #tpu.memory_space<vmem>>, vector<32x1x128xi32>
      %swap3A_1512 = vector.shape_cast %swap3A_1511 : vector<32x1x128xi32> to vector<32x128xi32>
      %swap3A_1513 = vector.shape_cast %min3A_1507 : vector<32x128xi32> to vector<32x1x128xi32>
      tpu.vector_store %arg5[%swap3A_1508, %swap3A_1509, %swap3A_1510], %swap3A_1513 {strides = array<i32>} : memref<32x8x128xi32, #tpu.memory_space<vmem>>, vector<32x1x128xi32>,
      %mul3A_1514 = arith.constant 128 : i32
      %mul3A_1515 = vector.broadcast %mul3A_1514 : i32 to vector<32x1xi32>
      %mul3A_1516 = arith.muli %broadcast_in_dim3A_719, %mul3A_1515 : vector<32x1xi32>
      %add3A_1517 = arith.addi %mul3A_1516, %select_n3A_1245 : vector<32x1xi32>
      %add3A_1518 = vector.broadcast %add3A_1517 : vector<32x1xi32> to vector<32x16xi32>
      %add3A_1519 = vector.broadcast %mul3A_1249 : vector<1x16xi32> to vector<32x16xi32>
      %add3A_1520 = arith.addi %add3A_1518, %add3A_1519 : vector<32x16xi32>
      %mul3A_1521 = arith.constant 128 : i32
      %mul3A_1522 = vector.broadcast %mul3A_1521 : i32 to vector<32x1xi32>
      %mul3A_1523 = arith.muli %broadcast_in_dim3A_735, %mul3A_1522 : vector<32x1xi32>
      %add3A_1524 = arith.addi %mul3A_1523, %select_n3A_1245 : vector<32x1xi32>
      %add3A_1525 = vector.broadcast %add3A_1524 : vector<32x1xi32> to vector<32x16xi32>
      %add3A_1526 = vector.broadcast %mul3A_1249 : vector<1x16xi32> to vector<32x16xi32>
      %add3A_1527 = arith.addi %add3A_1525, %add3A_1526 : vector<32x16xi32>
      %mul3A_1528 = arith.constant 128 : i32
      %mul3A_1529 = vector.broadcast %mul3A_1528 : i32 to vector<32x1xi32>
      %mul3A_1530 = arith.muli %broadcast_in_dim3A_751, %mul3A_1529 : vector<32x1xi32>
      %add3A_1531 = arith.addi %mul3A_1530, %select_n3A_1245 : vector<32x1xi32>
      %add3A_1532 = vector.broadcast %add3A_1531 : vector<32x1xi32> to vector<32x16xi32>
      %add3A_1533 = vector.broadcast %mul3A_1249 : vector<1x16xi32> to vector<32x16xi32>
      %add3A_1534 = arith.addi %add3A_1532, %add3A_1533 : vector<32x16xi32>
      %mul3A_1535 = arith.constant 128 : i32
      %mul3A_1536 = vector.broadcast %mul3A_1535 : i32 to vector<32x1xi32>
      %mul3A_1537 = arith.muli %broadcast_in_dim3A_767, %mul3A_1536 : vector<32x1xi32>
      %add3A_1538 = arith.addi %mul3A_1537, %select_n3A_1245 : vector<32x1xi32>
      %add3A_1539 = vector.broadcast %add3A_1538 : vector<32x1xi32> to vector<32x16xi32>
      %add3A_1540 = vector.broadcast %mul3A_1249 : vector<1x16xi32> to vector<32x16xi32>
      %add3A_1541 = arith.addi %add3A_1539, %add3A_1540 : vector<32x16xi32>
      %mul3A_1542 = arith.constant 128 : i32
      %mul3A_1543 = vector.broadcast %mul3A_1542 : i32 to vector<32x1xi32>
      %mul3A_1544 = arith.muli %broadcast_in_dim3A_783, %mul3A_1543 : vector<32x1xi32>
      %add3A_1545 = arith.addi %mul3A_1544, %select_n3A_1245 : vector<32x1xi32>
      %add3A_1546 = vector.broadcast %add3A_1545 : vector<32x1xi32> to vector<32x16xi32>
      %add3A_1547 = vector.broadcast %mul3A_1249 : vector<1x16xi32> to vector<32x16xi32>
      %add3A_1548 = arith.addi %add3A_1546, %add3A_1547 : vector<32x16xi32>
      %mul3A_1549 = arith.constant 128 : i32
      %mul3A_1550 = vector.broadcast %mul3A_1549 : i32 to vector<32x1xi32>
      %mul3A_1551 = arith.muli %broadcast_in_dim3A_799, %mul3A_1550 : vector<32x1xi32>
      %add3A_1552 = arith.addi %mul3A_1551, %select_n3A_1245 : vector<32x1xi32>
      %add3A_1553 = vector.broadcast %add3A_1552 : vector<32x1xi32> to vector<32x16xi32>
      %add3A_1554 = vector.broadcast %mul3A_1249 : vector<1x16xi32> to vector<32x16xi32>
      %add3A_1555 = arith.addi %add3A_1553, %add3A_1554 : vector<32x16xi32>
      %mul3A_1556 = arith.constant 128 : i32
      %mul3A_1557 = vector.broadcast %mul3A_1556 : i32 to vector<32x1xi32>
      %mul3A_1558 = arith.muli %broadcast_in_dim3A_815, %mul3A_1557 : vector<32x1xi32>
      %add3A_1559 = arith.addi %mul3A_1558, %select_n3A_1245 : vector<32x1xi32>
      %add3A_1560 = vector.broadcast %add3A_1559 : vector<32x1xi32> to vector<32x16xi32>
      %add3A_1561 = vector.broadcast %mul3A_1249 : vector<1x16xi32> to vector<32x16xi32>
      %add3A_1562 = arith.addi %add3A_1560, %add3A_1561 : vector<32x16xi32>
      %mul3A_1563 = arith.constant 128 : i32
      %mul3A_1564 = vector.broadcast %mul3A_1563 : i32 to vector<32x1xi32>
      %mul3A_1565 = arith.muli %broadcast_in_dim3A_831, %mul3A_1564 : vector<32x1xi32>
      %add3A_1566 = arith.addi %mul3A_1565, %select_n3A_1245 : vector<32x1xi32>
      %add3A_1567 = vector.broadcast %add3A_1566 : vector<32x1xi32> to vector<32x16xi32>
      %add3A_1568 = vector.broadcast %mul3A_1249 : vector<1x16xi32> to vector<32x16xi32>
      %add3A_1569 = arith.addi %add3A_1567, %add3A_1568 : vector<32x16xi32>
      %concatenate3A_1570 = tpu.concatenate %add3A_1520, %add3A_1527, %add3A_1534, %add3A_1541, %add3A_1548, %add3A_1555, %add3A_1562, %add3A_1569 in 1 : vector<32x16xi32>, vector<32x16xi32>, vector<32x16xi32>, vector<32x16xi32>, vector<32x16xi32>, vector<32x16xi32>, vector<32x16xi32>, vector<32x16xi32> -> vector<32x128xi32>
      %min3A_1571 = arith.constant 65527 : i32
      %min3A_1572 = vector.broadcast %min3A_1571 : i32 to vector<32x128xi32>
      %min3A_1573 = arith.minsi %concatenate3A_1570, %min3A_1572 : vector<32x128xi32>
      %swap3A_1574 = arith.constant 0 : index
      %swap3A_1575 = arith.constant 4 : index
      %swap3A_1576 = arith.constant 0 : index
      %swap3A_1577 = vector.load %arg5[%swap3A_1574, %swap3A_1575, %swap3A_1576] : memref<32x8x128xi32, #tpu.memory_space<vmem>>, vector<32x1x128xi32>
      %swap3A_1578 = vector.shape_cast %swap3A_1577 : vector<32x1x128xi32> to vector<32x128xi32>
      %swap3A_1579 = vector.shape_cast %min3A_1573 : vector<32x128xi32> to vector<32x1x128xi32>
      tpu.vector_store %arg5[%swap3A_1574, %swap3A_1575, %swap3A_1576], %swap3A_1579 {strides = array<i32>} : memref<32x8x128xi32, #tpu.memory_space<vmem>>, vector<32x1x128xi32>,
      %mul3A_1580 = arith.constant 128 : i32
      %mul3A_1581 = vector.broadcast %mul3A_1580 : i32 to vector<32x1xi32>
      %mul3A_1582 = arith.muli %broadcast_in_dim3A_847, %mul3A_1581 : vector<32x1xi32>
      %add3A_1583 = arith.addi %mul3A_1582, %select_n3A_1245 : vector<32x1xi32>
      %add3A_1584 = vector.broadcast %add3A_1583 : vector<32x1xi32> to vector<32x16xi32>
      %add3A_1585 = vector.broadcast %mul3A_1249 : vector<1x16xi32> to vector<32x16xi32>
      %add3A_1586 = arith.addi %add3A_1584, %add3A_1585 : vector<32x16xi32>
      %mul3A_1587 = arith.constant 128 : i32
      %mul3A_1588 = vector.broadcast %mul3A_1587 : i32 to vector<32x1xi32>
      %mul3A_1589 = arith.muli %broadcast_in_dim3A_863, %mul3A_1588 : vector<32x1xi32>
      %add3A_1590 = arith.addi %mul3A_1589, %select_n3A_1245 : vector<32x1xi32>
      %add3A_1591 = vector.broadcast %add3A_1590 : vector<32x1xi32> to vector<32x16xi32>
      %add3A_1592 = vector.broadcast %mul3A_1249 : vector<1x16xi32> to vector<32x16xi32>
      %add3A_1593 = arith.addi %add3A_1591, %add3A_1592 : vector<32x16xi32>
      %mul3A_1594 = arith.constant 128 : i32
      %mul3A_1595 = vector.broadcast %mul3A_1594 : i32 to vector<32x1xi32>
      %mul3A_1596 = arith.muli %broadcast_in_dim3A_879, %mul3A_1595 : vector<32x1xi32>
      %add3A_1597 = arith.addi %mul3A_1596, %select_n3A_1245 : vector<32x1xi32>
      %add3A_1598 = vector.broadcast %add3A_1597 : vector<32x1xi32> to vector<32x16xi32>
      %add3A_1599 = vector.broadcast %mul3A_1249 : vector<1x16xi32> to vector<32x16xi32>
      %add3A_1600 = arith.addi %add3A_1598, %add3A_1599 : vector<32x16xi32>
      %mul3A_1601 = arith.constant 128 : i32
      %mul3A_1602 = vector.broadcast %mul3A_1601 : i32 to vector<32x1xi32>
      %mul3A_1603 = arith.muli %broadcast_in_dim3A_895, %mul3A_1602 : vector<32x1xi32>
      %add3A_1604 = arith.addi %mul3A_1603, %select_n3A_1245 : vector<32x1xi32>
      %add3A_1605 = vector.broadcast %add3A_1604 : vector<32x1xi32> to vector<32x16xi32>
      %add3A_1606 = vector.broadcast %mul3A_1249 : vector<1x16xi32> to vector<32x16xi32>
      %add3A_1607 = arith.addi %add3A_1605, %add3A_1606 : vector<32x16xi32>
      %mul3A_1608 = arith.constant 128 : i32
      %mul3A_1609 = vector.broadcast %mul3A_1608 : i32 to vector<32x1xi32>
      %mul3A_1610 = arith.muli %broadcast_in_dim3A_911, %mul3A_1609 : vector<32x1xi32>
      %add3A_1611 = arith.addi %mul3A_1610, %select_n3A_1245 : vector<32x1xi32>
      %add3A_1612 = vector.broadcast %add3A_1611 : vector<32x1xi32> to vector<32x16xi32>
      %add3A_1613 = vector.broadcast %mul3A_1249 : vector<1x16xi32> to vector<32x16xi32>
      %add3A_1614 = arith.addi %add3A_1612, %add3A_1613 : vector<32x16xi32>
      %mul3A_1615 = arith.constant 128 : i32
      %mul3A_1616 = vector.broadcast %mul3A_1615 : i32 to vector<32x1xi32>
      %mul3A_1617 = arith.muli %broadcast_in_dim3A_927, %mul3A_1616 : vector<32x1xi32>
      %add3A_1618 = arith.addi %mul3A_1617, %select_n3A_1245 : vector<32x1xi32>
      %add3A_1619 = vector.broadcast %add3A_1618 : vector<32x1xi32> to vector<32x16xi32>
      %add3A_1620 = vector.broadcast %mul3A_1249 : vector<1x16xi32> to vector<32x16xi32>
      %add3A_1621 = arith.addi %add3A_1619, %add3A_1620 : vector<32x16xi32>
      %mul3A_1622 = arith.constant 128 : i32
      %mul3A_1623 = vector.broadcast %mul3A_1622 : i32 to vector<32x1xi32>
      %mul3A_1624 = arith.muli %broadcast_in_dim3A_943, %mul3A_1623 : vector<32x1xi32>
      %add3A_1625 = arith.addi %mul3A_1624, %select_n3A_1245 : vector<32x1xi32>
      %add3A_1626 = vector.broadcast %add3A_1625 : vector<32x1xi32> to vector<32x16xi32>
      %add3A_1627 = vector.broadcast %mul3A_1249 : vector<1x16xi32> to vector<32x16xi32>
      %add3A_1628 = arith.addi %add3A_1626, %add3A_1627 : vector<32x16xi32>
      %mul3A_1629 = arith.constant 128 : i32
      %mul3A_1630 = vector.broadcast %mul3A_1629 : i32 to vector<32x1xi32>
      %mul3A_1631 = arith.muli %broadcast_in_dim3A_959, %mul3A_1630 : vector<32x1xi32>
      %add3A_1632 = arith.addi %mul3A_1631, %select_n3A_1245 : vector<32x1xi32>
      %add3A_1633 = vector.broadcast %add3A_1632 : vector<32x1xi32> to vector<32x16xi32>
      %add3A_1634 = vector.broadcast %mul3A_1249 : vector<1x16xi32> to vector<32x16xi32>
      %add3A_1635 = arith.addi %add3A_1633, %add3A_1634 : vector<32x16xi32>
      %concatenate3A_1636 = tpu.concatenate %add3A_1586, %add3A_1593, %add3A_1600, %add3A_1607, %add3A_1614, %add3A_1621, %add3A_1628, %add3A_1635 in 1 : vector<32x16xi32>, vector<32x16xi32>, vector<32x16xi32>, vector<32x16xi32>, vector<32x16xi32>, vector<32x16xi32>, vector<32x16xi32>, vector<32x16xi32> -> vector<32x128xi32>
      %min3A_1637 = arith.constant 65527 : i32
      %min3A_1638 = vector.broadcast %min3A_1637 : i32 to vector<32x128xi32>
      %min3A_1639 = arith.minsi %concatenate3A_1636, %min3A_1638 : vector<32x128xi32>
      %swap3A_1640 = arith.constant 0 : index
      %swap3A_1641 = arith.constant 5 : index
      %swap3A_1642 = arith.constant 0 : index
      %swap3A_1643 = vector.load %arg5[%swap3A_1640, %swap3A_1641, %swap3A_1642] : memref<32x8x128xi32, #tpu.memory_space<vmem>>, vector<32x1x128xi32>
      %swap3A_1644 = vector.shape_cast %swap3A_1643 : vector<32x1x128xi32> to vector<32x128xi32>
      %swap3A_1645 = vector.shape_cast %min3A_1639 : vector<32x128xi32> to vector<32x1x128xi32>
      tpu.vector_store %arg5[%swap3A_1640, %swap3A_1641, %swap3A_1642], %swap3A_1645 {strides = array<i32>} : memref<32x8x128xi32, #tpu.memory_space<vmem>>, vector<32x1x128xi32>,
      %mul3A_1646 = arith.constant 128 : i32
      %mul3A_1647 = vector.broadcast %mul3A_1646 : i32 to vector<32x1xi32>
      %mul3A_1648 = arith.muli %broadcast_in_dim3A_975, %mul3A_1647 : vector<32x1xi32>
      %add3A_1649 = arith.addi %mul3A_1648, %select_n3A_1245 : vector<32x1xi32>
      %add3A_1650 = vector.broadcast %add3A_1649 : vector<32x1xi32> to vector<32x16xi32>
      %add3A_1651 = vector.broadcast %mul3A_1249 : vector<1x16xi32> to vector<32x16xi32>
      %add3A_1652 = arith.addi %add3A_1650, %add3A_1651 : vector<32x16xi32>
      %mul3A_1653 = arith.constant 128 : i32
      %mul3A_1654 = vector.broadcast %mul3A_1653 : i32 to vector<32x1xi32>
      %mul3A_1655 = arith.muli %broadcast_in_dim3A_991, %mul3A_1654 : vector<32x1xi32>
      %add3A_1656 = arith.addi %mul3A_1655, %select_n3A_1245 : vector<32x1xi32>
      %add3A_1657 = vector.broadcast %add3A_1656 : vector<32x1xi32> to vector<32x16xi32>
      %add3A_1658 = vector.broadcast %mul3A_1249 : vector<1x16xi32> to vector<32x16xi32>
      %add3A_1659 = arith.addi %add3A_1657, %add3A_1658 : vector<32x16xi32>
      %mul3A_1660 = arith.constant 128 : i32
      %mul3A_1661 = vector.broadcast %mul3A_1660 : i32 to vector<32x1xi32>
      %mul3A_1662 = arith.muli %broadcast_in_dim3A_1007, %mul3A_1661 : vector<32x1xi32>
      %add3A_1663 = arith.addi %mul3A_1662, %select_n3A_1245 : vector<32x1xi32>
      %add3A_1664 = vector.broadcast %add3A_1663 : vector<32x1xi32> to vector<32x16xi32>
      %add3A_1665 = vector.broadcast %mul3A_1249 : vector<1x16xi32> to vector<32x16xi32>
      %add3A_1666 = arith.addi %add3A_1664, %add3A_1665 : vector<32x16xi32>
      %mul3A_1667 = arith.constant 128 : i32
      %mul3A_1668 = vector.broadcast %mul3A_1667 : i32 to vector<32x1xi32>
      %mul3A_1669 = arith.muli %broadcast_in_dim3A_1023, %mul3A_1668 : vector<32x1xi32>
      %add3A_1670 = arith.addi %mul3A_1669, %select_n3A_1245 : vector<32x1xi32>
      %add3A_1671 = vector.broadcast %add3A_1670 : vector<32x1xi32> to vector<32x16xi32>
      %add3A_1672 = vector.broadcast %mul3A_1249 : vector<1x16xi32> to vector<32x16xi32>
      %add3A_1673 = arith.addi %add3A_1671, %add3A_1672 : vector<32x16xi32>
      %mul3A_1674 = arith.constant 128 : i32
      %mul3A_1675 = vector.broadcast %mul3A_1674 : i32 to vector<32x1xi32>
      %mul3A_1676 = arith.muli %broadcast_in_dim3A_1039, %mul3A_1675 : vector<32x1xi32>
      %add3A_1677 = arith.addi %mul3A_1676, %select_n3A_1245 : vector<32x1xi32>
      %add3A_1678 = vector.broadcast %add3A_1677 : vector<32x1xi32> to vector<32x16xi32>
      %add3A_1679 = vector.broadcast %mul3A_1249 : vector<1x16xi32> to vector<32x16xi32>
      %add3A_1680 = arith.addi %add3A_1678, %add3A_1679 : vector<32x16xi32>
      %mul3A_1681 = arith.constant 128 : i32
      %mul3A_1682 = vector.broadcast %mul3A_1681 : i32 to vector<32x1xi32>
      %mul3A_1683 = arith.muli %broadcast_in_dim3A_1055, %mul3A_1682 : vector<32x1xi32>
      %add3A_1684 = arith.addi %mul3A_1683, %select_n3A_1245 : vector<32x1xi32>
      %add3A_1685 = vector.broadcast %add3A_1684 : vector<32x1xi32> to vector<32x16xi32>
      %add3A_1686 = vector.broadcast %mul3A_1249 : vector<1x16xi32> to vector<32x16xi32>
      %add3A_1687 = arith.addi %add3A_1685, %add3A_1686 : vector<32x16xi32>
      %mul3A_1688 = arith.constant 128 : i32
      %mul3A_1689 = vector.broadcast %mul3A_1688 : i32 to vector<32x1xi32>
      %mul3A_1690 = arith.muli %broadcast_in_dim3A_1071, %mul3A_1689 : vector<32x1xi32>
      %add3A_1691 = arith.addi %mul3A_1690, %select_n3A_1245 : vector<32x1xi32>
      %add3A_1692 = vector.broadcast %add3A_1691 : vector<32x1xi32> to vector<32x16xi32>
      %add3A_1693 = vector.broadcast %mul3A_1249 : vector<1x16xi32> to vector<32x16xi32>
      %add3A_1694 = arith.addi %add3A_1692, %add3A_1693 : vector<32x16xi32>
      %mul3A_1695 = arith.constant 128 : i32
      %mul3A_1696 = vector.broadcast %mul3A_1695 : i32 to vector<32x1xi32>
      %mul3A_1697 = arith.muli %broadcast_in_dim3A_1087, %mul3A_1696 : vector<32x1xi32>
      %add3A_1698 = arith.addi %mul3A_1697, %select_n3A_1245 : vector<32x1xi32>
      %add3A_1699 = vector.broadcast %add3A_1698 : vector<32x1xi32> to vector<32x16xi32>
      %add3A_1700 = vector.broadcast %mul3A_1249 : vector<1x16xi32> to vector<32x16xi32>
      %add3A_1701 = arith.addi %add3A_1699, %add3A_1700 : vector<32x16xi32>
      %concatenate3A_1702 = tpu.concatenate %add3A_1652, %add3A_1659, %add3A_1666, %add3A_1673, %add3A_1680, %add3A_1687, %add3A_1694, %add3A_1701 in 1 : vector<32x16xi32>, vector<32x16xi32>, vector<32x16xi32>, vector<32x16xi32>, vector<32x16xi32>, vector<32x16xi32>, vector<32x16xi32>, vector<32x16xi32> -> vector<32x128xi32>
      %min3A_1703 = arith.constant 65527 : i32
      %min3A_1704 = vector.broadcast %min3A_1703 : i32 to vector<32x128xi32>
      %min3A_1705 = arith.minsi %concatenate3A_1702, %min3A_1704 : vector<32x128xi32>
      %swap3A_1706 = arith.constant 0 : index
      %swap3A_1707 = arith.constant 6 : index
      %swap3A_1708 = arith.constant 0 : index
      %swap3A_1709 = vector.load %arg5[%swap3A_1706, %swap3A_1707, %swap3A_1708] : memref<32x8x128xi32, #tpu.memory_space<vmem>>, vector<32x1x128xi32>
      %swap3A_1710 = vector.shape_cast %swap3A_1709 : vector<32x1x128xi32> to vector<32x128xi32>
      %swap3A_1711 = vector.shape_cast %min3A_1705 : vector<32x128xi32> to vector<32x1x128xi32>
      tpu.vector_store %arg5[%swap3A_1706, %swap3A_1707, %swap3A_1708], %swap3A_1711 {strides = array<i32>} : memref<32x8x128xi32, #tpu.memory_space<vmem>>, vector<32x1x128xi32>,
      %mul3A_1712 = arith.constant 128 : i32
      %mul3A_1713 = vector.broadcast %mul3A_1712 : i32 to vector<32x1xi32>
      %mul3A_1714 = arith.muli %broadcast_in_dim3A_1103, %mul3A_1713 : vector<32x1xi32>
      %add3A_1715 = arith.addi %mul3A_1714, %select_n3A_1245 : vector<32x1xi32>
      %add3A_1716 = vector.broadcast %add3A_1715 : vector<32x1xi32> to vector<32x16xi32>
      %add3A_1717 = vector.broadcast %mul3A_1249 : vector<1x16xi32> to vector<32x16xi32>
      %add3A_1718 = arith.addi %add3A_1716, %add3A_1717 : vector<32x16xi32>
      %mul3A_1719 = arith.constant 128 : i32
      %mul3A_1720 = vector.broadcast %mul3A_1719 : i32 to vector<32x1xi32>
      %mul3A_1721 = arith.muli %broadcast_in_dim3A_1119, %mul3A_1720 : vector<32x1xi32>
      %add3A_1722 = arith.addi %mul3A_1721, %select_n3A_1245 : vector<32x1xi32>
      %add3A_1723 = vector.broadcast %add3A_1722 : vector<32x1xi32> to vector<32x16xi32>
      %add3A_1724 = vector.broadcast %mul3A_1249 : vector<1x16xi32> to vector<32x16xi32>
      %add3A_1725 = arith.addi %add3A_1723, %add3A_1724 : vector<32x16xi32>
      %mul3A_1726 = arith.constant 128 : i32
      %mul3A_1727 = vector.broadcast %mul3A_1726 : i32 to vector<32x1xi32>
      %mul3A_1728 = arith.muli %broadcast_in_dim3A_1135, %mul3A_1727 : vector<32x1xi32>
      %add3A_1729 = arith.addi %mul3A_1728, %select_n3A_1245 : vector<32x1xi32>
      %add3A_1730 = vector.broadcast %add3A_1729 : vector<32x1xi32> to vector<32x16xi32>
      %add3A_1731 = vector.broadcast %mul3A_1249 : vector<1x16xi32> to vector<32x16xi32>
      %add3A_1732 = arith.addi %add3A_1730, %add3A_1731 : vector<32x16xi32>
      %mul3A_1733 = arith.constant 128 : i32
      %mul3A_1734 = vector.broadcast %mul3A_1733 : i32 to vector<32x1xi32>
      %mul3A_1735 = arith.muli %broadcast_in_dim3A_1151, %mul3A_1734 : vector<32x1xi32>
      %add3A_1736 = arith.addi %mul3A_1735, %select_n3A_1245 : vector<32x1xi32>
      %add3A_1737 = vector.broadcast %add3A_1736 : vector<32x1xi32> to vector<32x16xi32>
      %add3A_1738 = vector.broadcast %mul3A_1249 : vector<1x16xi32> to vector<32x16xi32>
      %add3A_1739 = arith.addi %add3A_1737, %add3A_1738 : vector<32x16xi32>
      %mul3A_1740 = arith.constant 128 : i32
      %mul3A_1741 = vector.broadcast %mul3A_1740 : i32 to vector<32x1xi32>
      %mul3A_1742 = arith.muli %broadcast_in_dim3A_1167, %mul3A_1741 : vector<32x1xi32>
      %add3A_1743 = arith.addi %mul3A_1742, %select_n3A_1245 : vector<32x1xi32>
      %add3A_1744 = vector.broadcast %add3A_1743 : vector<32x1xi32> to vector<32x16xi32>
      %add3A_1745 = vector.broadcast %mul3A_1249 : vector<1x16xi32> to vector<32x16xi32>
      %add3A_1746 = arith.addi %add3A_1744, %add3A_1745 : vector<32x16xi32>
      %mul3A_1747 = arith.constant 128 : i32
      %mul3A_1748 = vector.broadcast %mul3A_1747 : i32 to vector<32x1xi32>
      %mul3A_1749 = arith.muli %broadcast_in_dim3A_1183, %mul3A_1748 : vector<32x1xi32>
      %add3A_1750 = arith.addi %mul3A_1749, %select_n3A_1245 : vector<32x1xi32>
      %add3A_1751 = vector.broadcast %add3A_1750 : vector<32x1xi32> to vector<32x16xi32>
      %add3A_1752 = vector.broadcast %mul3A_1249 : vector<1x16xi32> to vector<32x16xi32>
      %add3A_1753 = arith.addi %add3A_1751, %add3A_1752 : vector<32x16xi32>
      %mul3A_1754 = arith.constant 128 : i32
      %mul3A_1755 = vector.broadcast %mul3A_1754 : i32 to vector<32x1xi32>
      %mul3A_1756 = arith.muli %broadcast_in_dim3A_1199, %mul3A_1755 : vector<32x1xi32>
      %add3A_1757 = arith.addi %mul3A_1756, %select_n3A_1245 : vector<32x1xi32>
      %add3A_1758 = vector.broadcast %add3A_1757 : vector<32x1xi32> to vector<32x16xi32>
      %add3A_1759 = vector.broadcast %mul3A_1249 : vector<1x16xi32> to vector<32x16xi32>
      %add3A_1760 = arith.addi %add3A_1758, %add3A_1759 : vector<32x16xi32>
      %mul3A_1761 = arith.constant 128 : i32
      %mul3A_1762 = vector.broadcast %mul3A_1761 : i32 to vector<32x1xi32>
      %mul3A_1763 = arith.muli %broadcast_in_dim3A_1215, %mul3A_1762 : vector<32x1xi32>
      %add3A_1764 = arith.addi %mul3A_1763, %select_n3A_1245 : vector<32x1xi32>
      %add3A_1765 = vector.broadcast %add3A_1764 : vector<32x1xi32> to vector<32x16xi32>
      %add3A_1766 = vector.broadcast %mul3A_1249 : vector<1x16xi32> to vector<32x16xi32>
      %add3A_1767 = arith.addi %add3A_1765, %add3A_1766 : vector<32x16xi32>
      %concatenate3A_1768 = tpu.concatenate %add3A_1718, %add3A_1725, %add3A_1732, %add3A_1739, %add3A_1746, %add3A_1753, %add3A_1760, %add3A_1767 in 1 : vector<32x16xi32>, vector<32x16xi32>, vector<32x16xi32>, vector<32x16xi32>, vector<32x16xi32>, vector<32x16xi32>, vector<32x16xi32>, vector<32x16xi32> -> vector<32x128xi32>
      %min3A_1769 = arith.constant 65527 : i32
      %min3A_1770 = vector.broadcast %min3A_1769 : i32 to vector<32x128xi32>
      %min3A_1771 = arith.minsi %concatenate3A_1768, %min3A_1770 : vector<32x128xi32>
      %swap3A_1772 = arith.constant 0 : index
      %swap3A_1773 = arith.constant 7 : index
      %swap3A_1774 = arith.constant 0 : index
      %swap3A_1775 = vector.load %arg5[%swap3A_1772, %swap3A_1773, %swap3A_1774] : memref<32x8x128xi32, #tpu.memory_space<vmem>>, vector<32x1x128xi32>
      %swap3A_1776 = vector.shape_cast %swap3A_1775 : vector<32x1x128xi32> to vector<32x128xi32>
      %swap3A_1777 = vector.shape_cast %min3A_1771 : vector<32x128xi32> to vector<32x1x128xi32>
      tpu.vector_store %arg5[%swap3A_1772, %swap3A_1773, %swap3A_1774], %swap3A_1777 {strides = array<i32>} : memref<32x8x128xi32, #tpu.memory_space<vmem>>, vector<32x1x128xi32>,
    } else {
    }
    return
  }
  func.func @transform_0(%arg0: i32) -> (i32, i32, i32) {
    %c0_i32 = arith.constant 0 : i32
    %c0_i32_0 = arith.constant 0 : i32
    %c0_i32_1 = arith.constant 0 : i32
    return %arg0, %c0_i32, %c0_i32_0 : i32, i32, i32
  }
  func.func @transform_1(%arg0: i32) -> (i32, i32, i32) {
    %c0_i32 = arith.constant 0 : i32
    %c0_i32_0 = arith.constant 0 : i32
    %c0_i32_1 = arith.constant 0 : i32
    %c0_i32_2 = arith.constant 0 : i32
    return %c0_i32, %c0_i32_0, %c0_i32_1 : i32, i32, i32
  }
  func.func @transform_2(%arg0: i32) -> (i32, i32) {
    %c0_i32 = arith.constant 0 : i32
    %c0_i32_0 = arith.constant 0 : i32
    %c0_i32_1 = arith.constant 0 : i32
    return %c0_i32, %c0_i32_0 : i32, i32
  }
  func.func @transform_3(%arg0: i32) -> (i32, i32) {
    %c0_i32 = arith.constant 0 : i32
    %c0_i32_0 = arith.constant 0 : i32
    %c0_i32_1 = arith.constant 0 : i32
    return %c0_i32, %c0_i32_0 : i32, i32
  }
  func.func @transform_4(%arg0: i32) -> (i32, i32, i32) {
    %c0_i32 = arith.constant 0 : i32
    %c0_i32_0 = arith.constant 0 : i32
    %c0_i32_1 = arith.constant 0 : i32
    %c0_i32_2 = arith.constant 0 : i32
    return %c0_i32, %c0_i32_0, %c0_i32_1 : i32, i32, i32
  }
}

module attributes {stable_mosaic.version = 14 : i64} {
  func.func @_attn_o_kernel(%arg0: i32, %arg1: memref<32x64xi32, #tpu.memory_space<smem>>, %arg2: memref<1024x128xf32, #tpu.memory_space<vmem>>, %arg3: memref<1024x128xf32, #tpu.memory_space<vmem>>, %arg4: memref<1x1x128xf32, #tpu.memory_space<vmem>>, %arg5: memref<1x1x128xf32, #tpu.memory_space<vmem>>, %arg6: memref<1x128x1xf32, #tpu.memory_space<vmem>>, %arg7: memref<1x1x64xi32, #tpu.memory_space<vmem>>, %arg8: memref<256x4096xf32, #tpu.memory_space<vmem>>, %arg9: memref<256x1xf32, #tpu.memory_space<vmem>>, %arg10: memref<4096x1xf32, #tpu.memory_space<vmem>>) attributes {dimension_semantics = [#tpu.dimension_semantics<arbitrary>], iteration_bounds = array<i64: 48>, scalar_prefetch = 1 : i64, scratch_operands = 1 : i64, tpu.core_type = #tpu.core_type<tc>, window_params = [{transform_indices = @transform_0, window_bounds = array<i64: 1024, 128>}, {transform_indices = @transform_1, window_bounds = array<i64: 1024, 128>}, {transform_indices = @transform_2, window_bounds = array<i64: 1, 1, 128>}, {transform_indices = @transform_3, window_bounds = array<i64: 1, 1, 128>}, {transform_indices = @transform_4, window_bounds = array<i64: 1, 128, 1>}, {transform_indices = @transform_5, window_bounds = array<i64: 1, 1, 64>}, {transform_indices = @transform_6, window_bounds = array<i64: 256, 4096>}, {transform_indices = @transform_7, window_bounds = array<i64: 256, 1>}]} {
    %lt3A = arith.constant 32 : i32
    %lt3A_0 = arith.cmpi slt, %arg0, %lt3A : i32
    %convert_element_type3A = arith.extui %lt3A_0 : i1 to i32
    %cond3A = arith.constant 0 : i32
    %cond3A_1 = arith.cmpi ne, %convert_element_type3A, %cond3A : i32
    scf.if %cond3A_1 {
      %get3A = arith.constant 0 : index
      %get3A_6 = arith.constant 0 : index
      %get3A_7 = arith.constant 0 : index
      %get3A_8 = vector.load %arg4[%get3A, %get3A_6, %get3A_7] : memref<1x1x128xf32, #tpu.memory_space<vmem>>, vector<1x1x128xf32>
      %reshape3A = vector.shape_cast %get3A_8 : vector<1x1x128xf32> to vector<1x128xf32>
      %get3A_9 = arith.constant 0 : index
      %get3A_10 = arith.constant 0 : index
      %get3A_11 = vector.load %arg2[%get3A_9, %get3A_10] : memref<1024x128xf32, #tpu.memory_space<vmem>>, vector<1024x128xf32>
      %get3A_12 = arith.constant 0 : index
      %get3A_13 = arith.constant 0 : index
      %get3A_14 = vector.load %arg3[%get3A_12, %get3A_13] : memref<1024x128xf32, #tpu.memory_space<vmem>>, vector<1024x128xf32>
      %get3A_15 = arith.constant 0 : index
      %get3A_16 = arith.constant 0 : index
      %get3A_17 = arith.constant 0 : index
      %get3A_18 = vector.load %arg5[%get3A_15, %get3A_16, %get3A_17] : memref<1x1x128xf32, #tpu.memory_space<vmem>>, vector<1x1x128xf32>
      %reshape3A_19 = vector.shape_cast %get3A_18 : vector<1x1x128xf32> to vector<1x128xf32>
      %get3A_20 = arith.constant 0 : index
      %get3A_21 = arith.constant 0 : index
      %get3A_22 = arith.constant 0 : index
      %get3A_23 = vector.load %arg6[%get3A_20, %get3A_21, %get3A_22] : memref<1x128x1xf32, #tpu.memory_space<vmem>>, vector<1x128x1xf32>
      %reshape3A_24 = vector.shape_cast %get3A_23 : vector<1x128x1xf32> to vector<128x1xf32>
      %get3A_25 = arith.constant 0 : index
      %get3A_26 = arith.constant 0 : index
      %get3A_27 = arith.constant 0 : index
      %get3A_28 = vector.load %arg7[%get3A_25, %get3A_26, %get3A_27] : memref<1x1x64xi32, #tpu.memory_space<vmem>>, vector<1x1x64xi32>
      %reshape3A_29 = vector.shape_cast %get3A_28 : vector<1x1x64xi32> to vector<1x64xi32>
      %eq3A = arith.constant 511 : i32
      %eq3A_30 = vector.broadcast %eq3A : i32 to vector<1x64xi32>
      %eq3A_31 = arith.cmpi eq, %reshape3A_29, %eq3A_30 : vector<1x64xi32>
      %iota3A = tpu.iota {dimensions = array<i32: 1>} : vector<1x64xi32>
      %jit3A = arith.constant 64 : i32
      %broadcast_in_dim3A = vector.broadcast %jit3A : i32 to vector<1x64xi32>
      %select_n3A = arith.select %eq3A_31, %iota3A, %broadcast_in_dim3A : vector<1x64xi1>, vector<1x64xi32>
      %reduce_min3A = vector.shape_cast %select_n3A : vector<1x64xi32> to vector<1x1x64xi32>
      %reduce_min3A_32 = arith.constant dense<2147483647> : vector<1xi32>
      %reduce_min3A_33 = vector.multi_reduction <minsi>, %reduce_min3A, %reduce_min3A_32 [1, 2] : vector<1x1x64xi32> to vector<1xi32>
      %reduce_min3A_34 = vector.shape_cast %reduce_min3A_33 : vector<1xi32> to vector<1x1x1xi32>
      %reduce_min3A_35 = vector.extract %reduce_min3A_34[0, 0, 0] : i32 from vector<1x1x1xi32>
      %mul3A = arith.constant 16 : i32
      %mul3A_36 = arith.muli %reduce_min3A_35, %mul3A : i32
      %add3A = arith.constant 16 : i32
      %add3A_37 = arith.addi %mul3A_36, %add3A : i32
      %sub3A = arith.constant 1 : i32
      %sub3A_38 = arith.subi %add3A_37, %sub3A : i32
      %iota3A_39 = tpu.iota {dimensions = array<i32: 1>} : vector<1x1024xi32>
      %eq3A_40 = vector.broadcast %sub3A_38 : i32 to vector<1x1024xi32>
      %eq3A_41 = arith.cmpi eq, %iota3A_39, %eq3A_40 : vector<1x1024xi32>
      %dot_general3A = arith.constant dense<0.000000e+00> : vector<1x1024xf32>
      %dot_general3A_42 = tpu.matmul %reshape3A, %get3A_11, %dot_general3A {dimension_numbers = #tpu.dot_dimension_numbers<[1], [1], [0], [0], [0, 0, 1, 0], [], []>, transpose_lhs_hint = false} : vector<1x128xf32>, vector<1024x128xf32>, vector<1x1024xf32> -> vector<1x1024xf32>
      %mul3A_43 = arith.constant 0.0883883461 : f32
      %mul3A_44 = vector.broadcast %mul3A_43 : f32 to vector<1x1024xf32>
      %mul3A_45 = arith.mulf %dot_general3A_42, %mul3A_44 : vector<1x1024xf32>
      %mul3A_46 = arith.mulf %reshape3A, %reshape3A_19 : vector<1x128xf32>
      %reduce_sum3A = vector.shape_cast %mul3A_46 : vector<1x128xf32> to vector<1x1x128xf32>
      %reduce_sum3A_47 = arith.constant dense<0.000000e+00> : vector<1xf32>
      %reduce_sum3A_48 = vector.multi_reduction <add>, %reduce_sum3A, %reduce_sum3A_47 [1, 2] : vector<1x1x128xf32> to vector<1xf32>
      %reduce_sum3A_49 = vector.shape_cast %reduce_sum3A_48 : vector<1xf32> to vector<1x1x1xf32>
      %reduce_sum3A_50 = vector.extract %reduce_sum3A_49[0, 0, 0] : f32 from vector<1x1x1xf32>
      %mul3A_51 = arith.constant 0.0883883461 : f32
      %mul3A_52 = arith.mulf %reduce_sum3A_50, %mul3A_51 : f32
      %broadcast_in_dim3A_53 = vector.broadcast %mul3A_52 : f32 to vector<1x1024xf32>
      %select_n3A_54 = arith.select %eq3A_41, %broadcast_in_dim3A_53, %mul3A_45 : vector<1x1024xi1>, vector<1x1024xf32>
      %reduce_max3A = vector.shape_cast %select_n3A_54 : vector<1x1024xf32> to vector<1x1x1024xf32>
      %reduce_max3A_55 = arith.constant dense<0xFF800000> : vector<1xf32>
      %reduce_max3A_56 = vector.multi_reduction <maximumf>, %reduce_max3A, %reduce_max3A_55 [1, 2] : vector<1x1x1024xf32> to vector<1xf32>
      %reduce_max3A_57 = vector.shape_cast %reduce_max3A_56 : vector<1xf32> to vector<1x1x1xf32>
      %reduce_max3A_58 = vector.extract %reduce_max3A_57[0, 0, 0] : f32 from vector<1x1x1xf32>
      %sub3A_59 = vector.broadcast %reduce_max3A_58 : f32 to vector<1x1024xf32>
      %sub3A_60 = arith.subf %select_n3A_54, %sub3A_59 : vector<1x1024xf32>
      %exp3A = math.exp %sub3A_60 : vector<1x1024xf32>
      %reduce_sum3A_61 = vector.shape_cast %exp3A : vector<1x1024xf32> to vector<1x1x1024xf32>
      %reduce_sum3A_62 = arith.constant dense<0.000000e+00> : vector<1xf32>
      %reduce_sum3A_63 = vector.multi_reduction <add>, %reduce_sum3A_61, %reduce_sum3A_62 [1, 2] : vector<1x1x1024xf32> to vector<1xf32>
      %reduce_sum3A_64 = vector.shape_cast %reduce_sum3A_63 : vector<1xf32> to vector<1x1x1xf32>
      %reduce_sum3A_65 = vector.extract %reduce_sum3A_64[0, 0, 0] : f32 from vector<1x1x1xf32>
      %jit3A_66 = arith.constant 0.000000e+00 : f32
      %broadcast_in_dim3A_67 = vector.broadcast %jit3A_66 : f32 to vector<1x1024xf32>
      %select_n3A_68 = arith.select %eq3A_41, %broadcast_in_dim3A_67, %exp3A : vector<1x1024xi1>, vector<1x1024xf32>
      %jit3A_69 = arith.constant 0.000000e+00 : f32
      %broadcast_in_dim3A_70 = vector.broadcast %jit3A_69 : f32 to vector<1x1024xf32>
      %select_n3A_71 = arith.select %eq3A_41, %exp3A, %broadcast_in_dim3A_70 : vector<1x1024xi1>, vector<1x1024xf32>
      %reduce_sum3A_72 = vector.shape_cast %select_n3A_71 : vector<1x1024xf32> to vector<1x1x1024xf32>
      %reduce_sum3A_73 = arith.constant dense<0.000000e+00> : vector<1xf32>
      %reduce_sum3A_74 = vector.multi_reduction <add>, %reduce_sum3A_72, %reduce_sum3A_73 [1, 2] : vector<1x1x1024xf32> to vector<1xf32>
      %reduce_sum3A_75 = vector.shape_cast %reduce_sum3A_74 : vector<1xf32> to vector<1x1x1xf32>
      %reduce_sum3A_76 = vector.extract %reduce_sum3A_75[0, 0, 0] : f32 from vector<1x1x1xf32>
      %dot_general3A_77 = arith.constant dense<0.000000e+00> : vector<128x1xf32>
      %dot_general3A_78 = tpu.matmul %get3A_14, %select_n3A_68, %dot_general3A_77 {dimension_numbers = #tpu.dot_dimension_numbers<[0], [1], [1], [0], [0, 1, 1, 0], [], []>, transpose_lhs_hint = false} : vector<1024x128xf32>, vector<1x1024xf32>, vector<128x1xf32> -> vector<128x1xf32>
      %mul3A_79 = vector.broadcast %reduce_sum3A_76 : f32 to vector<128x1xf32>
      %mul3A_80 = arith.mulf %mul3A_79, %reshape3A_24 : vector<128x1xf32>
      %add3A_81 = arith.addf %dot_general3A_78, %mul3A_80 : vector<128x1xf32>
      %div3A = vector.broadcast %reduce_sum3A_65 : f32 to vector<128x1xf32>
      %div3A_82 = arith.divf %add3A_81, %div3A : vector<128x1xf32>
      %mul3A_83 = arith.constant 128 : i32
      %mul3A_84 = arith.muli %arg0, %mul3A_83 : i32
      %swap3A = arith.index_cast %mul3A_84 : i32 to index
      %swap3A_85 = arith.constant 0 : index
      %swap3A_86 = vector.load %arg10[%swap3A, %swap3A_85] : memref<4096x1xf32, #tpu.memory_space<vmem>>, vector<128x1xf32>
      tpu.vector_store %arg10[%swap3A, %swap3A_85], %div3A_82 {strides = array<i32>} : memref<4096x1xf32, #tpu.memory_space<vmem>>, vector<128x1xf32>,
    } else {
    }
    %ge3A = arith.constant 32 : i32
    %ge3A_2 = arith.cmpi sge, %arg0, %ge3A : i32
    %convert_element_type3A_3 = arith.extui %ge3A_2 : i1 to i32
    %cond3A_4 = arith.constant 0 : i32
    %cond3A_5 = arith.cmpi ne, %convert_element_type3A_3, %cond3A_4 : i32
    scf.if %cond3A_5 {
      %get3A = arith.constant 0 : index
      %get3A_6 = arith.constant 0 : index
      %get3A_7 = vector.load %arg8[%get3A, %get3A_6] : memref<256x4096xf32, #tpu.memory_space<vmem>>, vector<256x4096xf32>
      %get3A_8 = arith.constant 0 : index
      %get3A_9 = arith.constant 0 : index
      %get3A_10 = vector.load %arg10[%get3A_8, %get3A_9] : memref<4096x1xf32, #tpu.memory_space<vmem>>, vector<4096x1xf32>
      %dot_general3A = arith.constant dense<0.000000e+00> : vector<256x1xf32>
      %dot_general3A_11 = tpu.matmul %get3A_7, %get3A_10, %dot_general3A {dimension_numbers = #tpu.dot_dimension_numbers<[1], [0], [0], [1], [0, 0, 1, 1], [], []>, transpose_lhs_hint = false} : vector<256x4096xf32>, vector<4096x1xf32>, vector<256x1xf32> -> vector<256x1xf32>
      %swap3A = arith.constant 0 : index
      %swap3A_12 = arith.constant 0 : index
      %swap3A_13 = vector.load %arg9[%swap3A, %swap3A_12] : memref<256x1xf32, #tpu.memory_space<vmem>>, vector<256x1xf32>
      tpu.vector_store %arg9[%swap3A, %swap3A_12], %dot_general3A_11 {strides = array<i32>} : memref<256x1xf32, #tpu.memory_space<vmem>>, vector<256x1xf32>,
    } else {
    }
    return
  }
  func.func @transform_0(%arg0: i32, %arg1: memref<32x64xi32, #tpu.memory_space<smem>>) -> (i32, i32) {
    %min3A = arith.constant 31 : i32
    %min3A_0 = arith.minsi %arg0, %min3A : i32
    %c0_i32 = arith.constant 0 : i32
    %c0_i32_1 = arith.constant 0 : i32
    return %min3A_0, %c0_i32 : i32, i32
  }
  func.func @transform_1(%arg0: i32, %arg1: memref<32x64xi32, #tpu.memory_space<smem>>) -> (i32, i32) {
    %min3A = arith.constant 31 : i32
    %min3A_0 = arith.minsi %arg0, %min3A : i32
    %c0_i32 = arith.constant 0 : i32
    %c0_i32_1 = arith.constant 0 : i32
    return %min3A_0, %c0_i32 : i32, i32
  }
  func.func @transform_2(%arg0: i32, %arg1: memref<32x64xi32, #tpu.memory_space<smem>>) -> (i32, i32, i32) {
    %min3A = arith.constant 31 : i32
    %min3A_0 = arith.minsi %arg0, %min3A : i32
    %c0_i32 = arith.constant 0 : i32
    %c0_i32_1 = arith.constant 0 : i32
    %c0_i32_2 = arith.constant 0 : i32
    return %min3A_0, %c0_i32, %c0_i32_1 : i32, i32, i32
  }
  func.func @transform_3(%arg0: i32, %arg1: memref<32x64xi32, #tpu.memory_space<smem>>) -> (i32, i32, i32) {
    %min3A = arith.constant 31 : i32
    %min3A_0 = arith.minsi %arg0, %min3A : i32
    %jit3A = arith.constant 4 : i32
    %div3A = arith.divsi %min3A_0, %jit3A : i32
    %sign3A = arith.constant 0 : i32
    %sign3A_1 = arith.cmpi sgt, %min3A_0, %sign3A : i32
    %sign3A_2 = arith.extui %sign3A_1 : i1 to i32
    %sign3A_3 = arith.constant 0 : i32
    %sign3A_4 = arith.cmpi slt, %min3A_0, %sign3A_3 : i32
    %sign3A_5 = arith.extui %sign3A_4 : i1 to i32
    %sign3A_6 = arith.subi %sign3A_2, %sign3A_5 : i32
    %sign3A_7 = arith.constant 0 : i32
    %sign3A_8 = arith.cmpi sgt, %jit3A, %sign3A_7 : i32
    %sign3A_9 = arith.extui %sign3A_8 : i1 to i32
    %sign3A_10 = arith.constant 0 : i32
    %sign3A_11 = arith.cmpi slt, %jit3A, %sign3A_10 : i32
    %sign3A_12 = arith.extui %sign3A_11 : i1 to i32
    %sign3A_13 = arith.subi %sign3A_9, %sign3A_12 : i32
    %ne3A = arith.cmpi ne, %sign3A_6, %sign3A_13 : i32
    %rem3A = arith.remsi %min3A_0, %jit3A : i32
    %ne3A_14 = arith.constant 0 : i32
    %ne3A_15 = arith.cmpi ne, %rem3A, %ne3A_14 : i32
    %and3A = arith.andi %ne3A, %ne3A_15 : i1
    %sub3A = arith.constant 1 : i32
    %sub3A_16 = arith.subi %div3A, %sub3A : i32
    %select_n3A = arith.select %and3A, %sub3A_16, %div3A : i32
    %c0_i32 = arith.constant 0 : i32
    %c0_i32_17 = arith.constant 0 : i32
    %c0_i32_18 = arith.constant 0 : i32
    return %select_n3A, %c0_i32, %c0_i32_17 : i32, i32, i32
  }
  func.func @transform_4(%arg0: i32, %arg1: memref<32x64xi32, #tpu.memory_space<smem>>) -> (i32, i32, i32) {
    %min3A = arith.constant 31 : i32
    %min3A_0 = arith.minsi %arg0, %min3A : i32
    %jit3A = arith.constant 4 : i32
    %div3A = arith.divsi %min3A_0, %jit3A : i32
    %sign3A = arith.constant 0 : i32
    %sign3A_1 = arith.cmpi sgt, %min3A_0, %sign3A : i32
    %sign3A_2 = arith.extui %sign3A_1 : i1 to i32
    %sign3A_3 = arith.constant 0 : i32
    %sign3A_4 = arith.cmpi slt, %min3A_0, %sign3A_3 : i32
    %sign3A_5 = arith.extui %sign3A_4 : i1 to i32
    %sign3A_6 = arith.subi %sign3A_2, %sign3A_5 : i32
    %sign3A_7 = arith.constant 0 : i32
    %sign3A_8 = arith.cmpi sgt, %jit3A, %sign3A_7 : i32
    %sign3A_9 = arith.extui %sign3A_8 : i1 to i32
    %sign3A_10 = arith.constant 0 : i32
    %sign3A_11 = arith.cmpi slt, %jit3A, %sign3A_10 : i32
    %sign3A_12 = arith.extui %sign3A_11 : i1 to i32
    %sign3A_13 = arith.subi %sign3A_9, %sign3A_12 : i32
    %ne3A = arith.cmpi ne, %sign3A_6, %sign3A_13 : i32
    %rem3A = arith.remsi %min3A_0, %jit3A : i32
    %ne3A_14 = arith.constant 0 : i32
    %ne3A_15 = arith.cmpi ne, %rem3A, %ne3A_14 : i32
    %and3A = arith.andi %ne3A, %ne3A_15 : i1
    %sub3A = arith.constant 1 : i32
    %sub3A_16 = arith.subi %div3A, %sub3A : i32
    %select_n3A = arith.select %and3A, %sub3A_16, %div3A : i32
    %c0_i32 = arith.constant 0 : i32
    %c0_i32_17 = arith.constant 0 : i32
    %c0_i32_18 = arith.constant 0 : i32
    return %select_n3A, %c0_i32, %c0_i32_17 : i32, i32, i32
  }
  func.func @transform_5(%arg0: i32, %arg1: memref<32x64xi32, #tpu.memory_space<smem>>) -> (i32, i32, i32) {
    %min3A = arith.constant 31 : i32
    %min3A_0 = arith.minsi %arg0, %min3A : i32
    %c0_i32 = arith.constant 0 : i32
    %c0_i32_1 = arith.constant 0 : i32
    %c0_i32_2 = arith.constant 0 : i32
    return %min3A_0, %c0_i32, %c0_i32_1 : i32, i32, i32
  }
  func.func @transform_6(%arg0: i32, %arg1: memref<32x64xi32, #tpu.memory_space<smem>>) -> (i32, i32) {
    %sub3A = arith.constant 32 : i32
    %sub3A_0 = arith.subi %arg0, %sub3A : i32
    %jit3A = arith.constant 0 : i32
    %jit3A_1 = arith.constant 15 : i32
    %max3A = arith.maxsi %jit3A, %sub3A_0 : i32
    %min3A = arith.minsi %jit3A_1, %max3A : i32
    %c0_i32 = arith.constant 0 : i32
    %c0_i32_2 = arith.constant 0 : i32
    return %min3A, %c0_i32 : i32, i32
  }
  func.func @transform_7(%arg0: i32, %arg1: memref<32x64xi32, #tpu.memory_space<smem>>) -> (i32, i32) {
    %sub3A = arith.constant 32 : i32
    %sub3A_0 = arith.subi %arg0, %sub3A : i32
    %jit3A = arith.constant 0 : i32
    %jit3A_1 = arith.constant 15 : i32
    %max3A = arith.maxsi %jit3A, %sub3A_0 : i32
    %min3A = arith.minsi %jit3A_1, %max3A : i32
    %c0_i32 = arith.constant 0 : i32
    %c0_i32_2 = arith.constant 0 : i32
    return %min3A, %c0_i32 : i32, i32
  }
}

</mosaic_0001>

<sc_bundles>
// kernel: kernel.6.cloned.1.call-start
scs
__scs_entry_jumppad:
0x0: {  	(pc) =	sbr.rel $0x88, $3  }
0x1: {  	(tag) =	ssettag $0x0;
	lr =	simm.s32 $0x1  }
0x2: {  	[smem:$0x3F9A] =	sst lr;
	_ =	strace $0xD0000000  }
0x3: {  	_ = 	snop  }
0x4: {  	_ = 	snop  }
0x5: {  	_ = 	snop  }
0x6: {  	_ = 	snop  }
0x7: {  	_ = 	snop  }
__scs_overlays_trampoline_lowered:
0x8: {  	[smem:$0x3FA9] =	sst s0  }
0x9: {  	[smem:$0x3FAA] =	sst s1  }
0xa: {  	[smem:$0x3FAB] =	sst s2  }
0xb: {  	[smem:$0x3FAC] =	sst s3  }
0xc: {  	[smem:$0x3FAD] =	sst s4  }
0xd: {  	[smem:$0x3FAE] =	sst s5  }
0xe: {  	[smem:$0x3FAF] =	sst s6  }
0xf: {  	[smem:$0x3FB0] =	sst s7  }
0x10: {  	[smem:$0x3FB1] =	sst s8  }
0x11: {  	[smem:$0x3FB2] =	sst s9;
	s0 =	simm.s32 @!p0 $0x0  }
0x12: {  	s1 =	sld [smem:$0x3F98];
	s0 =	simm.s32 @p0 $0x1  }
0x13: {  	[smem:$0x3FB3] =	sst s0;
	s0 =	simm.s32 @!p1 $0x0  }
0x14: {  	s2 =	sld [smem:$0x3F97];
	s0 =	simm.s32 @p1 $0x1  }
0x15: {  	[smem:$0x3FB4] =	sst s0;
	s0 =	simm.s32 @!p2 $0x0  }
0x16: {  	s3 =	sld [smem:$0x3FDB];
	s0 =	simm.s32 @p2 $0x1  }
0x17: {  	s4 =	simm.s32 $0x1BF5;
	[smem:$0x3FB6] =	sst s0  }
0x18: {  	s0 =	sld [smem:$0x3F99];
	_ =	swait.ge [sflag:s4], $0x0  }
0x19: {  	s7 =	sld [smem:$0x3F9A]  }
0x1a: {  	s8 =	sadd.s32 $0xFFFFE003, lr  }
0x1b: {  	s9 =	sadd.s32 $0xFFFFFEF7, lr;
	s5 =	simm.s32 $0xFFFFFFFF;
	p2 =	slt.u32 s8, $0xFFFFF086  }
0x1c: {  	p1 =	slt.u32 s9, $0xF7A;
	s5 =	simm.s32 @!p2 $0x0  }
0x1d: {  	s5 =	simm.s32 @p1 $0x1;
	p0 =	seq.s32 s7, s2  }
0x1e: {  	s7 =	smul.u32 @!p0 $0xF7A, s2;
	p2 =	seq.s32 @!p0 s5, $0x0  }
0x1f: {  	s9 =	smul.u32 $0xF7A, s1;
	s8 =	simm.s32 @!p0 $0x1BF5;
	p2 =	por !p2, p0  }
0x20: {  	[sflag:s8] =	ssyncset.s32 @!p0 $0xFFFFF086;
	s6 =	sadd.s32 @!p0 s3, s7;
	s7 =	simm.s32 @!p0 $0x108  }
0x21: {  	s3 =	sadd.s32 s3, s9;
	s6 =	sadd.s32 @!p0 $0x88, s6;
	s7 =	simm.s32 @p2 $0x1082  }
0x22: {  	[simem:s7], [sflag:s8] =	dma.local @!p0 [hbm:s6], $0xF7A  }
0x23: {  	s9 =	sor.u32 $0xD0000000, s2;
	s6 =	simm.s32 $0x108;
	_ =	swait.ge @!p0 [sflag:s8], $0x0  }
0x24: {  	s3 =	sadd.s32 $0x88, s3;
	s6 =	simm.s32 @!p1 $0x1082;
	[sflag:s4] =	ssyncset.s32 $0xFFFFF086  }
0x25: {  	[simem:s6], [sflag:s4] =	dma.local [hbm:s3], $0xF7A  }
0x26: {  	[smem:$0x3F9A] =	sst s1;
	(tag) =	ssettag s2;
	_ =	strace s9  }
0x27: {  	s1 =	sld [smem:$0x3FAA]  }
0x28: {  	s2 =	sld [smem:$0x3FAB]  }
0x29: {  	s4 =	sld [smem:$0x3FAD]  }
0x2a: {  	p0 =	seq.s32 s5, $0x0;
	s5 =	sld [smem:$0x3FAE]  }
0x2b: {  	s6 =	sld [smem:$0x3FAF]  }
0x2c: {  	s7 =	sld [smem:$0x3FB0]  }
0x2d: {  	s3 =	simm.s32 $0x108;
	s8 =	sld [smem:$0x3FB1]  }
0x2e: {  	s3 =	simm.s32 @!p0 $0x1082;
	s9 =	sld [smem:$0x3FB2]  }
0x2f: {  	lr =	sadd.s32 s0, s3;
	s0 =	sld [smem:$0x3FA9]  }
0x30: {  	s3 =	sld [smem:$0x3FAC]  }
0x31: {  	[smem:$0x3FB5] =	sst s10  }
0x32: {  	s10 =	sld [smem:$0x3FB3];
	_ =	sdelay $0x3  }
0x33: {  	p0 =	seq.s32 s10, $0x1;
	s10 =	sld [smem:$0x3FB5];
	_ =	sdelay $0x3  }
0x34: {  	[smem:$0x3FB5] =	sst s10  }
0x35: {  	s10 =	sld [smem:$0x3FB4];
	_ =	sdelay $0x3  }
0x36: {  	p1 =	seq.s32 s10, $0x1;
	s10 =	sld [smem:$0x3FB5];
	_ =	sdelay $0x3  }
0x37: {  	[smem:$0x3FB5] =	sst s10  }
0x38: {  	s10 =	sld [smem:$0x3FB6]  }
0x39: {  	_ = 	snop;
	(pc) =	sbr.ind lr, $3  }
0x3a: {  	_ = 	snop  }
0x3b: {  	_ = 	snop  }
0x3c: {  	p2 =	seq.s32 s10, $0x1;
	s10 =	sld [smem:$0x3FB5]  }
0x3d: {  	_ =	shalt  }
0x3e: {  	_ =	shalt  }
0x3f: {  	_ =	shalt  }
0x40: {  	_ =	shalt  }
0x41: {  	_ =	shalt  }
0x42: {  	_ =	shalt  }
0x43: {  	_ =	shalt  }
0x44: {  	_ =	shalt  }
0x45: {  	_ =	shalt  }
0x46: {  	_ =	shalt  }
0x47: {  	_ =	shalt  }
0x48: {  	_ =	shalt  }
0x49: {  	_ =	shalt  }
0x4a: {  	_ =	shalt  }
0x4b: {  	_ =	shalt  }
0x4c: {  	_ =	shalt  }
0x4d: {  	_ =	shalt  }
0x4e: {  	_ =	shalt  }
0x4f: {  	_ =	shalt  }
0x50: {  	_ =	shalt  }
0x51: {  	_ =	shalt  }
0x52: {  	_ =	shalt  }
0x53: {  	_ =	shalt  }
0x54: {  	_ =	shalt  }
0x55: {  	_ =	shalt  }
0x56: {  	_ =	shalt  }
0x57: {  	_ =	shalt  }
0x58: {  	_ =	shalt  }
0x59: {  	_ =	shalt  }
0x5a: {  	_ =	shalt  }
0x5b: {  	_ =	shalt  }
0x5c: {  	_ =	shalt  }
0x5d: {  	_ =	shalt  }
0x5e: {  	_ =	shalt  }
0x5f: {  	_ =	shalt  }
0x60: {  	_ =	shalt  }
0x61: {  	_ =	shalt  }
0x62: {  	_ =	shalt  }
0x63: {  	_ =	shalt  }
0x64: {  	_ =	shalt  }
0x65: {  	_ =	shalt  }
0x66: {  	_ =	shalt  }
0x67: {  	_ =	shalt  }
0x68: {  	_ =	shalt  }
0x69: {  	_ =	shalt  }
0x6a: {  	_ =	shalt  }
0x6b: {  	_ =	shalt  }
0x6c: {  	_ =	shalt  }
0x6d: {  	_ =	shalt  }
0x6e: {  	_ =	shalt  }
0x6f: {  	_ =	shalt  }
0x70: {  	_ =	shalt  }
0x71: {  	_ =	shalt  }
0x72: {  	_ =	shalt  }
0x73: {  	_ =	shalt  }
0x74: {  	_ =	shalt  }
0x75: {  	_ =	shalt  }
0x76: {  	_ =	shalt  }
0x77: {  	_ =	shalt  }
0x78: {  	_ =	shalt  }
0x79: {  	_ =	shalt  }
0x7a: {  	_ =	shalt  }
0x7b: {  	_ =	shalt  }
0x7c: {  	_ =	shalt  }
0x7d: {  	_ =	shalt  }
0x7e: {  	_ =	shalt  }
0x7f: {  	_ =	shalt  }
0x80: {  	_ =	shalt  }
0x81: {  	_ =	shalt  }
0x82: {  	_ =	shalt  }
0x83: {  	_ =	shalt  }
0x84: {  	_ =	shalt  }
0x85: {  	_ =	shalt  }
0x86: {  	_ =	shalt  }
0x87: {  	_ =	shalt  }
.Lfunc_end0:
.L_simem_size_0:
called_computation_lowered:
.L_overlay_start_0:
0x88: {  	s2 =	sld [smem:$0x3FD9]  }
0x89: {  	s3 =	sld [smem:$0x3FFE];
	_ =	sdelay $0x1  }
0x8a: {  	s1 =	srdreg.scid  }
0x8b: {  	s0 =	sand.u32 $0x1, s1  }
0x8c: {  	s17 =	sshll.u32 s0, $0xA;
	s2 =	sadd.s32 s3, s2  }
0x8d: {  	s2 =	sadd.s32 s2, s17  }
0x8e: {  	[smem:$0x3FC1] =	sst s2  }
0x8f: {  	_ = 	snop  }
0x90: {  	s2 =	sld [smem:$0x3FC8]  }
0x91: {  	s18 =	sld [smem:$0x3FC7];
	(tm) =	ssettm $0x1  }
0x92: {  	s4 =	sld [smem:$0x3FFB];
	_ =	sdelay $0x3  }
0x93: {  	_ =	strace s4  }
0x94: {  	s4 =	sld [smem:$0x3FFC];
	_ =	sdelay $0x3  }
0x95: {  	_ =	strace s4  }
0x96: {  	s4 =	sld [smem:$0x3FFD];
	_ =	sdelay $0x3  }
0x97: {  	_ =	strace s4  }
0x98: {  	_ =	strace $0x8FFFFFFF  }
0x99: {  	s19 =	sld [smem:$0x3FDB];
	_ =	sdelay $0x1  }
0x9a: {  	s5 =	simm.s32 $_scs_section_size  }
0x9b: {  	s6 =	simm.s32 $_size__tile_overlayer_lowered;
	s7 =	simm.s32 $_tile_overlayer_lowered  }
0x9c: {  	s22 =	simm.s32 $0x1BFF;
	s21 =	sshll.u32 s7, $0x1;
	s4 =	sadd.s32 s5, s19  }
0x9d: {  	s8 =	simm.s32 $0x0;
	s20 =	sshll.u32 s6, $0x1;
	s6 =	sadd.s32 s21, s4  }
0x9e: {  	[timem:s8], [sflag:s22] =	dma.local [hbm:s6], s20  }
0x9f: {  	_ =	swait.ge [sflag:s22], s20  }
0xa0: {  	s5 =	ssub.s32 $0x0, s20;
	[sflag:s22] =	ssyncset.done $0x0  }
0xa1: {  	[sflag:s22] =	ssyncadd.s32 s5;
	_ =	sdelay $0x1  }
0xa2: {  	s23 =	simm.s32 $0x1B8B  }
0xa3: {  	_ =	swait.ge [sflag:s23], $0x1  }
0xa4: {  	[sflag:s23] =	ssyncset.done $0x0  }
0xa5: {  	s25 =	simm.s32 $0x1B8E;
	s24 =	sld [smem:$0x3FFE];
	[sflag:s23] =	ssyncadd.s32 $0xFFFFFFFF  }
0xa6: {  	s26 =	simm.s32 $execute0_lowered;
	[smem:$0x3FD2] =	sst s25  }
0xa7: {  	s6 =	sshll.u32 s26, $0x1;
	_ =	strace $0x80000046;
	[dreg:$0x1] =	wrdreg $0xFFFFFFFF  }
0xa8: {  	s28 =	simm.s32 $_size_execute0_lowered;
	s4 =	sadd.s32 s4, s6;
	[dreg:$0x0] =	wrdreg $0x0  }
0xa9: {  	s6 =	sshll.u32 s28, $0x1;
	[dreg:$0x2] =	wrdreg s4  }
0xaa: {  	[dreg:$0x3] =	wrdreg s6  }
0xab: {  	[dreg:$0x4] =	wrdreg $0xC0  }
0xac: {  	_ =	task [dreg:s8], $0x5FFFF  }
0xad: {  	[dreg:$0x1] =	wrdreg $0xFFFFFFFF  }
0xae: {  	[dreg:$0x0] =	wrdreg $0x60  }
0xaf: {  	[dreg:$0x2] =	wrdreg s2  }
0xb0: {  	[dreg:$0x3] =	wrdreg s18  }
0xb1: {  	[dreg:$0x4] =	wrdreg s24  }
0xb2: {  	[dreg:$0x5] =	wrdreg $0x9  }
0xb3: {  	_ =	task.clear_ibuf [dreg:s8], $0x6FFFF;
	_ =	strace $0x90000046  }
0xb4: {  	s29 =	simm.s32 $0x9;
	_ =	strace $0x80000048  }
0xb5: {  	_ =	swait.ge [sflag:s29], $0x1  }
0xb6: {  	[sflag:s29] =	ssyncadd.s32 $0xFFFFFFFF  }
0xb7: {  	_ =	strace $0x90000048  }
0xb8: {  	_ =	sfence  }
0xb9: {  	s30 =	sld [smem:$0x0];
	_ =	sdelay $0x2  }
0xba: {  	s31 =	sshll.u32 s1, $0xD;
	s1 =	sshrl.u32 s1, $0x2  }
0xbb: {  	s3 =	sand.u32 $0x4000, s31;
	s1 =	sadd.s32 s1, s30  }
0xbc: {  	s0 =	sor.u32 s3, s0;
	s1 =	sshll.u32 s1, $0x11  }
0xbd: {  	s0 =	sor.u32 s1, s0  }
0xbe: {  	s0 =	sadd.s32 $0x8F2B, s0  }
0xbf: {  	[sflag:s0] =	ssyncadd.remote.s32 $0x1  }
0xc0: {  	_ =	sfence.sel $0xFFFF  }
0xc1: {  	[dreg:$0x0] =	wrdreg $0xFFFFFFFF;
	(pc) =	sbr.abs _section_cstart, $3  }
0xc2: {  	[dreg:$0x1] =	wrdreg $0xFFFFFFFF  }
0xc3: {  	_ =	task.clear_ibuf [dreg:s8], $0x2FFFF;
	_ =	strace $0x9FFFFFFF  }
0xc4: {  	(tm) =	ssettm $0x7FFFFFFF  }
0xc5: {  	_ =	shalt  }
tec
execute0_lowered:
.L_overlay_start_1:
0x0: {  	(tag) =	ssettag $0x1  }
0x1: {  	s2 =	srdreg.scid  }
0x2: {  	s0 =	stileid.u32;
	s29 =	sand.u32 $0x1, s2  }
0x3: {  	s1 =	rddreg [dreg:$0x0];
	s30 =	sshll.u32 s0, $0xB;
	s4 =	sshll.u32 s29, $0xA  }
0x4: {  	s3 =	rddreg [dreg:$0x1];
	s14 =	sor.u32 s4, s30  }
0x5: {  	s13 =	rddreg [dreg:$0x2];
	s4 =	simm.s32 $0x0;
	s5 =	sshrl.u32 s14, $0x3  }
0x6: {  	s6 =	simm.s32 $0x3;
	[smem:$0x7FF] =	sst s4;
	s5 =	sadd.s32 s5, s13  }
0x7: {  	s2 =	rddreg [dreg:$0x3];
	_ =	strace $0x80000047;
	s5 =	sadd.s32 $0x800, s5  }
0x8: {  	[tilespmem:s4], [sflag:$0x3] =	stream.linear.gather [hbm4b:s5+s4], $0x400, $0x38;
	[tilespmem:$0x10400] =	vst v63  }
0x9: {  	_ =	swait.ge [sflag:s6], $0x400  }
0xa: {  	[sflag:s6] =	ssyncset.done $0x0  }
0xb: {  	s7 =	simm.s32 $0x80;
	s8 =	simm.s32 $0x400;
	[sflag:s6] =	ssyncadd.s32 $0xFFFFFC00  }
0xc: {  	[tilespmem:s8], [sflag:$0x1] =	stream.indirect.gather [hbm4b:s1+s7], $0x80, s4, s7, $0xb8;
	[tilespmem:$0x10400] =	vst v63  }
0xd: {  	s9 =	simm.s32 $0x8400  }
0xe: {  	[tilespmem:s9], [sflag:$0x1] =	stream.indirect.gather [hbm4b:s3+s7], $0x80, s4, s7, $0xb8;
	[tilespmem:$0x10400] =	vst v63  }
0xf: {  	s10 =	simm.s32 $0x4400  }
0x10: {  	[tilespmem:s10], [sflag:$0x1] =	stream.indirect.gather [hbm4b:s1+s7], $0x80, s7, s7, $0xb8;
	[tilespmem:$0x10400] =	vst v63  }
0x11: {  	s11 =	simm.s32 $0xC400;
	s12 =	simm.s32 $0x1  }
0x12: {  	[tilespmem:s11], [sflag:$0x1] =	stream.indirect.gather [hbm4b:s3+s7], $0x80, s7, s7, $0xb8;
	[tilespmem:$0x10400] =	vst v63  }
0x13: {  	_ =	swait.ge [sflag:s12], $0x4000  }
0x14: {  	[sflag:s12] =	ssyncset.done $0x0  }
0x15: {  	[sflag:s12] =	ssyncadd.s32 $0xFFFFC000  }
0x16: {  	_ =	swait.ge [sflag:s12], $0x4000  }
0x17: {  	[sflag:s12] =	ssyncset.done $0x0  }
0x18: {  	[sflag:s12] =	ssyncadd.s32 $0xFFFFC000  }
0x19: {  	_ =	swait.ge [sflag:s12], $0x4000  }
0x1a: {  	[sflag:s12] =	ssyncset.done $0x0  }
0x1b: {  	[sflag:s12] =	ssyncadd.s32 $0xFFFFC000  }
0x1c: {  	_ =	swait.ge [sflag:s12], $0x4000  }
0x1d: {  	s26 =	sadd.s32 $0x1800, s13;
	s30 =	sshll.u32 s14, $0x4;
	[sflag:s12] =	ssyncset.done $0x0  }
0x1e: {  	s28 =	sadd.s32 $0x81800, s13;
	s13 =	sadd.s32 s26, s30;
	[sflag:s12] =	ssyncadd.s32 $0xFFFFC000  }
0x1f: {  	[hbm4b:s13+s4] =	stream.linear.scatter [tilespmem:s8], [sflag:$0x2], $0x8000, $0x38;
	[tilespmem:$0x10400] =	vst v63  }
0x20: {  	s14 =	simm.s32 $0x2;
	s15 =	sadd.s32 s28, s30  }
0x21: {  	[hbm4b:s15+s4] =	stream.linear.scatter [tilespmem:s9], [sflag:$0x2], $0x8000, $0x38;
	[tilespmem:$0x10400] =	vst v63  }
0x22: {  	_ =	swait.ge [sflag:s14], $0x8000  }
0x23: {  	[sflag:s14] =	ssyncset.done $0x0  }
0x24: {  	[sflag:s14] =	ssyncadd.s32 $0xFFFF8000  }
0x25: {  	_ =	swait.ge [sflag:s14], $0x8000  }
0x26: {  	[sflag:s14] =	ssyncset.done $0x0  }
0x27: {  	s16 =	simm.s32 $0x100;
	[sflag:s14] =	ssyncadd.s32 $0xFFFF8000  }
0x28: {  	[tilespmem:s8], [sflag:$0x1] =	stream.indirect.gather [hbm4b:s1+s7], $0x80, s16, s7, $0xb8;
	[tilespmem:$0x10400] =	vst v63  }
0x29: {  	_ = 	snop  }
0x2a: {  	[tilespmem:s9], [sflag:$0x1] =	stream.indirect.gather [hbm4b:s3+s7], $0x80, s16, s7, $0xb8;
	[tilespmem:$0x10400] =	vst v63  }
0x2b: {  	s17 =	simm.s32 $0x180  }
0x2c: {  	[tilespmem:s10], [sflag:$0x1] =	stream.indirect.gather [hbm4b:s1+s7], $0x80, s17, s7, $0xb8;
	[tilespmem:$0x10400] =	vst v63  }
0x2d: {  	_ = 	snop  }
0x2e: {  	[tilespmem:s11], [sflag:$0x1] =	stream.indirect.gather [hbm4b:s3+s7], $0x80, s17, s7, $0xb8;
	[tilespmem:$0x10400] =	vst v63  }
0x2f: {  	_ =	swait.ge [sflag:s12], $0x4000  }
0x30: {  	[sflag:s12] =	ssyncset.done $0x0  }
0x31: {  	[sflag:s12] =	ssyncadd.s32 $0xFFFFC000  }
0x32: {  	_ =	swait.ge [sflag:s12], $0x4000  }
0x33: {  	[sflag:s12] =	ssyncset.done $0x0  }
0x34: {  	[sflag:s12] =	ssyncadd.s32 $0xFFFFC000  }
0x35: {  	_ =	swait.ge [sflag:s12], $0x4000  }
0x36: {  	[sflag:s12] =	ssyncset.done $0x0  }
0x37: {  	[sflag:s12] =	ssyncadd.s32 $0xFFFFC000  }
0x38: {  	_ =	swait.ge [sflag:s12], $0x4000  }
0x39: {  	s19 =	sor.u32 $0x1000, s30;
	[sflag:s12] =	ssyncset.done $0x0  }
0x3a: {  	s18 =	sadd.s32 s26, s19;
	[sflag:s12] =	ssyncadd.s32 $0xFFFFC000  }
0x3b: {  	[hbm4b:s18+s4] =	stream.linear.scatter [tilespmem:s8], [sflag:$0x2], $0x8000, $0x38;
	[tilespmem:$0x10400] =	vst v63  }
0x3c: {  	s19 =	sadd.s32 s28, s19  }
0x3d: {  	[hbm4b:s19+s4] =	stream.linear.scatter [tilespmem:s9], [sflag:$0x2], $0x8000, $0x38;
	[tilespmem:$0x10400] =	vst v63  }
0x3e: {  	_ =	swait.ge [sflag:s14], $0x8000  }
0x3f: {  	[sflag:s14] =	ssyncset.done $0x0  }
0x40: {  	[sflag:s14] =	ssyncadd.s32 $0xFFFF8000  }
0x41: {  	_ =	swait.ge [sflag:s14], $0x8000  }
0x42: {  	[sflag:s14] =	ssyncset.done $0x0  }
0x43: {  	s20 =	simm.s32 $0x200;
	[sflag:s14] =	ssyncadd.s32 $0xFFFF8000  }
0x44: {  	[tilespmem:s8], [sflag:$0x1] =	stream.indirect.gather [hbm4b:s1+s7], $0x80, s20, s7, $0xb8;
	[tilespmem:$0x10400] =	vst v63  }
0x45: {  	_ = 	snop  }
0x46: {  	[tilespmem:s9], [sflag:$0x1] =	stream.indirect.gather [hbm4b:s3+s7], $0x80, s20, s7, $0xb8;
	[tilespmem:$0x10400] =	vst v63  }
0x47: {  	s21 =	simm.s32 $0x280  }
0x48: {  	[tilespmem:s10], [sflag:$0x1] =	stream.indirect.gather [hbm4b:s1+s7], $0x80, s21, s7, $0xb8;
	[tilespmem:$0x10400] =	vst v63  }
0x49: {  	_ = 	snop  }
0x4a: {  	[tilespmem:s11], [sflag:$0x1] =	stream.indirect.gather [hbm4b:s3+s7], $0x80, s21, s7, $0xb8;
	[tilespmem:$0x10400] =	vst v63  }
0x4b: {  	_ =	swait.ge [sflag:s12], $0x4000  }
0x4c: {  	[sflag:s12] =	ssyncset.done $0x0  }
0x4d: {  	[sflag:s12] =	ssyncadd.s32 $0xFFFFC000  }
0x4e: {  	_ =	swait.ge [sflag:s12], $0x4000  }
0x4f: {  	[sflag:s12] =	ssyncset.done $0x0  }
0x50: {  	[sflag:s12] =	ssyncadd.s32 $0xFFFFC000  }
0x51: {  	_ =	swait.ge [sflag:s12], $0x4000  }
0x52: {  	[sflag:s12] =	ssyncset.done $0x0  }
0x53: {  	[sflag:s12] =	ssyncadd.s32 $0xFFFFC000  }
0x54: {  	_ =	swait.ge [sflag:s12], $0x4000  }
0x55: {  	s23 =	sor.u32 $0x2000, s30;
	[sflag:s12] =	ssyncset.done $0x0  }
0x56: {  	s22 =	sadd.s32 s26, s23;
	[sflag:s12] =	ssyncadd.s32 $0xFFFFC000  }
0x57: {  	[hbm4b:s22+s4] =	stream.linear.scatter [tilespmem:s8], [sflag:$0x2], $0x8000, $0x38;
	[tilespmem:$0x10400] =	vst v63  }
0x58: {  	s23 =	sadd.s32 s28, s23  }
0x59: {  	[hbm4b:s23+s4] =	stream.linear.scatter [tilespmem:s9], [sflag:$0x2], $0x8000, $0x38;
	[tilespmem:$0x10400] =	vst v63  }
0x5a: {  	_ =	swait.ge [sflag:s14], $0x8000  }
0x5b: {  	[sflag:s14] =	ssyncset.done $0x0  }
0x5c: {  	[sflag:s14] =	ssyncadd.s32 $0xFFFF8000  }
0x5d: {  	_ =	swait.ge [sflag:s14], $0x8000  }
0x5e: {  	[sflag:s14] =	ssyncset.done $0x0  }
0x5f: {  	s24 =	simm.s32 $0x300;
	[sflag:s14] =	ssyncadd.s32 $0xFFFF8000  }
0x60: {  	[tilespmem:s8], [sflag:$0x1] =	stream.indirect.gather [hbm4b:s1+s7], $0x80, s24, s7, $0xb8;
	[tilespmem:$0x10400] =	vst v63  }
0x61: {  	_ = 	snop  }
0x62: {  	[tilespmem:s9], [sflag:$0x1] =	stream.indirect.gather [hbm4b:s3+s7], $0x80, s24, s7, $0xb8;
	[tilespmem:$0x10400] =	vst v63  }
0x63: {  	s25 =	simm.s32 $0x380  }
0x64: {  	[tilespmem:s10], [sflag:$0x1] =	stream.indirect.gather [hbm4b:s1+s7], $0x80, s25, s7, $0xb8;
	[tilespmem:$0x10400] =	vst v63  }
0x65: {  	_ = 	snop  }
0x66: {  	[tilespmem:s11], [sflag:$0x1] =	stream.indirect.gather [hbm4b:s3+s7], $0x80, s25, s7, $0xb8;
	[tilespmem:$0x10400] =	vst v63  }
0x67: {  	_ =	swait.ge [sflag:s12], $0x4000  }
0x68: {  	[sflag:s12] =	ssyncset.done $0x0  }
0x69: {  	[sflag:s12] =	ssyncadd.s32 $0xFFFFC000  }
0x6a: {  	_ =	swait.ge [sflag:s12], $0x4000  }
0x6b: {  	[sflag:s12] =	ssyncset.done $0x0  }
0x6c: {  	[sflag:s12] =	ssyncadd.s32 $0xFFFFC000  }
0x6d: {  	_ =	swait.ge [sflag:s12], $0x4000  }
0x6e: {  	[sflag:s12] =	ssyncset.done $0x0  }
0x6f: {  	s29 =	ssub.s32 $0x2, s29;
	[sflag:s12] =	ssyncadd.s32 $0xFFFFC000  }
0x70: {  	s31 =	sshrl.u32 s29, $0x1;
	_ =	swait.ge [sflag:s12], $0x4000  }
0x71: {  	s29 =	ssub.s32 s29, s31;
	s30 =	sor.u32 $0x3000, s30;
	[sflag:s12] =	ssyncset.done $0x0  }
0x72: {  	s29 =	smax.u32 s29, $0x1;
	s26 =	sadd.s32 s26, s30;
	[sflag:s12] =	ssyncadd.s32 $0xFFFFC000  }
0x73: {  	[hbm4b:s26+s4] =	stream.linear.scatter [tilespmem:s8], [sflag:$0x2], $0x8000, $0x38;
	[tilespmem:$0x10400] =	vst v63  }
0x74: {  	s28 =	sadd.s32 s28, s30;
	p0 =	sne.s32 s29, $0x1  }
0x75: {  	[hbm4b:s28+s4] =	stream.linear.scatter [tilespmem:s9], [sflag:$0x2], $0x8000, $0x38;
	[tilespmem:$0x10400] =	vst v63  }
.Ltmp0:
0x76: {  	_ =	swait.ge [sflag:s14], $0x8000;
	(pc) =	sbr.rel @!p0 .LBB2_2-.Ltmp0, $4  }
0x77: {  	[sflag:s14] =	ssyncset.done $0x0  }
0x78: {  	[sflag:s14] =	ssyncadd.s32 $0xFFFF8000  }
0x79: {  	_ =	swait.ge [sflag:s14], $0x8000  }
0x7a: {  	s29 =	sadd.s32 $0xFFFFFFFF, s29;
	[sflag:s14] =	ssyncset.done $0x0  }
.LBB2_1:
0x7b: {  	p0 =	sne.s32 s29, $0x1;
	s29 =	sadd.s32 $0xFFFFFFFF, s29;
	[sflag:s14] =	ssyncadd.s32 $0xFFFF8000  }
0x7c: {  	[tilespmem:s4], [sflag:$0x3] =	stream.linear.gather [hbm4b:s5+s4], $0x400, $0x38;
	[tilespmem:$0x10400] =	vst v63  }
0x7d: {  	_ =	swait.ge [sflag:s6], $0x400  }
0x7e: {  	[sflag:s6] =	ssyncset.done $0x0  }
0x7f: {  	[sflag:s6] =	ssyncadd.s32 $0xFFFFFC00  }
0x80: {  	[tilespmem:s8], [sflag:$0x1] =	stream.indirect.gather [hbm4b:s1+s7], $0x80, s4, s7, $0xb8;
	[tilespmem:$0x10400] =	vst v63  }
0x81: {  	_ = 	snop  }
0x82: {  	[tilespmem:s9], [sflag:$0x1] =	stream.indirect.gather [hbm4b:s3+s7], $0x80, s4, s7, $0xb8;
	[tilespmem:$0x10400] =	vst v63  }
0x83: {  	_ = 	snop  }
0x84: {  	[tilespmem:s10], [sflag:$0x1] =	stream.indirect.gather [hbm4b:s1+s7], $0x80, s7, s7, $0xb8;
	[tilespmem:$0x10400] =	vst v63  }
0x85: {  	_ = 	snop  }
0x86: {  	[tilespmem:s11], [sflag:$0x1] =	stream.indirect.gather [hbm4b:s3+s7], $0x80, s7, s7, $0xb8;
	[tilespmem:$0x10400] =	vst v63  }
0x87: {  	_ =	swait.ge [sflag:s12], $0x4000  }
0x88: {  	[sflag:s12] =	ssyncset.done $0x0  }
0x89: {  	[sflag:s12] =	ssyncadd.s32 $0xFFFFC000  }
0x8a: {  	_ =	swait.ge [sflag:s12], $0x4000  }
0x8b: {  	[sflag:s12] =	ssyncset.done $0x0  }
0x8c: {  	[sflag:s12] =	ssyncadd.s32 $0xFFFFC000  }
0x8d: {  	_ =	swait.ge [sflag:s12], $0x4000  }
0x8e: {  	[sflag:s12] =	ssyncset.done $0x0  }
0x8f: {  	[sflag:s12] =	ssyncadd.s32 $0xFFFFC000  }
0x90: {  	_ =	swait.ge [sflag:s12], $0x4000  }
0x91: {  	[sflag:s12] =	ssyncset.done $0x0  }
0x92: {  	[sflag:s12] =	ssyncadd.s32 $0xFFFFC000  }
0x93: {  	[hbm4b:s13+s4] =	stream.linear.scatter [tilespmem:s8], [sflag:$0x2], $0x8000, $0x38;
	[tilespmem:$0x10400] =	vst v63  }
0x94: {  	_ = 	snop  }
0x95: {  	[hbm4b:s15+s4] =	stream.linear.scatter [tilespmem:s9], [sflag:$0x2], $0x8000, $0x38;
	[tilespmem:$0x10400] =	vst v63  }
0x96: {  	_ =	swait.ge [sflag:s14], $0x8000  }
0x97: {  	[sflag:s14] =	ssyncset.done $0x0  }
0x98: {  	[sflag:s14] =	ssyncadd.s32 $0xFFFF8000  }
0x99: {  	_ =	swait.ge [sflag:s14], $0x8000  }
0x9a: {  	[sflag:s14] =	ssyncset.done $0x0  }
0x9b: {  	[sflag:s14] =	ssyncadd.s32 $0xFFFF8000  }
0x9c: {  	[tilespmem:s8], [sflag:$0x1] =	stream.indirect.gather [hbm4b:s1+s7], $0x80, s16, s7, $0xb8;
	[tilespmem:$0x10400] =	vst v63  }
0x9d: {  	_ = 	snop  }
0x9e: {  	[tilespmem:s9], [sflag:$0x1] =	stream.indirect.gather [hbm4b:s3+s7], $0x80, s16, s7, $0xb8;
	[tilespmem:$0x10400] =	vst v63  }
0x9f: {  	_ = 	snop  }
0xa0: {  	[tilespmem:s10], [sflag:$0x1] =	stream.indirect.gather [hbm4b:s1+s7], $0x80, s17, s7, $0xb8;
	[tilespmem:$0x10400] =	vst v63  }
0xa1: {  	_ = 	snop  }
0xa2: {  	[tilespmem:s11], [sflag:$0x1] =	stream.indirect.gather [hbm4b:s3+s7], $0x80, s17, s7, $0xb8;
	[tilespmem:$0x10400] =	vst v63  }
0xa3: {  	_ =	swait.ge [sflag:s12], $0x4000  }
0xa4: {  	[sflag:s12] =	ssyncset.done $0x0  }
0xa5: {  	[sflag:s12] =	ssyncadd.s32 $0xFFFFC000  }
0xa6: {  	_ =	swait.ge [sflag:s12], $0x4000  }
0xa7: {  	[sflag:s12] =	ssyncset.done $0x0  }
0xa8: {  	[sflag:s12] =	ssyncadd.s32 $0xFFFFC000  }
0xa9: {  	_ =	swait.ge [sflag:s12], $0x4000  }
0xaa: {  	[sflag:s12] =	ssyncset.done $0x0  }
0xab: {  	[sflag:s12] =	ssyncadd.s32 $0xFFFFC000  }
0xac: {  	_ =	swait.ge [sflag:s12], $0x4000  }
0xad: {  	[sflag:s12] =	ssyncset.done $0x0  }
0xae: {  	[sflag:s12] =	ssyncadd.s32 $0xFFFFC000  }
0xaf: {  	[hbm4b:s18+s4] =	stream.linear.scatter [tilespmem:s8], [sflag:$0x2], $0x8000, $0x38;
	[tilespmem:$0x10400] =	vst v63  }
0xb0: {  	_ = 	snop  }
0xb1: {  	[hbm4b:s19+s4] =	stream.linear.scatter [tilespmem:s9], [sflag:$0x2], $0x8000, $0x38;
	[tilespmem:$0x10400] =	vst v63  }
0xb2: {  	_ =	swait.ge [sflag:s14], $0x8000  }
0xb3: {  	[sflag:s14] =	ssyncset.done $0x0  }
0xb4: {  	[sflag:s14] =	ssyncadd.s32 $0xFFFF8000  }
0xb5: {  	_ =	swait.ge [sflag:s14], $0x8000  }
0xb6: {  	[sflag:s14] =	ssyncset.done $0x0  }
0xb7: {  	[sflag:s14] =	ssyncadd.s32 $0xFFFF8000  }
0xb8: {  	[tilespmem:s8], [sflag:$0x1] =	stream.indirect.gather [hbm4b:s1+s7], $0x80, s20, s7, $0xb8;
	[tilespmem:$0x10400] =	vst v63  }
0xb9: {  	_ = 	snop  }
0xba: {  	[tilespmem:s9], [sflag:$0x1] =	stream.indirect.gather [hbm4b:s3+s7], $0x80, s20, s7, $0xb8;
	[tilespmem:$0x10400] =	vst v63  }
0xbb: {  	_ = 	snop  }
0xbc: {  	[tilespmem:s10], [sflag:$0x1] =	stream.indirect.gather [hbm4b:s1+s7], $0x80, s21, s7, $0xb8;
	[tilespmem:$0x10400] =	vst v63  }
0xbd: {  	_ = 	snop  }
0xbe: {  	[tilespmem:s11], [sflag:$0x1] =	stream.indirect.gather [hbm4b:s3+s7], $0x80, s21, s7, $0xb8;
	[tilespmem:$0x10400] =	vst v63  }
0xbf: {  	_ =	swait.ge [sflag:s12], $0x4000  }
0xc0: {  	[sflag:s12] =	ssyncset.done $0x0  }
0xc1: {  	[sflag:s12] =	ssyncadd.s32 $0xFFFFC000  }
0xc2: {  	_ =	swait.ge [sflag:s12], $0x4000  }
0xc3: {  	[sflag:s12] =	ssyncset.done $0x0  }
0xc4: {  	[sflag:s12] =	ssyncadd.s32 $0xFFFFC000  }
0xc5: {  	_ =	swait.ge [sflag:s12], $0x4000  }
0xc6: {  	[sflag:s12] =	ssyncset.done $0x0  }
0xc7: {  	[sflag:s12] =	ssyncadd.s32 $0xFFFFC000  }
0xc8: {  	_ =	swait.ge [sflag:s12], $0x4000  }
0xc9: {  	[sflag:s12] =	ssyncset.done $0x0  }
0xca: {  	[sflag:s12] =	ssyncadd.s32 $0xFFFFC000  }
0xcb: {  	[hbm4b:s22+s4] =	stream.linear.scatter [tilespmem:s8], [sflag:$0x2], $0x8000, $0x38;
	[tilespmem:$0x10400] =	vst v63  }
0xcc: {  	_ = 	snop  }
0xcd: {  	[hbm4b:s23+s4] =	stream.linear.scatter [tilespmem:s9], [sflag:$0x2], $0x8000, $0x38;
	[tilespmem:$0x10400] =	vst v63  }
0xce: {  	_ =	swait.ge [sflag:s14], $0x8000  }
0xcf: {  	[sflag:s14] =	ssyncset.done $0x0  }
0xd0: {  	[sflag:s14] =	ssyncadd.s32 $0xFFFF8000  }
0xd1: {  	_ =	swait.ge [sflag:s14], $0x8000  }
0xd2: {  	[sflag:s14] =	ssyncset.done $0x0  }
0xd3: {  	[sflag:s14] =	ssyncadd.s32 $0xFFFF8000  }
0xd4: {  	[tilespmem:s8], [sflag:$0x1] =	stream.indirect.gather [hbm4b:s1+s7], $0x80, s24, s7, $0xb8;
	[tilespmem:$0x10400] =	vst v63  }
0xd5: {  	_ = 	snop  }
0xd6: {  	[tilespmem:s9], [sflag:$0x1] =	stream.indirect.gather [hbm4b:s3+s7], $0x80, s24, s7, $0xb8;
	[tilespmem:$0x10400] =	vst v63  }
0xd7: {  	_ = 	snop  }
0xd8: {  	[tilespmem:s10], [sflag:$0x1] =	stream.indirect.gather [hbm4b:s1+s7], $0x80, s25, s7, $0xb8;
	[tilespmem:$0x10400] =	vst v63  }
0xd9: {  	_ = 	snop  }
0xda: {  	[tilespmem:s11], [sflag:$0x1] =	stream.indirect.gather [hbm4b:s3+s7], $0x80, s25, s7, $0xb8;
	[tilespmem:$0x10400] =	vst v63  }
0xdb: {  	_ =	swait.ge [sflag:s12], $0x4000  }
0xdc: {  	[sflag:s12] =	ssyncset.done $0x0  }
0xdd: {  	[sflag:s12] =	ssyncadd.s32 $0xFFFFC000  }
0xde: {  	_ =	swait.ge [sflag:s12], $0x4000  }
0xdf: {  	[sflag:s12] =	ssyncset.done $0x0  }
0xe0: {  	[sflag:s12] =	ssyncadd.s32 $0xFFFFC000  }
0xe1: {  	_ =	swait.ge [sflag:s12], $0x4000  }
0xe2: {  	[sflag:s12] =	ssyncset.done $0x0  }
0xe3: {  	[sflag:s12] =	ssyncadd.s32 $0xFFFFC000  }
0xe4: {  	_ =	swait.ge [sflag:s12], $0x4000  }
0xe5: {  	[sflag:s12] =	ssyncset.done $0x0  }
0xe6: {  	[sflag:s12] =	ssyncadd.s32 $0xFFFFC000  }
0xe7: {  	[hbm4b:s26+s4] =	stream.linear.scatter [tilespmem:s8], [sflag:$0x2], $0x8000, $0x38;
	[tilespmem:$0x10400] =	vst v63  }
0xe8: {  	_ = 	snop  }
0xe9: {  	[hbm4b:s28+s4] =	stream.linear.scatter [tilespmem:s9], [sflag:$0x2], $0x8000, $0x38;
	[tilespmem:$0x10400] =	vst v63  }
.Ltmp1:
0xea: {  	_ =	swait.ge [sflag:s14], $0x8000;
	(pc) =	sbr.rel @p0 .LBB2_1-.Ltmp1, $4  }
0xeb: {  	[sflag:s14] =	ssyncset.done $0x0  }
0xec: {  	[sflag:s14] =	ssyncadd.s32 $0xFFFF8000  }
0xed: {  	_ =	swait.ge [sflag:s14], $0x8000  }
0xee: {  	[sflag:s14] =	ssyncset.done $0x0  }
.LBB2_2:
0xef: {  	[sflag:s14] =	ssyncadd.s32 $0xFFFF8000  }
0xf0: {  	_ =	sfence.sel $0x180000  }
0xf1: {  	[bflag:$0x0] =	sbarrier.arrive $0xFFFF  }
0xf2: {  	p0 =	sne.s32 s0, $0x0;
	_ =	strace $0x90000047  }
0xf3: {  	s0 =	sadd.s32 @!p0 $0x100000, s2;
	[bflag:$0x2] =	sbarrier.arrive $0xFFFF  }
0xf4: {  	[sflag:s0] =	ssyncadd.tile.s32 @!p0 $0x1;
	_ =	shalt  }
.Lfunc_end2:
_tile_overlayer_lowered:
.L_overlay_start_2:
0xf5: {  	(tag) =	ssettag $0x2  }
0xf6: {  	s0 =	rddreg [dreg:$0x0];
	s2 =	stileid.u32  }
0xf7: {  	s1 =	rddreg [dreg:$0x1];
	p0 =	sne.s32 s2, $0x0  }
0xf8: {  	s3 =	rddreg [dreg:$0x2];
	[bflag:$0x3] =	sbarrier.arrive $0xFFFF;
	s2 =	simm.s32 @!p0 $0x1C03  }
0xf9: {  	[timem:s3], [sflag:s2] =	dma.local @!p0 [hbm:s0], s1  }
0xfa: {  	s0 =	simm.s32 @!p0 $0x3  }
0xfb: {  	_ =	swait.ge @!p0 [sflag:s0], s1  }
0xfc: {  	s1 =	ssub.s32 @!p0 $0x0, s1;
	[sflag:s0] =	ssyncset.done @!p0 $0x0  }
0xfd: {  	[sflag:s0] =	ssyncadd.s32 @!p0 s1  }
0xfe: {  	[bflag:$0x3] =	sbarrier.arrive $0xFFFF  }
0xff: {  	_ =	shalt  }

</sc_bundles>
